<compile_context>
chip_gen: v7x
topology: tpu7x:2x2x1
jax: 0.10.2.dev20260603
libtpu: 0.0.44.dev20260713+nightly
codegen_flags: <defaults>
</compile_context>

<pallas_src>
import functools

import jax
import jax.numpy as jnp
from jax import lax
from jax.experimental import pallas as pl
from jax.experimental.pallas import tpu as pltpu
from jax.experimental.pallas import tpu_sc as plsc


def kernel(x, relative_position_bias_table, rpe_index):
    B, H, N, N2 = x.shape
    V = relative_position_bias_table.shape[0]
    L = 16
    C = 512

    tbl_flat = jnp.reshape(
        jnp.transpose(relative_position_bias_table), (-1,))
    idx = rpe_index.astype(jnp.int32)

    info = plsc.get_sparse_core_info()
    nw = info.num_cores * info.num_subcores
    rows_per_w = N // nw
    P = rows_per_w // 2

    mesh = plsc.VectorSubcoreMesh(core_axis_name="c", subcore_axis_name="s")

    @functools.partial(
        pl.kernel,
        mesh=mesh,
        out_type=jax.ShapeDtypeStruct((B, H, N, N2), jnp.float32),
        compiler_params=pltpu.CompilerParams(needs_layout_passes=False),
        scratch_types=(
            [pltpu.VMEM((H * V,), jnp.float32)]
            + [pltpu.VMEM((B, H, C), jnp.float32)] * 4
            + [pltpu.VMEM((C,), jnp.int32)] * 2
            + [pltpu.SemaphoreType.DMA] * 10
        ),
    )
    def run(x_hbm, tbl_hbm, idx_hbm, out_hbm,
            tbl_v, xb0, xb1, xb2, xb3, ib0, ib1,
            sx0, sx1, sx2, sx3, so0, so1, so2, so3, si0, si1):
        wid = lax.axis_index("s") * info.num_cores + lax.axis_index("c")
        base = wid * rows_per_w

        xb = (xb0, xb1, xb2, xb3)
        sx = (sx0, sx1, sx2, sx3)
        so = (so0, so1, so2, so3)
        ib = (ib0, ib1)
        si = (si0, si1)

        def issue_x(row, j0, k):
            pltpu.async_copy(
                x_hbm.at[:, :, row, pl.ds(j0, C)], xb[k], sx[k])

        def issue_idx(row, j0, k):
            pltpu.async_copy(idx_hbm.at[row, pl.ds(j0, C)], ib[k], si[k])

        def substep(p, s):
            row = base + 2 * p + (s // 2)
            j0 = (s % 2) * C
            kx = s
            ki = s % 2

            def wait_prev_out():
                pltpu.make_async_copy(
                    xb[(s + 2) % 4],
                    out_hbm.at[:, :, row - 1, pl.ds(j0, C)],
                    so[(s + 2) % 4]).wait()

            if s >= 2:
                wait_prev_out()
            else:
                @pl.when(p >= 1)
                def _():
                    wait_prev_out()

            if s < 2:
                issue_x(row + 1, j0, (s + 2) % 4)
            else:
                @pl.when(p < P - 1)
                def _():
                    issue_x(row + 1, j0, (s + 2) % 4)

            nrow = row if s in (0, 2) else row + 1
            nj0 = C if s in (0, 2) else 0
            if s == 3:
                @pl.when(p < P - 1)
                def _():
                    issue_idx(nrow, nj0, (s + 1) % 2)
            else:
                issue_idx(nrow, nj0, (s + 1) % 2)

            pltpu.make_async_copy(
                idx_hbm.at[row, pl.ds(j0, C)], ib[ki], si[ki]).wait()
            pltpu.make_async_copy(
                x_hbm.at[:, :, row, pl.ds(j0, C)], xb[kx], sx[kx]).wait()

            @plsc.parallel_loop(0, C // L, 1, unroll=1)
            def _(v):
                start = pl.multiple_of(v * L, L)
                iv = ib[ki][pl.ds(start, L)]
                for h in range(H):
                    bias = plsc.load_gather(tbl_v, [iv + h * V])
                    for b in range(B):
                        plsc.addupdate(
                            xb[kx].at[b, h, pl.ds(start, L)], bias)

            pltpu.async_copy(
                xb[kx], out_hbm.at[:, :, row, pl.ds(j0, C)], so[kx])

        issue_x(base, 0, 0)
        issue_x(base, C, 1)
        issue_idx(base, 0, 0)
        pltpu.sync_copy(tbl_hbm, tbl_v)

        def group_body(p, carry):
            for s in range(4):
                substep(p, s)
            return carry

        lax.fori_loop(0, P, group_body, 0)

        last = base + rows_per_w - 1
        for k, j0 in ((2, 0), (3, C)):
            pltpu.make_async_copy(
                xb[k], out_hbm.at[:, :, last, pl.ds(j0, C)], so[k]).wait()

    return run(x, tbl_flat, idx)

# --- scband reference (transcript-rebuilt; emitter-appended) ---
"""Pipeline reference for scband-relative-position-bias-16449724744496 (READ-ONLY COPY).

The authoritative reference and input builder live on the scoring server;
editing this copy changes nothing except your own understanding.
"""

import jax, jax.numpy as jnp
import numpy as np

INPUT_SIZE = 32
NUM_HEADS = 16


def get_relative_position_index(input_size):
    coords_h = np.arange(input_size)
    coords_w = np.arange(input_size)
    coords = np.stack(np.meshgrid(coords_h, coords_w, indexing='ij'))
    coords_flatten = np.reshape(coords, (2, -1))
    coords = coords_flatten[:, :, None] - coords_flatten[:, None, :]
    coords = np.transpose(coords, (1, 2, 0))
    coords[:, :, 0] = coords[:, :, 0] + (input_size - 1)
    coords[:, :, 1] = coords[:, :, 1] + (input_size - 1)
    coords[:, :, 0] = coords[:, :, 0] * (2 * input_size - 1)
    position_index = np.sum(coords, axis=-1)
    return position_index


def setup_inputs(seed: int = 0) -> dict:
    key = jax.random.key(seed)
    k1, k2 = jax.random.split(key)
    N = INPUT_SIZE ** 2
    x = jax.random.normal(k1, (2, NUM_HEADS, N, N), dtype=jnp.float32)
    table_rows = (2 * INPUT_SIZE - 1) * (2 * INPUT_SIZE - 1)
    relative_position_bias_table = (
        jax.random.truncated_normal(k2, -2.0, 2.0, (table_rows, NUM_HEADS), dtype=jnp.float32) * 0.02
    )
    rpe_index = jnp.asarray(get_relative_position_index(INPUT_SIZE), dtype=jnp.int32)
    return {
        'x': x,
        'relative_position_bias_table': relative_position_bias_table,
        'rpe_index': rpe_index,
    }


def reference(x, relative_position_bias_table, rpe_index):
    N = INPUT_SIZE ** 2
    idx = jnp.reshape(rpe_index, (-1,))
    relative_position_bias = jnp.take(relative_position_bias_table, idx, axis=0)
    relative_position_bias = jnp.reshape(relative_position_bias, (N, N, -1))
    relative_position_bias = jnp.transpose(relative_position_bias, (2, 0, 1))
    relative_position_bias = jnp.expand_dims(relative_position_bias, 0)
    return x + relative_position_bias

if __name__ == "__main__":
    import jax
    _d = setup_inputs()
    print(jax.jit(kernel)(*tuple(_d.values())))

</pallas_src>

<mosaic_0001>
#map = affine_map<(d0, d1) -> (0, 0, 0, 0)>
#map1 = affine_map<(d0, d1) -> (0)>
#map2 = affine_map<(d0, d1) -> (0, 0)>
module attributes {stable_mosaic.version = 14 : i64} {
  func.func @run(%arg0: i32, %arg1: i32, %arg2: memref<2x16x1024x1024xf32, #tpu.memory_space<hbm>>, %arg3: memref<63504xf32, #tpu.memory_space<hbm>>, %arg4: memref<1024x1024xi32, #tpu.memory_space<hbm>>, %arg5: memref<2x16x1024x1024xf32, #tpu.memory_space<hbm>>, %arg6: memref<63504xf32, #tpu.memory_space<vmem>>, %arg7: memref<2x16x512xf32, #tpu.memory_space<vmem>>, %arg8: memref<2x16x512xf32, #tpu.memory_space<vmem>>, %arg9: memref<2x16x512xf32, #tpu.memory_space<vmem>>, %arg10: memref<2x16x512xf32, #tpu.memory_space<vmem>>, %arg11: memref<512xi32, #tpu.memory_space<vmem>>, %arg12: memref<512xi32, #tpu.memory_space<vmem>>, %arg13: memref<!tpu.dma_semaphore, #tpu.memory_space<semaphore_mem>>, %arg14: memref<!tpu.dma_semaphore, #tpu.memory_space<semaphore_mem>>, %arg15: memref<!tpu.dma_semaphore, #tpu.memory_space<semaphore_mem>>, %arg16: memref<!tpu.dma_semaphore, #tpu.memory_space<semaphore_mem>>, %arg17: memref<!tpu.dma_semaphore, #tpu.memory_space<semaphore_mem>>, %arg18: memref<!tpu.dma_semaphore, #tpu.memory_space<semaphore_mem>>, %arg19: memref<!tpu.dma_semaphore, #tpu.memory_space<semaphore_mem>>, %arg20: memref<!tpu.dma_semaphore, #tpu.memory_space<semaphore_mem>>, %arg21: memref<!tpu.dma_semaphore, #tpu.memory_space<semaphore_mem>>, %arg22: memref<!tpu.dma_semaphore, #tpu.memory_space<semaphore_mem>>) attributes {dimension_semantics = [#tpu.dimension_semantics<core_parallel>, #tpu.dimension_semantics<subcore_parallel>], iteration_bounds = array<i64: 2, 16>, scalar_prefetch = 0 : i64, scratch_operands = 17 : i64, tpu.core_type = #tpu.core_type<sc_vector_subcore>, window_params = [{transform_indices = #map}, {transform_indices = #map1}, {transform_indices = #map2}, {transform_indices = #map}]} {
    %mul3A = arith.constant 2 : i32
    %mul3A_0 = arith.muli %arg1, %mul3A : i32
    %add3A = arith.addi %mul3A_0, %arg0 : i32
    %mul3A_1 = arith.constant 32 : i32
    %mul3A_2 = arith.muli %add3A, %mul3A_1 : i32
    %dma_start3A = arith.constant 0 : i32
    %dma_start3A_3 = arith.constant 0 : i32
    %dma_start3A_4 = arith.constant 0 : i32
    %dma_start3A_5 = tpu.memref_slice %arg2[%dma_start3A, %dma_start3A_3, %mul3A_2, %dma_start3A_4] : memref<2x16x1024x1024xf32, #tpu.memory_space<hbm>> -> memref<2x16x1x512xf32, #tpu.memory_space<hbm>>
    %dma_start3A_6 = tpu.memref_squeeze %dma_start3A_5 : memref<2x16x1x512xf32, #tpu.memory_space<hbm>> -> memref<2x16x512xf32, #tpu.memory_space<hbm>>
    %dma_start3A_7 = arith.constant 0 : i32
    %dma_start3A_8 = arith.constant 0 : i32
    %dma_start3A_9 = arith.constant 0 : i32
    %dma_start3A_10 = tpu.memref_slice %arg2[%dma_start3A_7, %dma_start3A_8, %mul3A_2, %dma_start3A_9] : memref<2x16x1024x1024xf32, #tpu.memory_space<hbm>> -> memref<2x16x1x512xf32, #tpu.memory_space<hbm>>
    %dma_start3A_11 = tpu.memref_squeeze %dma_start3A_10 : memref<2x16x1x512xf32, #tpu.memory_space<hbm>> -> memref<2x16x512xf32, #tpu.memory_space<hbm>>
    tpu.enqueue_dma source(%dma_start3A_11 : memref<2x16x512xf32, #tpu.memory_space<hbm>>) target(%arg7 : memref<2x16x512xf32, #tpu.memory_space<vmem>>) target_semaphore(%arg13 : memref<!tpu.dma_semaphore, #tpu.memory_space<semaphore_mem>>)
    %dma_start3A_12 = arith.constant 0 : i32
    %dma_start3A_13 = arith.constant 0 : i32
    %dma_start3A_14 = arith.constant 512 : i32
    %dma_start3A_15 = tpu.memref_slice %arg2[%dma_start3A_12, %dma_start3A_13, %mul3A_2, %dma_start3A_14] : memref<2x16x1024x1024xf32, #tpu.memory_space<hbm>> -> memref<2x16x1x512xf32, #tpu.memory_space<hbm>>
    %dma_start3A_16 = tpu.memref_squeeze %dma_start3A_15 : memref<2x16x1x512xf32, #tpu.memory_space<hbm>> -> memref<2x16x512xf32, #tpu.memory_space<hbm>>
    %dma_start3A_17 = arith.constant 0 : i32
    %dma_start3A_18 = arith.constant 0 : i32
    %dma_start3A_19 = arith.constant 512 : i32
    %dma_start3A_20 = tpu.memref_slice %arg2[%dma_start3A_17, %dma_start3A_18, %mul3A_2, %dma_start3A_19] : memref<2x16x1024x1024xf32, #tpu.memory_space<hbm>> -> memref<2x16x1x512xf32, #tpu.memory_space<hbm>>
    %dma_start3A_21 = tpu.memref_squeeze %dma_start3A_20 : memref<2x16x1x512xf32, #tpu.memory_space<hbm>> -> memref<2x16x512xf32, #tpu.memory_space<hbm>>
    tpu.enqueue_dma source(%dma_start3A_21 : memref<2x16x512xf32, #tpu.memory_space<hbm>>) target(%arg8 : memref<2x16x512xf32, #tpu.memory_space<vmem>>) target_semaphore(%arg14 : memref<!tpu.dma_semaphore, #tpu.memory_space<semaphore_mem>>)
    %dma_start3A_22 = arith.constant 0 : i32
    %dma_start3A_23 = tpu.memref_slice %arg4[%mul3A_2, %dma_start3A_22] : memref<1024x1024xi32, #tpu.memory_space<hbm>> -> memref<1x512xi32, #tpu.memory_space<hbm>>
    %dma_start3A_24 = tpu.memref_squeeze %dma_start3A_23 : memref<1x512xi32, #tpu.memory_space<hbm>> -> memref<512xi32, #tpu.memory_space<hbm>>
    %dma_start3A_25 = arith.constant 0 : i32
    %dma_start3A_26 = tpu.memref_slice %arg4[%mul3A_2, %dma_start3A_25] : memref<1024x1024xi32, #tpu.memory_space<hbm>> -> memref<1x512xi32, #tpu.memory_space<hbm>>
    %dma_start3A_27 = tpu.memref_squeeze %dma_start3A_26 : memref<1x512xi32, #tpu.memory_space<hbm>> -> memref<512xi32, #tpu.memory_space<hbm>>
    tpu.enqueue_dma source(%dma_start3A_27 : memref<512xi32, #tpu.memory_space<hbm>>) target(%arg11 : memref<512xi32, #tpu.memory_space<vmem>>) target_semaphore(%arg21 : memref<!tpu.dma_semaphore, #tpu.memory_space<semaphore_mem>>)
    "tpu.region"() ({
      %run_scoped3A = tpu.sem_alloc : memref<!tpu.dma_semaphore, #tpu.memory_space<semaphore_mem>>
      tpu.enqueue_dma source(%arg3 : memref<63504xf32, #tpu.memory_space<hbm>>) target(%arg6 : memref<63504xf32, #tpu.memory_space<vmem>>) target_semaphore(%run_scoped3A : memref<!tpu.dma_semaphore, #tpu.memory_space<semaphore_mem>>)
      tpu.wait_dma2 semaphore(%run_scoped3A : memref<!tpu.dma_semaphore, #tpu.memory_space<semaphore_mem>>) src(%arg3 : memref<63504xf32, #tpu.memory_space<hbm>>) dst(%arg6 : memref<63504xf32, #tpu.memory_space<vmem>>)
      tpu.yield
    }) : () -> ()
    %scan3A = arith.constant 0 : i32
    %scan3A_28 = arith.constant 0 : i32
    %scan3A_29 = arith.constant 16 : i32
    %scan3A_30 = arith.addi %scan3A_28, %scan3A_29 : i32
    %scan3A_31 = arith.constant 1 : i32
    scf.for %scan3A_55 = %scan3A_28 to %scan3A_30 step %scan3A_31  : i32 {
      %mul3A_56 = arith.constant 2 : i32
      %mul3A_57 = arith.muli %mul3A_56, %scan3A_55 : i32
      %add3A_58 = arith.addi %mul3A_2, %mul3A_57 : i32
      %add3A_59 = arith.constant 0 : i32
      %add3A_60 = arith.addi %add3A_58, %add3A_59 : i32
      %ge3A = arith.constant 1 : i32
      %ge3A_61 = arith.cmpi sge, %scan3A_55, %ge3A : i32
      %convert_element_type3A = arith.extui %ge3A_61 : i1 to i32
      %cond3A = arith.constant 0 : i32
      %cond3A_62 = arith.cmpi ne, %convert_element_type3A, %cond3A : i32
      scf.if %cond3A_62 {
        %sub3A_282 = arith.constant 1 : i32
        %sub3A_283 = arith.subi %add3A_60, %sub3A_282 : i32
        %dma_wait3A_284 = arith.constant 0 : i32
        %dma_wait3A_285 = arith.constant 0 : i32
        %dma_wait3A_286 = arith.constant 0 : i32
        %dma_wait3A_287 = tpu.memref_slice %arg5[%dma_wait3A_284, %dma_wait3A_285, %sub3A_283, %dma_wait3A_286] : memref<2x16x1024x1024xf32, #tpu.memory_space<hbm>> -> memref<2x16x1x512xf32, #tpu.memory_space<hbm>>
        %dma_wait3A_288 = tpu.memref_squeeze %dma_wait3A_287 : memref<2x16x1x512xf32, #tpu.memory_space<hbm>> -> memref<2x16x512xf32, #tpu.memory_space<hbm>>
        %dma_wait3A_289 = arith.constant 0 : i32
        %dma_wait3A_290 = arith.constant 0 : i32
        %dma_wait3A_291 = arith.constant 0 : i32
        %dma_wait3A_292 = tpu.memref_slice %arg5[%dma_wait3A_289, %dma_wait3A_290, %sub3A_283, %dma_wait3A_291] : memref<2x16x1024x1024xf32, #tpu.memory_space<hbm>> -> memref<2x16x1x512xf32, #tpu.memory_space<hbm>>
        %dma_wait3A_293 = tpu.memref_squeeze %dma_wait3A_292 : memref<2x16x1x512xf32, #tpu.memory_space<hbm>> -> memref<2x16x512xf32, #tpu.memory_space<hbm>>
        tpu.wait_dma2 semaphore(%arg19 : memref<!tpu.dma_semaphore, #tpu.memory_space<semaphore_mem>>) src(%arg9 : memref<2x16x512xf32, #tpu.memory_space<vmem>>) dst(%dma_wait3A_293 : memref<2x16x512xf32, #tpu.memory_space<hbm>>)
      } else {
      }
      %add3A_63 = arith.constant 1 : i32
      %add3A_64 = arith.addi %add3A_60, %add3A_63 : i32
      %dma_start3A_65 = arith.constant 0 : i32
      %dma_start3A_66 = arith.constant 0 : i32
      %dma_start3A_67 = arith.constant 0 : i32
      %dma_start3A_68 = tpu.memref_slice %arg2[%dma_start3A_65, %dma_start3A_66, %add3A_64, %dma_start3A_67] : memref<2x16x1024x1024xf32, #tpu.memory_space<hbm>> -> memref<2x16x1x512xf32, #tpu.memory_space<hbm>>
      %dma_start3A_69 = tpu.memref_squeeze %dma_start3A_68 : memref<2x16x1x512xf32, #tpu.memory_space<hbm>> -> memref<2x16x512xf32, #tpu.memory_space<hbm>>
      %dma_start3A_70 = arith.constant 0 : i32
      %dma_start3A_71 = arith.constant 0 : i32
      %dma_start3A_72 = arith.constant 0 : i32
      %dma_start3A_73 = tpu.memref_slice %arg2[%dma_start3A_70, %dma_start3A_71, %add3A_64, %dma_start3A_72] : memref<2x16x1024x1024xf32, #tpu.memory_space<hbm>> -> memref<2x16x1x512xf32, #tpu.memory_space<hbm>>
      %dma_start3A_74 = tpu.memref_squeeze %dma_start3A_73 : memref<2x16x1x512xf32, #tpu.memory_space<hbm>> -> memref<2x16x512xf32, #tpu.memory_space<hbm>>
      tpu.enqueue_dma source(%dma_start3A_74 : memref<2x16x512xf32, #tpu.memory_space<hbm>>) target(%arg9 : memref<2x16x512xf32, #tpu.memory_space<vmem>>) target_semaphore(%arg15 : memref<!tpu.dma_semaphore, #tpu.memory_space<semaphore_mem>>)
      %dma_start3A_75 = arith.constant 512 : i32
      %dma_start3A_76 = tpu.memref_slice %arg4[%add3A_60, %dma_start3A_75] : memref<1024x1024xi32, #tpu.memory_space<hbm>> -> memref<1x512xi32, #tpu.memory_space<hbm>>
      %dma_start3A_77 = tpu.memref_squeeze %dma_start3A_76 : memref<1x512xi32, #tpu.memory_space<hbm>> -> memref<512xi32, #tpu.memory_space<hbm>>
      %dma_start3A_78 = arith.constant 512 : i32
      %dma_start3A_79 = tpu.memref_slice %arg4[%add3A_60, %dma_start3A_78] : memref<1024x1024xi32, #tpu.memory_space<hbm>> -> memref<1x512xi32, #tpu.memory_space<hbm>>
      %dma_start3A_80 = tpu.memref_squeeze %dma_start3A_79 : memref<1x512xi32, #tpu.memory_space<hbm>> -> memref<512xi32, #tpu.memory_space<hbm>>
      tpu.enqueue_dma source(%dma_start3A_80 : memref<512xi32, #tpu.memory_space<hbm>>) target(%arg12 : memref<512xi32, #tpu.memory_space<vmem>>) target_semaphore(%arg22 : memref<!tpu.dma_semaphore, #tpu.memory_space<semaphore_mem>>)
      %dma_wait3A_81 = arith.constant 0 : i32
      %dma_wait3A_82 = tpu.memref_slice %arg4[%add3A_60, %dma_wait3A_81] : memref<1024x1024xi32, #tpu.memory_space<hbm>> -> memref<1x512xi32, #tpu.memory_space<hbm>>
      %dma_wait3A_83 = tpu.memref_squeeze %dma_wait3A_82 : memref<1x512xi32, #tpu.memory_space<hbm>> -> memref<512xi32, #tpu.memory_space<hbm>>
      %dma_wait3A_84 = arith.constant 0 : i32
      %dma_wait3A_85 = tpu.memref_slice %arg4[%add3A_60, %dma_wait3A_84] : memref<1024x1024xi32, #tpu.memory_space<hbm>> -> memref<1x512xi32, #tpu.memory_space<hbm>>
      %dma_wait3A_86 = tpu.memref_squeeze %dma_wait3A_85 : memref<1x512xi32, #tpu.memory_space<hbm>> -> memref<512xi32, #tpu.memory_space<hbm>>
      tpu.wait_dma2 semaphore(%arg21 : memref<!tpu.dma_semaphore, #tpu.memory_space<semaphore_mem>>) src(%dma_wait3A_86 : memref<512xi32, #tpu.memory_space<hbm>>) dst(%arg11 : memref<512xi32, #tpu.memory_space<vmem>>)
      %dma_wait3A_87 = arith.constant 0 : i32
      %dma_wait3A_88 = arith.constant 0 : i32
      %dma_wait3A_89 = arith.constant 0 : i32
      %dma_wait3A_90 = tpu.memref_slice %arg2[%dma_wait3A_87, %dma_wait3A_88, %add3A_60, %dma_wait3A_89] : memref<2x16x1024x1024xf32, #tpu.memory_space<hbm>> -> memref<2x16x1x512xf32, #tpu.memory_space<hbm>>
      %dma_wait3A_91 = tpu.memref_squeeze %dma_wait3A_90 : memref<2x16x1x512xf32, #tpu.memory_space<hbm>> -> memref<2x16x512xf32, #tpu.memory_space<hbm>>
      %dma_wait3A_92 = arith.constant 0 : i32
      %dma_wait3A_93 = arith.constant 0 : i32
      %dma_wait3A_94 = arith.constant 0 : i32
      %dma_wait3A_95 = tpu.memref_slice %arg2[%dma_wait3A_92, %dma_wait3A_93, %add3A_60, %dma_wait3A_94] : memref<2x16x1024x1024xf32, #tpu.memory_space<hbm>> -> memref<2x16x1x512xf32, #tpu.memory_space<hbm>>
      %dma_wait3A_96 = tpu.memref_squeeze %dma_wait3A_95 : memref<2x16x1x512xf32, #tpu.memory_space<hbm>> -> memref<2x16x512xf32, #tpu.memory_space<hbm>>
      tpu.wait_dma2 semaphore(%arg13 : memref<!tpu.dma_semaphore, #tpu.memory_space<semaphore_mem>>) src(%dma_wait3A_96 : memref<2x16x512xf32, #tpu.memory_space<hbm>>) dst(%arg7 : memref<2x16x512xf32, #tpu.memory_space<vmem>>)
      %parallel_loop3A = arith.constant 0 : i32
      %parallel_loop3A_97 = arith.constant 32 : i32
      %parallel_loop3A_98 = arith.constant 1 : i32
      scf.for %parallel_loop3A_282 = %parallel_loop3A to %parallel_loop3A_97 step %parallel_loop3A_98  : i32 {
        %parallel_loop3A_283 = arith.constant 16 : i32
        %parallel_loop3A_284 = arith.muli %parallel_loop3A_282, %parallel_loop3A_283 : i32
        %parallel_loop3A_285 = tpu.assume_multiple %parallel_loop3A_284, 16 : i32
        %parallel_loop3A_286 = arith.index_cast %parallel_loop3A_285 : i32 to index
        %parallel_loop3A_287 = tpu.vector_load %arg11[%parallel_loop3A_286] {strides = array<i32>} : memref<512xi32, #tpu.memory_space<vmem>>, vector<16xi32>,
        %parallel_loop3A_288 = arith.constant 0 : i32
        %parallel_loop3A_289 = vector.broadcast %parallel_loop3A_288 : i32 to vector<16xi32>
        %parallel_loop3A_290 = arith.addi %parallel_loop3A_287, %parallel_loop3A_289 : vector<16xi32>
        %parallel_loop3A_291 = tpu.vector_load_idx %arg6[%parallel_loop3A_290] : memref<63504xf32, #tpu.memory_space<vmem>>[vector<16xi32>], vector<16xf32>,
        %parallel_loop3A_292 = arith.constant 0 : i32
        %parallel_loop3A_293 = arith.constant 0 : i32
        %parallel_loop3A_294 = arith.index_cast %parallel_loop3A_292 : i32 to index
        %parallel_loop3A_295 = arith.index_cast %parallel_loop3A_293 : i32 to index
        %parallel_loop3A_296 = arith.index_cast %parallel_loop3A_285 : i32 to index
        %parallel_loop3A_297 = tpu.vector_load %arg7[%parallel_loop3A_294, %parallel_loop3A_295, %parallel_loop3A_296] {strides = array<i32>} : memref<2x16x512xf32, #tpu.memory_space<vmem>>, vector<16xf32>,
        tpu.vector_store %arg7[%parallel_loop3A_294, %parallel_loop3A_295, %parallel_loop3A_296], %parallel_loop3A_291 {add = true, strides = array<i32>} : memref<2x16x512xf32, #tpu.memory_space<vmem>>, vector<16xf32>,
        %parallel_loop3A_298 = arith.constant 1 : i32
        %parallel_loop3A_299 = arith.constant 0 : i32
        %parallel_loop3A_300 = arith.index_cast %parallel_loop3A_298 : i32 to index
        %parallel_loop3A_301 = arith.index_cast %parallel_loop3A_299 : i32 to index
        %parallel_loop3A_302 = arith.index_cast %parallel_loop3A_285 : i32 to index
        %parallel_loop3A_303 = tpu.vector_load %arg7[%parallel_loop3A_300, %parallel_loop3A_301, %parallel_loop3A_302] {strides = array<i32>} : memref<2x16x512xf32, #tpu.memory_space<vmem>>, vector<16xf32>,
        tpu.vector_store %arg7[%parallel_loop3A_300, %parallel_loop3A_301, %parallel_loop3A_302], %parallel_loop3A_291 {add = true, strides = array<i32>} : memref<2x16x512xf32, #tpu.memory_space<vmem>>, vector<16xf32>,
        %parallel_loop3A_304 = arith.constant 3969 : i32
        %parallel_loop3A_305 = vector.broadcast %parallel_loop3A_304 : i32 to vector<16xi32>
        %parallel_loop3A_306 = arith.addi %parallel_loop3A_287, %parallel_loop3A_305 : vector<16xi32>
        %parallel_loop3A_307 = tpu.vector_load_idx %arg6[%parallel_loop3A_306] : memref<63504xf32, #tpu.memory_space<vmem>>[vector<16xi32>], vector<16xf32>,
        %parallel_loop3A_308 = arith.constant 0 : i32
        %parallel_loop3A_309 = arith.constant 1 : i32
        %parallel_loop3A_310 = arith.index_cast %parallel_loop3A_308 : i32 to index
        %parallel_loop3A_311 = arith.index_cast %parallel_loop3A_309 : i32 to index
        %parallel_loop3A_312 = arith.index_cast %parallel_loop3A_285 : i32 to index
        %parallel_loop3A_313 = tpu.vector_load %arg7[%parallel_loop3A_310, %parallel_loop3A_311, %parallel_loop3A_312] {strides = array<i32>} : memref<2x16x512xf32, #tpu.memory_space<vmem>>, vector<16xf32>,
        tpu.vector_store %arg7[%parallel_loop3A_310, %parallel_loop3A_311, %parallel_loop3A_312], %parallel_loop3A_307 {add = true, strides = array<i32>} : memref<2x16x512xf32, #tpu.memory_space<vmem>>, vector<16xf32>,
        %parallel_loop3A_314 = arith.constant 1 : i32
        %parallel_loop3A_315 = arith.constant 1 : i32
        %parallel_loop3A_316 = arith.index_cast %parallel_loop3A_314 : i32 to index
        %parallel_loop3A_317 = arith.index_cast %parallel_loop3A_315 : i32 to index
        %parallel_loop3A_318 = arith.index_cast %parallel_loop3A_285 : i32 to index
        %parallel_loop3A_319 = tpu.vector_load %arg7[%parallel_loop3A_316, %parallel_loop3A_317, %parallel_loop3A_318] {strides = array<i32>} : memref<2x16x512xf32, #tpu.memory_space<vmem>>, vector<16xf32>,
        tpu.vector_store %arg7[%parallel_loop3A_316, %parallel_loop3A_317, %parallel_loop3A_318], %parallel_loop3A_307 {add = true, strides = array<i32>} : memref<2x16x512xf32, #tpu.memory_space<vmem>>, vector<16xf32>,
        %parallel_loop3A_320 = arith.constant 7938 : i32
        %parallel_loop3A_321 = vector.broadcast %parallel_loop3A_320 : i32 to vector<16xi32>
        %parallel_loop3A_322 = arith.addi %parallel_loop3A_287, %parallel_loop3A_321 : vector<16xi32>
        %parallel_loop3A_323 = tpu.vector_load_idx %arg6[%parallel_loop3A_322] : memref<63504xf32, #tpu.memory_space<vmem>>[vector<16xi32>], vector<16xf32>,
        %parallel_loop3A_324 = arith.constant 0 : i32
        %parallel_loop3A_325 = arith.constant 2 : i32
        %parallel_loop3A_326 = arith.index_cast %parallel_loop3A_324 : i32 to index
        %parallel_loop3A_327 = arith.index_cast %parallel_loop3A_325 : i32 to index
        %parallel_loop3A_328 = arith.index_cast %parallel_loop3A_285 : i32 to index
        %parallel_loop3A_329 = tpu.vector_load %arg7[%parallel_loop3A_326, %parallel_loop3A_327, %parallel_loop3A_328] {strides = array<i32>} : memref<2x16x512xf32, #tpu.memory_space<vmem>>, vector<16xf32>,
        tpu.vector_store %arg7[%parallel_loop3A_326, %parallel_loop3A_327, %parallel_loop3A_328], %parallel_loop3A_323 {add = true, strides = array<i32>} : memref<2x16x512xf32, #tpu.memory_space<vmem>>, vector<16xf32>,
        %parallel_loop3A_330 = arith.constant 1 : i32
        %parallel_loop3A_331 = arith.constant 2 : i32
        %parallel_loop3A_332 = arith.index_cast %parallel_loop3A_330 : i32 to index
        %parallel_loop3A_333 = arith.index_cast %parallel_loop3A_331 : i32 to index
        %parallel_loop3A_334 = arith.index_cast %parallel_loop3A_285 : i32 to index
        %parallel_loop3A_335 = tpu.vector_load %arg7[%parallel_loop3A_332, %parallel_loop3A_333, %parallel_loop3A_334] {strides = array<i32>} : memref<2x16x512xf32, #tpu.memory_space<vmem>>, vector<16xf32>,
        tpu.vector_store %arg7[%parallel_loop3A_332, %parallel_loop3A_333, %parallel_loop3A_334], %parallel_loop3A_323 {add = true, strides = array<i32>} : memref<2x16x512xf32, #tpu.memory_space<vmem>>, vector<16xf32>,
        %parallel_loop3A_336 = arith.constant 11907 : i32
        %parallel_loop3A_337 = vector.broadcast %parallel_loop3A_336 : i32 to vector<16xi32>
        %parallel_loop3A_338 = arith.addi %parallel_loop3A_287, %parallel_loop3A_337 : vector<16xi32>
        %parallel_loop3A_339 = tpu.vector_load_idx %arg6[%parallel_loop3A_338] : memref<63504xf32, #tpu.memory_space<vmem>>[vector<16xi32>], vector<16xf32>,
        %parallel_loop3A_340 = arith.constant 0 : i32
        %parallel_loop3A_341 = arith.constant 3 : i32
        %parallel_loop3A_342 = arith.index_cast %parallel_loop3A_340 : i32 to index
        %parallel_loop3A_343 = arith.index_cast %parallel_loop3A_341 : i32 to index
        %parallel_loop3A_344 = arith.index_cast %parallel_loop3A_285 : i32 to index
        %parallel_loop3A_345 = tpu.vector_load %arg7[%parallel_loop3A_342, %parallel_loop3A_343, %parallel_loop3A_344] {strides = array<i32>} : memref<2x16x512xf32, #tpu.memory_space<vmem>>, vector<16xf32>,
        tpu.vector_store %arg7[%parallel_loop3A_342, %parallel_loop3A_343, %parallel_loop3A_344], %parallel_loop3A_339 {add = true, strides = array<i32>} : memref<2x16x512xf32, #tpu.memory_space<vmem>>, vector<16xf32>,
        %parallel_loop3A_346 = arith.constant 1 : i32
        %parallel_loop3A_347 = arith.constant 3 : i32
        %parallel_loop3A_348 = arith.index_cast %parallel_loop3A_346 : i32 to index
        %parallel_loop3A_349 = arith.index_cast %parallel_loop3A_347 : i32 to index
        %parallel_loop3A_350 = arith.index_cast %parallel_loop3A_285 : i32 to index
        %parallel_loop3A_351 = tpu.vector_load %arg7[%parallel_loop3A_348, %parallel_loop3A_349, %parallel_loop3A_350] {strides = array<i32>} : memref<2x16x512xf32, #tpu.memory_space<vmem>>, vector<16xf32>,
        tpu.vector_store %arg7[%parallel_loop3A_348, %parallel_loop3A_349, %parallel_loop3A_350], %parallel_loop3A_339 {add = true, strides = array<i32>} : memref<2x16x512xf32, #tpu.memory_space<vmem>>, vector<16xf32>,
        %parallel_loop3A_352 = arith.constant 15876 : i32
        %parallel_loop3A_353 = vector.broadcast %parallel_loop3A_352 : i32 to vector<16xi32>
        %parallel_loop3A_354 = arith.addi %parallel_loop3A_287, %parallel_loop3A_353 : vector<16xi32>
        %parallel_loop3A_355 = tpu.vector_load_idx %arg6[%parallel_loop3A_354] : memref<63504xf32, #tpu.memory_space<vmem>>[vector<16xi32>], vector<16xf32>,
        %parallel_loop3A_356 = arith.constant 0 : i32
        %parallel_loop3A_357 = arith.constant 4 : i32
        %parallel_loop3A_358 = arith.index_cast %parallel_loop3A_356 : i32 to index
        %parallel_loop3A_359 = arith.index_cast %parallel_loop3A_357 : i32 to index
        %parallel_loop3A_360 = arith.index_cast %parallel_loop3A_285 : i32 to index
        %parallel_loop3A_361 = tpu.vector_load %arg7[%parallel_loop3A_358, %parallel_loop3A_359, %parallel_loop3A_360] {strides = array<i32>} : memref<2x16x512xf32, #tpu.memory_space<vmem>>, vector<16xf32>,
        tpu.vector_store %arg7[%parallel_loop3A_358, %parallel_loop3A_359, %parallel_loop3A_360], %parallel_loop3A_355 {add = true, strides = array<i32>} : memref<2x16x512xf32, #tpu.memory_space<vmem>>, vector<16xf32>,
        %parallel_loop3A_362 = arith.constant 1 : i32
        %parallel_loop3A_363 = arith.constant 4 : i32
        %parallel_loop3A_364 = arith.index_cast %parallel_loop3A_362 : i32 to index
        %parallel_loop3A_365 = arith.index_cast %parallel_loop3A_363 : i32 to index
        %parallel_loop3A_366 = arith.index_cast %parallel_loop3A_285 : i32 to index
        %parallel_loop3A_367 = tpu.vector_load %arg7[%parallel_loop3A_364, %parallel_loop3A_365, %parallel_loop3A_366] {strides = array<i32>} : memref<2x16x512xf32, #tpu.memory_space<vmem>>, vector<16xf32>,
        tpu.vector_store %arg7[%parallel_loop3A_364, %parallel_loop3A_365, %parallel_loop3A_366], %parallel_loop3A_355 {add = true, strides = array<i32>} : memref<2x16x512xf32, #tpu.memory_space<vmem>>, vector<16xf32>,
        %parallel_loop3A_368 = arith.constant 19845 : i32
        %parallel_loop3A_369 = vector.broadcast %parallel_loop3A_368 : i32 to vector<16xi32>
        %parallel_loop3A_370 = arith.addi %parallel_loop3A_287, %parallel_loop3A_369 : vector<16xi32>
        %parallel_loop3A_371 = tpu.vector_load_idx %arg6[%parallel_loop3A_370] : memref<63504xf32, #tpu.memory_space<vmem>>[vector<16xi32>], vector<16xf32>,
        %parallel_loop3A_372 = arith.constant 0 : i32
        %parallel_loop3A_373 = arith.constant 5 : i32
        %parallel_loop3A_374 = arith.index_cast %parallel_loop3A_372 : i32 to index
        %parallel_loop3A_375 = arith.index_cast %parallel_loop3A_373 : i32 to index
        %parallel_loop3A_376 = arith.index_cast %parallel_loop3A_285 : i32 to index
        %parallel_loop3A_377 = tpu.vector_load %arg7[%parallel_loop3A_374, %parallel_loop3A_375, %parallel_loop3A_376] {strides = array<i32>} : memref<2x16x512xf32, #tpu.memory_space<vmem>>, vector<16xf32>,
        tpu.vector_store %arg7[%parallel_loop3A_374, %parallel_loop3A_375, %parallel_loop3A_376], %parallel_loop3A_371 {add = true, strides = array<i32>} : memref<2x16x512xf32, #tpu.memory_space<vmem>>, vector<16xf32>,
        %parallel_loop3A_378 = arith.constant 1 : i32
        %parallel_loop3A_379 = arith.constant 5 : i32
        %parallel_loop3A_380 = arith.index_cast %parallel_loop3A_378 : i32 to index
        %parallel_loop3A_381 = arith.index_cast %parallel_loop3A_379 : i32 to index
        %parallel_loop3A_382 = arith.index_cast %parallel_loop3A_285 : i32 to index
        %parallel_loop3A_383 = tpu.vector_load %arg7[%parallel_loop3A_380, %parallel_loop3A_381, %parallel_loop3A_382] {strides = array<i32>} : memref<2x16x512xf32, #tpu.memory_space<vmem>>, vector<16xf32>,
        tpu.vector_store %arg7[%parallel_loop3A_380, %parallel_loop3A_381, %parallel_loop3A_382], %parallel_loop3A_371 {add = true, strides = array<i32>} : memref<2x16x512xf32, #tpu.memory_space<vmem>>, vector<16xf32>,
        %parallel_loop3A_384 = arith.constant 23814 : i32
        %parallel_loop3A_385 = vector.broadcast %parallel_loop3A_384 : i32 to vector<16xi32>
        %parallel_loop3A_386 = arith.addi %parallel_loop3A_287, %parallel_loop3A_385 : vector<16xi32>
        %parallel_loop3A_387 = tpu.vector_load_idx %arg6[%parallel_loop3A_386] : memref<63504xf32, #tpu.memory_space<vmem>>[vector<16xi32>], vector<16xf32>,
        %parallel_loop3A_388 = arith.constant 0 : i32
        %parallel_loop3A_389 = arith.constant 6 : i32
        %parallel_loop3A_390 = arith.index_cast %parallel_loop3A_388 : i32 to index
        %parallel_loop3A_391 = arith.index_cast %parallel_loop3A_389 : i32 to index
        %parallel_loop3A_392 = arith.index_cast %parallel_loop3A_285 : i32 to index
        %parallel_loop3A_393 = tpu.vector_load %arg7[%parallel_loop3A_390, %parallel_loop3A_391, %parallel_loop3A_392] {strides = array<i32>} : memref<2x16x512xf32, #tpu.memory_space<vmem>>, vector<16xf32>,
        tpu.vector_store %arg7[%parallel_loop3A_390, %parallel_loop3A_391, %parallel_loop3A_392], %parallel_loop3A_387 {add = true, strides = array<i32>} : memref<2x16x512xf32, #tpu.memory_space<vmem>>, vector<16xf32>,
        %parallel_loop3A_394 = arith.constant 1 : i32
        %parallel_loop3A_395 = arith.constant 6 : i32
        %parallel_loop3A_396 = arith.index_cast %parallel_loop3A_394 : i32 to index
        %parallel_loop3A_397 = arith.index_cast %parallel_loop3A_395 : i32 to index
        %parallel_loop3A_398 = arith.index_cast %parallel_loop3A_285 : i32 to index
        %parallel_loop3A_399 = tpu.vector_load %arg7[%parallel_loop3A_396, %parallel_loop3A_397, %parallel_loop3A_398] {strides = array<i32>} : memref<2x16x512xf32, #tpu.memory_space<vmem>>, vector<16xf32>,
        tpu.vector_store %arg7[%parallel_loop3A_396, %parallel_loop3A_397, %parallel_loop3A_398], %parallel_loop3A_387 {add = true, strides = array<i32>} : memref<2x16x512xf32, #tpu.memory_space<vmem>>, vector<16xf32>,
        %parallel_loop3A_400 = arith.constant 27783 : i32
        %parallel_loop3A_401 = vector.broadcast %parallel_loop3A_400 : i32 to vector<16xi32>
        %parallel_loop3A_402 = arith.addi %parallel_loop3A_287, %parallel_loop3A_401 : vector<16xi32>
        %parallel_loop3A_403 = tpu.vector_load_idx %arg6[%parallel_loop3A_402] : memref<63504xf32, #tpu.memory_space<vmem>>[vector<16xi32>], vector<16xf32>,
        %parallel_loop3A_404 = arith.constant 0 : i32
        %parallel_loop3A_405 = arith.constant 7 : i32
        %parallel_loop3A_406 = arith.index_cast %parallel_loop3A_404 : i32 to index
        %parallel_loop3A_407 = arith.index_cast %parallel_loop3A_405 : i32 to index
        %parallel_loop3A_408 = arith.index_cast %parallel_loop3A_285 : i32 to index
        %parallel_loop3A_409 = tpu.vector_load %arg7[%parallel_loop3A_406, %parallel_loop3A_407, %parallel_loop3A_408] {strides = array<i32>} : memref<2x16x512xf32, #tpu.memory_space<vmem>>, vector<16xf32>,
        tpu.vector_store %arg7[%parallel_loop3A_406, %parallel_loop3A_407, %parallel_loop3A_408], %parallel_loop3A_403 {add = true, strides = array<i32>} : memref<2x16x512xf32, #tpu.memory_space<vmem>>, vector<16xf32>,
        %parallel_loop3A_410 = arith.constant 1 : i32
        %parallel_loop3A_411 = arith.constant 7 : i32
        %parallel_loop3A_412 = arith.index_cast %parallel_loop3A_410 : i32 to index
        %parallel_loop3A_413 = arith.index_cast %parallel_loop3A_411 : i32 to index
        %parallel_loop3A_414 = arith.index_cast %parallel_loop3A_285 : i32 to index
        %parallel_loop3A_415 = tpu.vector_load %arg7[%parallel_loop3A_412, %parallel_loop3A_413, %parallel_loop3A_414] {strides = array<i32>} : memref<2x16x512xf32, #tpu.memory_space<vmem>>, vector<16xf32>,
        tpu.vector_store %arg7[%parallel_loop3A_412, %parallel_loop3A_413, %parallel_loop3A_414], %parallel_loop3A_403 {add = true, strides = array<i32>} : memref<2x16x512xf32, #tpu.memory_space<vmem>>, vector<16xf32>,
        %parallel_loop3A_416 = arith.constant 31752 : i32
        %parallel_loop3A_417 = vector.broadcast %parallel_loop3A_416 : i32 to vector<16xi32>
        %parallel_loop3A_418 = arith.addi %parallel_loop3A_287, %parallel_loop3A_417 : vector<16xi32>
        %parallel_loop3A_419 = tpu.vector_load_idx %arg6[%parallel_loop3A_418] : memref<63504xf32, #tpu.memory_space<vmem>>[vector<16xi32>], vector<16xf32>,
        %parallel_loop3A_420 = arith.constant 0 : i32
        %parallel_loop3A_421 = arith.constant 8 : i32
        %parallel_loop3A_422 = arith.index_cast %parallel_loop3A_420 : i32 to index
        %parallel_loop3A_423 = arith.index_cast %parallel_loop3A_421 : i32 to index
        %parallel_loop3A_424 = arith.index_cast %parallel_loop3A_285 : i32 to index
        %parallel_loop3A_425 = tpu.vector_load %arg7[%parallel_loop3A_422, %parallel_loop3A_423, %parallel_loop3A_424] {strides = array<i32>} : memref<2x16x512xf32, #tpu.memory_space<vmem>>, vector<16xf32>,
        tpu.vector_store %arg7[%parallel_loop3A_422, %parallel_loop3A_423, %parallel_loop3A_424], %parallel_loop3A_419 {add = true, strides = array<i32>} : memref<2x16x512xf32, #tpu.memory_space<vmem>>, vector<16xf32>,
        %parallel_loop3A_426 = arith.constant 1 : i32
        %parallel_loop3A_427 = arith.constant 8 : i32
        %parallel_loop3A_428 = arith.index_cast %parallel_loop3A_426 : i32 to index
        %parallel_loop3A_429 = arith.index_cast %parallel_loop3A_427 : i32 to index
        %parallel_loop3A_430 = arith.index_cast %parallel_loop3A_285 : i32 to index
        %parallel_loop3A_431 = tpu.vector_load %arg7[%parallel_loop3A_428, %parallel_loop3A_429, %parallel_loop3A_430] {strides = array<i32>} : memref<2x16x512xf32, #tpu.memory_space<vmem>>, vector<16xf32>,
        tpu.vector_store %arg7[%parallel_loop3A_428, %parallel_loop3A_429, %parallel_loop3A_430], %parallel_loop3A_419 {add = true, strides = array<i32>} : memref<2x16x512xf32, #tpu.memory_space<vmem>>, vector<16xf32>,
        %parallel_loop3A_432 = arith.constant 35721 : i32
        %parallel_loop3A_433 = vector.broadcast %parallel_loop3A_432 : i32 to vector<16xi32>
        %parallel_loop3A_434 = arith.addi %parallel_loop3A_287, %parallel_loop3A_433 : vector<16xi32>
        %parallel_loop3A_435 = tpu.vector_load_idx %arg6[%parallel_loop3A_434] : memref<63504xf32, #tpu.memory_space<vmem>>[vector<16xi32>], vector<16xf32>,
        %parallel_loop3A_436 = arith.constant 0 : i32
        %parallel_loop3A_437 = arith.constant 9 : i32
        %parallel_loop3A_438 = arith.index_cast %parallel_loop3A_436 : i32 to index
        %parallel_loop3A_439 = arith.index_cast %parallel_loop3A_437 : i32 to index
        %parallel_loop3A_440 = arith.index_cast %parallel_loop3A_285 : i32 to index
        %parallel_loop3A_441 = tpu.vector_load %arg7[%parallel_loop3A_438, %parallel_loop3A_439, %parallel_loop3A_440] {strides = array<i32>} : memref<2x16x512xf32, #tpu.memory_space<vmem>>, vector<16xf32>,
        tpu.vector_store %arg7[%parallel_loop3A_438, %parallel_loop3A_439, %parallel_loop3A_440], %parallel_loop3A_435 {add = true, strides = array<i32>} : memref<2x16x512xf32, #tpu.memory_space<vmem>>, vector<16xf32>,
        %parallel_loop3A_442 = arith.constant 1 : i32
        %parallel_loop3A_443 = arith.constant 9 : i32
        %parallel_loop3A_444 = arith.index_cast %parallel_loop3A_442 : i32 to index
        %parallel_loop3A_445 = arith.index_cast %parallel_loop3A_443 : i32 to index
        %parallel_loop3A_446 = arith.index_cast %parallel_loop3A_285 : i32 to index
        %parallel_loop3A_447 = tpu.vector_load %arg7[%parallel_loop3A_444, %parallel_loop3A_445, %parallel_loop3A_446] {strides = array<i32>} : memref<2x16x512xf32, #tpu.memory_space<vmem>>, vector<16xf32>,
        tpu.vector_store %arg7[%parallel_loop3A_444, %parallel_loop3A_445, %parallel_loop3A_446], %parallel_loop3A_435 {add = true, strides = array<i32>} : memref<2x16x512xf32, #tpu.memory_space<vmem>>, vector<16xf32>,
        %parallel_loop3A_448 = arith.constant 39690 : i32
        %parallel_loop3A_449 = vector.broadcast %parallel_loop3A_448 : i32 to vector<16xi32>
        %parallel_loop3A_450 = arith.addi %parallel_loop3A_287, %parallel_loop3A_449 : vector<16xi32>
        %parallel_loop3A_451 = tpu.vector_load_idx %arg6[%parallel_loop3A_450] : memref<63504xf32, #tpu.memory_space<vmem>>[vector<16xi32>], vector<16xf32>,
        %parallel_loop3A_452 = arith.constant 0 : i32
        %parallel_loop3A_453 = arith.constant 10 : i32
        %parallel_loop3A_454 = arith.index_cast %parallel_loop3A_452 : i32 to index
        %parallel_loop3A_455 = arith.index_cast %parallel_loop3A_453 : i32 to index
        %parallel_loop3A_456 = arith.index_cast %parallel_loop3A_285 : i32 to index
        %parallel_loop3A_457 = tpu.vector_load %arg7[%parallel_loop3A_454, %parallel_loop3A_455, %parallel_loop3A_456] {strides = array<i32>} : memref<2x16x512xf32, #tpu.memory_space<vmem>>, vector<16xf32>,
        tpu.vector_store %arg7[%parallel_loop3A_454, %parallel_loop3A_455, %parallel_loop3A_456], %parallel_loop3A_451 {add = true, strides = array<i32>} : memref<2x16x512xf32, #tpu.memory_space<vmem>>, vector<16xf32>,
        %parallel_loop3A_458 = arith.constant 1 : i32
        %parallel_loop3A_459 = arith.constant 10 : i32
        %parallel_loop3A_460 = arith.index_cast %parallel_loop3A_458 : i32 to index
        %parallel_loop3A_461 = arith.index_cast %parallel_loop3A_459 : i32 to index
        %parallel_loop3A_462 = arith.index_cast %parallel_loop3A_285 : i32 to index
        %parallel_loop3A_463 = tpu.vector_load %arg7[%parallel_loop3A_460, %parallel_loop3A_461, %parallel_loop3A_462] {strides = array<i32>} : memref<2x16x512xf32, #tpu.memory_space<vmem>>, vector<16xf32>,
        tpu.vector_store %arg7[%parallel_loop3A_460, %parallel_loop3A_461, %parallel_loop3A_462], %parallel_loop3A_451 {add = true, strides = array<i32>} : memref<2x16x512xf32, #tpu.memory_space<vmem>>, vector<16xf32>,
        %parallel_loop3A_464 = arith.constant 43659 : i32
        %parallel_loop3A_465 = vector.broadcast %parallel_loop3A_464 : i32 to vector<16xi32>
        %parallel_loop3A_466 = arith.addi %parallel_loop3A_287, %parallel_loop3A_465 : vector<16xi32>
        %parallel_loop3A_467 = tpu.vector_load_idx %arg6[%parallel_loop3A_466] : memref<63504xf32, #tpu.memory_space<vmem>>[vector<16xi32>], vector<16xf32>,
        %parallel_loop3A_468 = arith.constant 0 : i32
        %parallel_loop3A_469 = arith.constant 11 : i32
        %parallel_loop3A_470 = arith.index_cast %parallel_loop3A_468 : i32 to index
        %parallel_loop3A_471 = arith.index_cast %parallel_loop3A_469 : i32 to index
        %parallel_loop3A_472 = arith.index_cast %parallel_loop3A_285 : i32 to index
        %parallel_loop3A_473 = tpu.vector_load %arg7[%parallel_loop3A_470, %parallel_loop3A_471, %parallel_loop3A_472] {strides = array<i32>} : memref<2x16x512xf32, #tpu.memory_space<vmem>>, vector<16xf32>,
        tpu.vector_store %arg7[%parallel_loop3A_470, %parallel_loop3A_471, %parallel_loop3A_472], %parallel_loop3A_467 {add = true, strides = array<i32>} : memref<2x16x512xf32, #tpu.memory_space<vmem>>, vector<16xf32>,
        %parallel_loop3A_474 = arith.constant 1 : i32
        %parallel_loop3A_475 = arith.constant 11 : i32
        %parallel_loop3A_476 = arith.index_cast %parallel_loop3A_474 : i32 to index
        %parallel_loop3A_477 = arith.index_cast %parallel_loop3A_475 : i32 to index
        %parallel_loop3A_478 = arith.index_cast %parallel_loop3A_285 : i32 to index
        %parallel_loop3A_479 = tpu.vector_load %arg7[%parallel_loop3A_476, %parallel_loop3A_477, %parallel_loop3A_478] {strides = array<i32>} : memref<2x16x512xf32, #tpu.memory_space<vmem>>, vector<16xf32>,
        tpu.vector_store %arg7[%parallel_loop3A_476, %parallel_loop3A_477, %parallel_loop3A_478], %parallel_loop3A_467 {add = true, strides = array<i32>} : memref<2x16x512xf32, #tpu.memory_space<vmem>>, vector<16xf32>,
        %parallel_loop3A_480 = arith.constant 47628 : i32
        %parallel_loop3A_481 = vector.broadcast %parallel_loop3A_480 : i32 to vector<16xi32>
        %parallel_loop3A_482 = arith.addi %parallel_loop3A_287, %parallel_loop3A_481 : vector<16xi32>
        %parallel_loop3A_483 = tpu.vector_load_idx %arg6[%parallel_loop3A_482] : memref<63504xf32, #tpu.memory_space<vmem>>[vector<16xi32>], vector<16xf32>,
        %parallel_loop3A_484 = arith.constant 0 : i32
        %parallel_loop3A_485 = arith.constant 12 : i32
        %parallel_loop3A_486 = arith.index_cast %parallel_loop3A_484 : i32 to index
        %parallel_loop3A_487 = arith.index_cast %parallel_loop3A_485 : i32 to index
        %parallel_loop3A_488 = arith.index_cast %parallel_loop3A_285 : i32 to index
        %parallel_loop3A_489 = tpu.vector_load %arg7[%parallel_loop3A_486, %parallel_loop3A_487, %parallel_loop3A_488] {strides = array<i32>} : memref<2x16x512xf32, #tpu.memory_space<vmem>>, vector<16xf32>,
        tpu.vector_store %arg7[%parallel_loop3A_486, %parallel_loop3A_487, %parallel_loop3A_488], %parallel_loop3A_483 {add = true, strides = array<i32>} : memref<2x16x512xf32, #tpu.memory_space<vmem>>, vector<16xf32>,
        %parallel_loop3A_490 = arith.constant 1 : i32
        %parallel_loop3A_491 = arith.constant 12 : i32
        %parallel_loop3A_492 = arith.index_cast %parallel_loop3A_490 : i32 to index
        %parallel_loop3A_493 = arith.index_cast %parallel_loop3A_491 : i32 to index
        %parallel_loop3A_494 = arith.index_cast %parallel_loop3A_285 : i32 to index
        %parallel_loop3A_495 = tpu.vector_load %arg7[%parallel_loop3A_492, %parallel_loop3A_493, %parallel_loop3A_494] {strides = array<i32>} : memref<2x16x512xf32, #tpu.memory_space<vmem>>, vector<16xf32>,
        tpu.vector_store %arg7[%parallel_loop3A_492, %parallel_loop3A_493, %parallel_loop3A_494], %parallel_loop3A_483 {add = true, strides = array<i32>} : memref<2x16x512xf32, #tpu.memory_space<vmem>>, vector<16xf32>,
        %parallel_loop3A_496 = arith.constant 51597 : i32
        %parallel_loop3A_497 = vector.broadcast %parallel_loop3A_496 : i32 to vector<16xi32>
        %parallel_loop3A_498 = arith.addi %parallel_loop3A_287, %parallel_loop3A_497 : vector<16xi32>
        %parallel_loop3A_499 = tpu.vector_load_idx %arg6[%parallel_loop3A_498] : memref<63504xf32, #tpu.memory_space<vmem>>[vector<16xi32>], vector<16xf32>,
        %parallel_loop3A_500 = arith.constant 0 : i32
        %parallel_loop3A_501 = arith.constant 13 : i32
        %parallel_loop3A_502 = arith.index_cast %parallel_loop3A_500 : i32 to index
        %parallel_loop3A_503 = arith.index_cast %parallel_loop3A_501 : i32 to index
        %parallel_loop3A_504 = arith.index_cast %parallel_loop3A_285 : i32 to index
        %parallel_loop3A_505 = tpu.vector_load %arg7[%parallel_loop3A_502, %parallel_loop3A_503, %parallel_loop3A_504] {strides = array<i32>} : memref<2x16x512xf32, #tpu.memory_space<vmem>>, vector<16xf32>,
        tpu.vector_store %arg7[%parallel_loop3A_502, %parallel_loop3A_503, %parallel_loop3A_504], %parallel_loop3A_499 {add = true, strides = array<i32>} : memref<2x16x512xf32, #tpu.memory_space<vmem>>, vector<16xf32>,
        %parallel_loop3A_506 = arith.constant 1 : i32
        %parallel_loop3A_507 = arith.constant 13 : i32
        %parallel_loop3A_508 = arith.index_cast %parallel_loop3A_506 : i32 to index
        %parallel_loop3A_509 = arith.index_cast %parallel_loop3A_507 : i32 to index
        %parallel_loop3A_510 = arith.index_cast %parallel_loop3A_285 : i32 to index
        %parallel_loop3A_511 = tpu.vector_load %arg7[%parallel_loop3A_508, %parallel_loop3A_509, %parallel_loop3A_510] {strides = array<i32>} : memref<2x16x512xf32, #tpu.memory_space<vmem>>, vector<16xf32>,
        tpu.vector_store %arg7[%parallel_loop3A_508, %parallel_loop3A_509, %parallel_loop3A_510], %parallel_loop3A_499 {add = true, strides = array<i32>} : memref<2x16x512xf32, #tpu.memory_space<vmem>>, vector<16xf32>,
        %parallel_loop3A_512 = arith.constant 55566 : i32
        %parallel_loop3A_513 = vector.broadcast %parallel_loop3A_512 : i32 to vector<16xi32>
        %parallel_loop3A_514 = arith.addi %parallel_loop3A_287, %parallel_loop3A_513 : vector<16xi32>
        %parallel_loop3A_515 = tpu.vector_load_idx %arg6[%parallel_loop3A_514] : memref<63504xf32, #tpu.memory_space<vmem>>[vector<16xi32>], vector<16xf32>,
        %parallel_loop3A_516 = arith.constant 0 : i32
        %parallel_loop3A_517 = arith.constant 14 : i32
        %parallel_loop3A_518 = arith.index_cast %parallel_loop3A_516 : i32 to index
        %parallel_loop3A_519 = arith.index_cast %parallel_loop3A_517 : i32 to index
        %parallel_loop3A_520 = arith.index_cast %parallel_loop3A_285 : i32 to index
        %parallel_loop3A_521 = tpu.vector_load %arg7[%parallel_loop3A_518, %parallel_loop3A_519, %parallel_loop3A_520] {strides = array<i32>} : memref<2x16x512xf32, #tpu.memory_space<vmem>>, vector<16xf32>,
        tpu.vector_store %arg7[%parallel_loop3A_518, %parallel_loop3A_519, %parallel_loop3A_520], %parallel_loop3A_515 {add = true, strides = array<i32>} : memref<2x16x512xf32, #tpu.memory_space<vmem>>, vector<16xf32>,
        %parallel_loop3A_522 = arith.constant 1 : i32
        %parallel_loop3A_523 = arith.constant 14 : i32
        %parallel_loop3A_524 = arith.index_cast %parallel_loop3A_522 : i32 to index
        %parallel_loop3A_525 = arith.index_cast %parallel_loop3A_523 : i32 to index
        %parallel_loop3A_526 = arith.index_cast %parallel_loop3A_285 : i32 to index
        %parallel_loop3A_527 = tpu.vector_load %arg7[%parallel_loop3A_524, %parallel_loop3A_525, %parallel_loop3A_526] {strides = array<i32>} : memref<2x16x512xf32, #tpu.memory_space<vmem>>, vector<16xf32>,
        tpu.vector_store %arg7[%parallel_loop3A_524, %parallel_loop3A_525, %parallel_loop3A_526], %parallel_loop3A_515 {add = true, strides = array<i32>} : memref<2x16x512xf32, #tpu.memory_space<vmem>>, vector<16xf32>,
        %parallel_loop3A_528 = arith.constant 59535 : i32
        %parallel_loop3A_529 = vector.broadcast %parallel_loop3A_528 : i32 to vector<16xi32>
        %parallel_loop3A_530 = arith.addi %parallel_loop3A_287, %parallel_loop3A_529 : vector<16xi32>
        %parallel_loop3A_531 = tpu.vector_load_idx %arg6[%parallel_loop3A_530] : memref<63504xf32, #tpu.memory_space<vmem>>[vector<16xi32>], vector<16xf32>,
        %parallel_loop3A_532 = arith.constant 0 : i32
        %parallel_loop3A_533 = arith.constant 15 : i32
        %parallel_loop3A_534 = arith.index_cast %parallel_loop3A_532 : i32 to index
        %parallel_loop3A_535 = arith.index_cast %parallel_loop3A_533 : i32 to index
        %parallel_loop3A_536 = arith.index_cast %parallel_loop3A_285 : i32 to index
        %parallel_loop3A_537 = tpu.vector_load %arg7[%parallel_loop3A_534, %parallel_loop3A_535, %parallel_loop3A_536] {strides = array<i32>} : memref<2x16x512xf32, #tpu.memory_space<vmem>>, vector<16xf32>,
        tpu.vector_store %arg7[%parallel_loop3A_534, %parallel_loop3A_535, %parallel_loop3A_536], %parallel_loop3A_531 {add = true, strides = array<i32>} : memref<2x16x512xf32, #tpu.memory_space<vmem>>, vector<16xf32>,
        %parallel_loop3A_538 = arith.constant 1 : i32
        %parallel_loop3A_539 = arith.constant 15 : i32
        %parallel_loop3A_540 = arith.index_cast %parallel_loop3A_538 : i32 to index
        %parallel_loop3A_541 = arith.index_cast %parallel_loop3A_539 : i32 to index
        %parallel_loop3A_542 = arith.index_cast %parallel_loop3A_285 : i32 to index
        %parallel_loop3A_543 = tpu.vector_load %arg7[%parallel_loop3A_540, %parallel_loop3A_541, %parallel_loop3A_542] {strides = array<i32>} : memref<2x16x512xf32, #tpu.memory_space<vmem>>, vector<16xf32>,
        tpu.vector_store %arg7[%parallel_loop3A_540, %parallel_loop3A_541, %parallel_loop3A_542], %parallel_loop3A_531 {add = true, strides = array<i32>} : memref<2x16x512xf32, #tpu.memory_space<vmem>>, vector<16xf32>,
      } {sc.loop_unroll_factor = 1 : i64, sc.parallel_access}
      %dma_start3A_99 = arith.constant 0 : i32
      %dma_start3A_100 = arith.constant 0 : i32
      %dma_start3A_101 = arith.constant 0 : i32
      %dma_start3A_102 = tpu.memref_slice %arg5[%dma_start3A_99, %dma_start3A_100, %add3A_60, %dma_start3A_101] : memref<2x16x1024x1024xf32, #tpu.memory_space<hbm>> -> memref<2x16x1x512xf32, #tpu.memory_space<hbm>>
      %dma_start3A_103 = tpu.memref_squeeze %dma_start3A_102 : memref<2x16x1x512xf32, #tpu.memory_space<hbm>> -> memref<2x16x512xf32, #tpu.memory_space<hbm>>
      %dma_start3A_104 = arith.constant 0 : i32
      %dma_start3A_105 = arith.constant 0 : i32
      %dma_start3A_106 = arith.constant 0 : i32
      %dma_start3A_107 = tpu.memref_slice %arg5[%dma_start3A_104, %dma_start3A_105, %add3A_60, %dma_start3A_106] : memref<2x16x1024x1024xf32, #tpu.memory_space<hbm>> -> memref<2x16x1x512xf32, #tpu.memory_space<hbm>>
      %dma_start3A_108 = tpu.memref_squeeze %dma_start3A_107 : memref<2x16x1x512xf32, #tpu.memory_space<hbm>> -> memref<2x16x512xf32, #tpu.memory_space<hbm>>
      tpu.enqueue_dma source(%arg7 : memref<2x16x512xf32, #tpu.memory_space<vmem>>) target(%dma_start3A_108 : memref<2x16x512xf32, #tpu.memory_space<hbm>>) target_semaphore(%arg17 : memref<!tpu.dma_semaphore, #tpu.memory_space<semaphore_mem>>)
      %mul3A_109 = arith.constant 2 : i32
      %mul3A_110 = arith.muli %mul3A_109, %scan3A_55 : i32
      %add3A_111 = arith.addi %mul3A_2, %mul3A_110 : i32
      %add3A_112 = arith.constant 0 : i32
      %add3A_113 = arith.addi %add3A_111, %add3A_112 : i32
      %ge3A_114 = arith.constant 1 : i32
      %ge3A_115 = arith.cmpi sge, %scan3A_55, %ge3A_114 : i32
      %convert_element_type3A_116 = arith.extui %ge3A_115 : i1 to i32
      %cond3A_117 = arith.constant 0 : i32
      %cond3A_118 = arith.cmpi ne, %convert_element_type3A_116, %cond3A_117 : i32
      scf.if %cond3A_118 {
        %sub3A_282 = arith.constant 1 : i32
        %sub3A_283 = arith.subi %add3A_113, %sub3A_282 : i32
        %dma_wait3A_284 = arith.constant 0 : i32
        %dma_wait3A_285 = arith.constant 0 : i32
        %dma_wait3A_286 = arith.constant 512 : i32
        %dma_wait3A_287 = tpu.memref_slice %arg5[%dma_wait3A_284, %dma_wait3A_285, %sub3A_283, %dma_wait3A_286] : memref<2x16x1024x1024xf32, #tpu.memory_space<hbm>> -> memref<2x16x1x512xf32, #tpu.memory_space<hbm>>
        %dma_wait3A_288 = tpu.memref_squeeze %dma_wait3A_287 : memref<2x16x1x512xf32, #tpu.memory_space<hbm>> -> memref<2x16x512xf32, #tpu.memory_space<hbm>>
        %dma_wait3A_289 = arith.constant 0 : i32
        %dma_wait3A_290 = arith.constant 0 : i32
        %dma_wait3A_291 = arith.constant 512 : i32
        %dma_wait3A_292 = tpu.memref_slice %arg5[%dma_wait3A_289, %dma_wait3A_290, %sub3A_283, %dma_wait3A_291] : memref<2x16x1024x1024xf32, #tpu.memory_space<hbm>> -> memref<2x16x1x512xf32, #tpu.memory_space<hbm>>
        %dma_wait3A_293 = tpu.memref_squeeze %dma_wait3A_292 : memref<2x16x1x512xf32, #tpu.memory_space<hbm>> -> memref<2x16x512xf32, #tpu.memory_space<hbm>>
        tpu.wait_dma2 semaphore(%arg20 : memref<!tpu.dma_semaphore, #tpu.memory_space<semaphore_mem>>) src(%arg10 : memref<2x16x512xf32, #tpu.memory_space<vmem>>) dst(%dma_wait3A_293 : memref<2x16x512xf32, #tpu.memory_space<hbm>>)
      } else {
      }
      %add3A_119 = arith.constant 1 : i32
      %add3A_120 = arith.addi %add3A_113, %add3A_119 : i32
      %dma_start3A_121 = arith.constant 0 : i32
      %dma_start3A_122 = arith.constant 0 : i32
      %dma_start3A_123 = arith.constant 512 : i32
      %dma_start3A_124 = tpu.memref_slice %arg2[%dma_start3A_121, %dma_start3A_122, %add3A_120, %dma_start3A_123] : memref<2x16x1024x1024xf32, #tpu.memory_space<hbm>> -> memref<2x16x1x512xf32, #tpu.memory_space<hbm>>
      %dma_start3A_125 = tpu.memref_squeeze %dma_start3A_124 : memref<2x16x1x512xf32, #tpu.memory_space<hbm>> -> memref<2x16x512xf32, #tpu.memory_space<hbm>>
      %dma_start3A_126 = arith.constant 0 : i32
      %dma_start3A_127 = arith.constant 0 : i32
      %dma_start3A_128 = arith.constant 512 : i32
      %dma_start3A_129 = tpu.memref_slice %arg2[%dma_start3A_126, %dma_start3A_127, %add3A_120, %dma_start3A_128] : memref<2x16x1024x1024xf32, #tpu.memory_space<hbm>> -> memref<2x16x1x512xf32, #tpu.memory_space<hbm>>
      %dma_start3A_130 = tpu.memref_squeeze %dma_start3A_129 : memref<2x16x1x512xf32, #tpu.memory_space<hbm>> -> memref<2x16x512xf32, #tpu.memory_space<hbm>>
      tpu.enqueue_dma source(%dma_start3A_130 : memref<2x16x512xf32, #tpu.memory_space<hbm>>) target(%arg10 : memref<2x16x512xf32, #tpu.memory_space<vmem>>) target_semaphore(%arg16 : memref<!tpu.dma_semaphore, #tpu.memory_space<semaphore_mem>>)
      %add3A_131 = arith.constant 1 : i32
      %add3A_132 = arith.addi %add3A_113, %add3A_131 : i32
      %dma_start3A_133 = arith.constant 0 : i32
      %dma_start3A_134 = tpu.memref_slice %arg4[%add3A_132, %dma_start3A_133] : memref<1024x1024xi32, #tpu.memory_space<hbm>> -> memref<1x512xi32, #tpu.memory_space<hbm>>
      %dma_start3A_135 = tpu.memref_squeeze %dma_start3A_134 : memref<1x512xi32, #tpu.memory_space<hbm>> -> memref<512xi32, #tpu.memory_space<hbm>>
      %dma_start3A_136 = arith.constant 0 : i32
      %dma_start3A_137 = tpu.memref_slice %arg4[%add3A_132, %dma_start3A_136] : memref<1024x1024xi32, #tpu.memory_space<hbm>> -> memref<1x512xi32, #tpu.memory_space<hbm>>
      %dma_start3A_138 = tpu.memref_squeeze %dma_start3A_137 : memref<1x512xi32, #tpu.memory_space<hbm>> -> memref<512xi32, #tpu.memory_space<hbm>>
      tpu.enqueue_dma source(%dma_start3A_138 : memref<512xi32, #tpu.memory_space<hbm>>) target(%arg11 : memref<512xi32, #tpu.memory_space<vmem>>) target_semaphore(%arg21 : memref<!tpu.dma_semaphore, #tpu.memory_space<semaphore_mem>>)
      %dma_wait3A_139 = arith.constant 512 : i32
      %dma_wait3A_140 = tpu.memref_slice %arg4[%add3A_113, %dma_wait3A_139] : memref<1024x1024xi32, #tpu.memory_space<hbm>> -> memref<1x512xi32, #tpu.memory_space<hbm>>
      %dma_wait3A_141 = tpu.memref_squeeze %dma_wait3A_140 : memref<1x512xi32, #tpu.memory_space<hbm>> -> memref<512xi32, #tpu.memory_space<hbm>>
      %dma_wait3A_142 = arith.constant 512 : i32
      %dma_wait3A_143 = tpu.memref_slice %arg4[%add3A_113, %dma_wait3A_142] : memref<1024x1024xi32, #tpu.memory_space<hbm>> -> memref<1x512xi32, #tpu.memory_space<hbm>>
      %dma_wait3A_144 = tpu.memref_squeeze %dma_wait3A_143 : memref<1x512xi32, #tpu.memory_space<hbm>> -> memref<512xi32, #tpu.memory_space<hbm>>
      tpu.wait_dma2 semaphore(%arg22 : memref<!tpu.dma_semaphore, #tpu.memory_space<semaphore_mem>>) src(%dma_wait3A_144 : memref<512xi32, #tpu.memory_space<hbm>>) dst(%arg12 : memref<512xi32, #tpu.memory_space<vmem>>)
      %dma_wait3A_145 = arith.constant 0 : i32
      %dma_wait3A_146 = arith.constant 0 : i32
      %dma_wait3A_147 = arith.constant 512 : i32
      %dma_wait3A_148 = tpu.memref_slice %arg2[%dma_wait3A_145, %dma_wait3A_146, %add3A_113, %dma_wait3A_147] : memref<2x16x1024x1024xf32, #tpu.memory_space<hbm>> -> memref<2x16x1x512xf32, #tpu.memory_space<hbm>>
      %dma_wait3A_149 = tpu.memref_squeeze %dma_wait3A_148 : memref<2x16x1x512xf32, #tpu.memory_space<hbm>> -> memref<2x16x512xf32, #tpu.memory_space<hbm>>
      %dma_wait3A_150 = arith.constant 0 : i32
      %dma_wait3A_151 = arith.constant 0 : i32
      %dma_wait3A_152 = arith.constant 512 : i32
      %dma_wait3A_153 = tpu.memref_slice %arg2[%dma_wait3A_150, %dma_wait3A_151, %add3A_113, %dma_wait3A_152] : memref<2x16x1024x1024xf32, #tpu.memory_space<hbm>> -> memref<2x16x1x512xf32, #tpu.memory_space<hbm>>
      %dma_wait3A_154 = tpu.memref_squeeze %dma_wait3A_153 : memref<2x16x1x512xf32, #tpu.memory_space<hbm>> -> memref<2x16x512xf32, #tpu.memory_space<hbm>>
      tpu.wait_dma2 semaphore(%arg14 : memref<!tpu.dma_semaphore, #tpu.memory_space<semaphore_mem>>) src(%dma_wait3A_154 : memref<2x16x512xf32, #tpu.memory_space<hbm>>) dst(%arg8 : memref<2x16x512xf32, #tpu.memory_space<vmem>>)
      %parallel_loop3A_155 = arith.constant 0 : i32
      %parallel_loop3A_156 = arith.constant 32 : i32
      %parallel_loop3A_157 = arith.constant 1 : i32
      scf.for %parallel_loop3A_282 = %parallel_loop3A_155 to %parallel_loop3A_156 step %parallel_loop3A_157  : i32 {
        %parallel_loop3A_283 = arith.constant 16 : i32
        %parallel_loop3A_284 = arith.muli %parallel_loop3A_282, %parallel_loop3A_283 : i32
        %parallel_loop3A_285 = tpu.assume_multiple %parallel_loop3A_284, 16 : i32
        %parallel_loop3A_286 = arith.index_cast %parallel_loop3A_285 : i32 to index
        %parallel_loop3A_287 = tpu.vector_load %arg12[%parallel_loop3A_286] {strides = array<i32>} : memref<512xi32, #tpu.memory_space<vmem>>, vector<16xi32>,
        %parallel_loop3A_288 = arith.constant 0 : i32
        %parallel_loop3A_289 = vector.broadcast %parallel_loop3A_288 : i32 to vector<16xi32>
        %parallel_loop3A_290 = arith.addi %parallel_loop3A_287, %parallel_loop3A_289 : vector<16xi32>
        %parallel_loop3A_291 = tpu.vector_load_idx %arg6[%parallel_loop3A_290] : memref<63504xf32, #tpu.memory_space<vmem>>[vector<16xi32>], vector<16xf32>,
        %parallel_loop3A_292 = arith.constant 0 : i32
        %parallel_loop3A_293 = arith.constant 0 : i32
        %parallel_loop3A_294 = arith.index_cast %parallel_loop3A_292 : i32 to index
        %parallel_loop3A_295 = arith.index_cast %parallel_loop3A_293 : i32 to index
        %parallel_loop3A_296 = arith.index_cast %parallel_loop3A_285 : i32 to index
        %parallel_loop3A_297 = tpu.vector_load %arg8[%parallel_loop3A_294, %parallel_loop3A_295, %parallel_loop3A_296] {strides = array<i32>} : memref<2x16x512xf32, #tpu.memory_space<vmem>>, vector<16xf32>,
        tpu.vector_store %arg8[%parallel_loop3A_294, %parallel_loop3A_295, %parallel_loop3A_296], %parallel_loop3A_291 {add = true, strides = array<i32>} : memref<2x16x512xf32, #tpu.memory_space<vmem>>, vector<16xf32>,
        %parallel_loop3A_298 = arith.constant 1 : i32
        %parallel_loop3A_299 = arith.constant 0 : i32
        %parallel_loop3A_300 = arith.index_cast %parallel_loop3A_298 : i32 to index
        %parallel_loop3A_301 = arith.index_cast %parallel_loop3A_299 : i32 to index
        %parallel_loop3A_302 = arith.index_cast %parallel_loop3A_285 : i32 to index
        %parallel_loop3A_303 = tpu.vector_load %arg8[%parallel_loop3A_300, %parallel_loop3A_301, %parallel_loop3A_302] {strides = array<i32>} : memref<2x16x512xf32, #tpu.memory_space<vmem>>, vector<16xf32>,
        tpu.vector_store %arg8[%parallel_loop3A_300, %parallel_loop3A_301, %parallel_loop3A_302], %parallel_loop3A_291 {add = true, strides = array<i32>} : memref<2x16x512xf32, #tpu.memory_space<vmem>>, vector<16xf32>,
        %parallel_loop3A_304 = arith.constant 3969 : i32
        %parallel_loop3A_305 = vector.broadcast %parallel_loop3A_304 : i32 to vector<16xi32>
        %parallel_loop3A_306 = arith.addi %parallel_loop3A_287, %parallel_loop3A_305 : vector<16xi32>
        %parallel_loop3A_307 = tpu.vector_load_idx %arg6[%parallel_loop3A_306] : memref<63504xf32, #tpu.memory_space<vmem>>[vector<16xi32>], vector<16xf32>,
        %parallel_loop3A_308 = arith.constant 0 : i32
        %parallel_loop3A_309 = arith.constant 1 : i32
        %parallel_loop3A_310 = arith.index_cast %parallel_loop3A_308 : i32 to index
        %parallel_loop3A_311 = arith.index_cast %parallel_loop3A_309 : i32 to index
        %parallel_loop3A_312 = arith.index_cast %parallel_loop3A_285 : i32 to index
        %parallel_loop3A_313 = tpu.vector_load %arg8[%parallel_loop3A_310, %parallel_loop3A_311, %parallel_loop3A_312] {strides = array<i32>} : memref<2x16x512xf32, #tpu.memory_space<vmem>>, vector<16xf32>,
        tpu.vector_store %arg8[%parallel_loop3A_310, %parallel_loop3A_311, %parallel_loop3A_312], %parallel_loop3A_307 {add = true, strides = array<i32>} : memref<2x16x512xf32, #tpu.memory_space<vmem>>, vector<16xf32>,
        %parallel_loop3A_314 = arith.constant 1 : i32
        %parallel_loop3A_315 = arith.constant 1 : i32
        %parallel_loop3A_316 = arith.index_cast %parallel_loop3A_314 : i32 to index
        %parallel_loop3A_317 = arith.index_cast %parallel_loop3A_315 : i32 to index
        %parallel_loop3A_318 = arith.index_cast %parallel_loop3A_285 : i32 to index
        %parallel_loop3A_319 = tpu.vector_load %arg8[%parallel_loop3A_316, %parallel_loop3A_317, %parallel_loop3A_318] {strides = array<i32>} : memref<2x16x512xf32, #tpu.memory_space<vmem>>, vector<16xf32>,
        tpu.vector_store %arg8[%parallel_loop3A_316, %parallel_loop3A_317, %parallel_loop3A_318], %parallel_loop3A_307 {add = true, strides = array<i32>} : memref<2x16x512xf32, #tpu.memory_space<vmem>>, vector<16xf32>,
        %parallel_loop3A_320 = arith.constant 7938 : i32
        %parallel_loop3A_321 = vector.broadcast %parallel_loop3A_320 : i32 to vector<16xi32>
        %parallel_loop3A_322 = arith.addi %parallel_loop3A_287, %parallel_loop3A_321 : vector<16xi32>
        %parallel_loop3A_323 = tpu.vector_load_idx %arg6[%parallel_loop3A_322] : memref<63504xf32, #tpu.memory_space<vmem>>[vector<16xi32>], vector<16xf32>,
        %parallel_loop3A_324 = arith.constant 0 : i32
        %parallel_loop3A_325 = arith.constant 2 : i32
        %parallel_loop3A_326 = arith.index_cast %parallel_loop3A_324 : i32 to index
        %parallel_loop3A_327 = arith.index_cast %parallel_loop3A_325 : i32 to index
        %parallel_loop3A_328 = arith.index_cast %parallel_loop3A_285 : i32 to index
        %parallel_loop3A_329 = tpu.vector_load %arg8[%parallel_loop3A_326, %parallel_loop3A_327, %parallel_loop3A_328] {strides = array<i32>} : memref<2x16x512xf32, #tpu.memory_space<vmem>>, vector<16xf32>,
        tpu.vector_store %arg8[%parallel_loop3A_326, %parallel_loop3A_327, %parallel_loop3A_328], %parallel_loop3A_323 {add = true, strides = array<i32>} : memref<2x16x512xf32, #tpu.memory_space<vmem>>, vector<16xf32>,
        %parallel_loop3A_330 = arith.constant 1 : i32
        %parallel_loop3A_331 = arith.constant 2 : i32
        %parallel_loop3A_332 = arith.index_cast %parallel_loop3A_330 : i32 to index
        %parallel_loop3A_333 = arith.index_cast %parallel_loop3A_331 : i32 to index
        %parallel_loop3A_334 = arith.index_cast %parallel_loop3A_285 : i32 to index
        %parallel_loop3A_335 = tpu.vector_load %arg8[%parallel_loop3A_332, %parallel_loop3A_333, %parallel_loop3A_334] {strides = array<i32>} : memref<2x16x512xf32, #tpu.memory_space<vmem>>, vector<16xf32>,
        tpu.vector_store %arg8[%parallel_loop3A_332, %parallel_loop3A_333, %parallel_loop3A_334], %parallel_loop3A_323 {add = true, strides = array<i32>} : memref<2x16x512xf32, #tpu.memory_space<vmem>>, vector<16xf32>,
        %parallel_loop3A_336 = arith.constant 11907 : i32
        %parallel_loop3A_337 = vector.broadcast %parallel_loop3A_336 : i32 to vector<16xi32>
        %parallel_loop3A_338 = arith.addi %parallel_loop3A_287, %parallel_loop3A_337 : vector<16xi32>
        %parallel_loop3A_339 = tpu.vector_load_idx %arg6[%parallel_loop3A_338] : memref<63504xf32, #tpu.memory_space<vmem>>[vector<16xi32>], vector<16xf32>,
        %parallel_loop3A_340 = arith.constant 0 : i32
        %parallel_loop3A_341 = arith.constant 3 : i32
        %parallel_loop3A_342 = arith.index_cast %parallel_loop3A_340 : i32 to index
        %parallel_loop3A_343 = arith.index_cast %parallel_loop3A_341 : i32 to index
        %parallel_loop3A_344 = arith.index_cast %parallel_loop3A_285 : i32 to index
        %parallel_loop3A_345 = tpu.vector_load %arg8[%parallel_loop3A_342, %parallel_loop3A_343, %parallel_loop3A_344] {strides = array<i32>} : memref<2x16x512xf32, #tpu.memory_space<vmem>>, vector<16xf32>,
        tpu.vector_store %arg8[%parallel_loop3A_342, %parallel_loop3A_343, %parallel_loop3A_344], %parallel_loop3A_339 {add = true, strides = array<i32>} : memref<2x16x512xf32, #tpu.memory_space<vmem>>, vector<16xf32>,
        %parallel_loop3A_346 = arith.constant 1 : i32
        %parallel_loop3A_347 = arith.constant 3 : i32
        %parallel_loop3A_348 = arith.index_cast %parallel_loop3A_346 : i32 to index
        %parallel_loop3A_349 = arith.index_cast %parallel_loop3A_347 : i32 to index
        %parallel_loop3A_350 = arith.index_cast %parallel_loop3A_285 : i32 to index
        %parallel_loop3A_351 = tpu.vector_load %arg8[%parallel_loop3A_348, %parallel_loop3A_349, %parallel_loop3A_350] {strides = array<i32>} : memref<2x16x512xf32, #tpu.memory_space<vmem>>, vector<16xf32>,
        tpu.vector_store %arg8[%parallel_loop3A_348, %parallel_loop3A_349, %parallel_loop3A_350], %parallel_loop3A_339 {add = true, strides = array<i32>} : memref<2x16x512xf32, #tpu.memory_space<vmem>>, vector<16xf32>,
        %parallel_loop3A_352 = arith.constant 15876 : i32
        %parallel_loop3A_353 = vector.broadcast %parallel_loop3A_352 : i32 to vector<16xi32>
        %parallel_loop3A_354 = arith.addi %parallel_loop3A_287, %parallel_loop3A_353 : vector<16xi32>
        %parallel_loop3A_355 = tpu.vector_load_idx %arg6[%parallel_loop3A_354] : memref<63504xf32, #tpu.memory_space<vmem>>[vector<16xi32>], vector<16xf32>,
        %parallel_loop3A_356 = arith.constant 0 : i32
        %parallel_loop3A_357 = arith.constant 4 : i32
        %parallel_loop3A_358 = arith.index_cast %parallel_loop3A_356 : i32 to index
        %parallel_loop3A_359 = arith.index_cast %parallel_loop3A_357 : i32 to index
        %parallel_loop3A_360 = arith.index_cast %parallel_loop3A_285 : i32 to index
        %parallel_loop3A_361 = tpu.vector_load %arg8[%parallel_loop3A_358, %parallel_loop3A_359, %parallel_loop3A_360] {strides = array<i32>} : memref<2x16x512xf32, #tpu.memory_space<vmem>>, vector<16xf32>,
        tpu.vector_store %arg8[%parallel_loop3A_358, %parallel_loop3A_359, %parallel_loop3A_360], %parallel_loop3A_355 {add = true, strides = array<i32>} : memref<2x16x512xf32, #tpu.memory_space<vmem>>, vector<16xf32>,
        %parallel_loop3A_362 = arith.constant 1 : i32
        %parallel_loop3A_363 = arith.constant 4 : i32
        %parallel_loop3A_364 = arith.index_cast %parallel_loop3A_362 : i32 to index
        %parallel_loop3A_365 = arith.index_cast %parallel_loop3A_363 : i32 to index
        %parallel_loop3A_366 = arith.index_cast %parallel_loop3A_285 : i32 to index
        %parallel_loop3A_367 = tpu.vector_load %arg8[%parallel_loop3A_364, %parallel_loop3A_365, %parallel_loop3A_366] {strides = array<i32>} : memref<2x16x512xf32, #tpu.memory_space<vmem>>, vector<16xf32>,
        tpu.vector_store %arg8[%parallel_loop3A_364, %parallel_loop3A_365, %parallel_loop3A_366], %parallel_loop3A_355 {add = true, strides = array<i32>} : memref<2x16x512xf32, #tpu.memory_space<vmem>>, vector<16xf32>,
        %parallel_loop3A_368 = arith.constant 19845 : i32
        %parallel_loop3A_369 = vector.broadcast %parallel_loop3A_368 : i32 to vector<16xi32>
        %parallel_loop3A_370 = arith.addi %parallel_loop3A_287, %parallel_loop3A_369 : vector<16xi32>
        %parallel_loop3A_371 = tpu.vector_load_idx %arg6[%parallel_loop3A_370] : memref<63504xf32, #tpu.memory_space<vmem>>[vector<16xi32>], vector<16xf32>,
        %parallel_loop3A_372 = arith.constant 0 : i32
        %parallel_loop3A_373 = arith.constant 5 : i32
        %parallel_loop3A_374 = arith.index_cast %parallel_loop3A_372 : i32 to index
        %parallel_loop3A_375 = arith.index_cast %parallel_loop3A_373 : i32 to index
        %parallel_loop3A_376 = arith.index_cast %parallel_loop3A_285 : i32 to index
        %parallel_loop3A_377 = tpu.vector_load %arg8[%parallel_loop3A_374, %parallel_loop3A_375, %parallel_loop3A_376] {strides = array<i32>} : memref<2x16x512xf32, #tpu.memory_space<vmem>>, vector<16xf32>,
        tpu.vector_store %arg8[%parallel_loop3A_374, %parallel_loop3A_375, %parallel_loop3A_376], %parallel_loop3A_371 {add = true, strides = array<i32>} : memref<2x16x512xf32, #tpu.memory_space<vmem>>, vector<16xf32>,
        %parallel_loop3A_378 = arith.constant 1 : i32
        %parallel_loop3A_379 = arith.constant 5 : i32
        %parallel_loop3A_380 = arith.index_cast %parallel_loop3A_378 : i32 to index
        %parallel_loop3A_381 = arith.index_cast %parallel_loop3A_379 : i32 to index
        %parallel_loop3A_382 = arith.index_cast %parallel_loop3A_285 : i32 to index
        %parallel_loop3A_383 = tpu.vector_load %arg8[%parallel_loop3A_380, %parallel_loop3A_381, %parallel_loop3A_382] {strides = array<i32>} : memref<2x16x512xf32, #tpu.memory_space<vmem>>, vector<16xf32>,
        tpu.vector_store %arg8[%parallel_loop3A_380, %parallel_loop3A_381, %parallel_loop3A_382], %parallel_loop3A_371 {add = true, strides = array<i32>} : memref<2x16x512xf32, #tpu.memory_space<vmem>>, vector<16xf32>,
        %parallel_loop3A_384 = arith.constant 23814 : i32
        %parallel_loop3A_385 = vector.broadcast %parallel_loop3A_384 : i32 to vector<16xi32>
        %parallel_loop3A_386 = arith.addi %parallel_loop3A_287, %parallel_loop3A_385 : vector<16xi32>
        %parallel_loop3A_387 = tpu.vector_load_idx %arg6[%parallel_loop3A_386] : memref<63504xf32, #tpu.memory_space<vmem>>[vector<16xi32>], vector<16xf32>,
        %parallel_loop3A_388 = arith.constant 0 : i32
        %parallel_loop3A_389 = arith.constant 6 : i32
        %parallel_loop3A_390 = arith.index_cast %parallel_loop3A_388 : i32 to index
        %parallel_loop3A_391 = arith.index_cast %parallel_loop3A_389 : i32 to index
        %parallel_loop3A_392 = arith.index_cast %parallel_loop3A_285 : i32 to index
        %parallel_loop3A_393 = tpu.vector_load %arg8[%parallel_loop3A_390, %parallel_loop3A_391, %parallel_loop3A_392] {strides = array<i32>} : memref<2x16x512xf32, #tpu.memory_space<vmem>>, vector<16xf32>,
        tpu.vector_store %arg8[%parallel_loop3A_390, %parallel_loop3A_391, %parallel_loop3A_392], %parallel_loop3A_387 {add = true, strides = array<i32>} : memref<2x16x512xf32, #tpu.memory_space<vmem>>, vector<16xf32>,
        %parallel_loop3A_394 = arith.constant 1 : i32
        %parallel_loop3A_395 = arith.constant 6 : i32
        %parallel_loop3A_396 = arith.index_cast %parallel_loop3A_394 : i32 to index
        %parallel_loop3A_397 = arith.index_cast %parallel_loop3A_395 : i32 to index
        %parallel_loop3A_398 = arith.index_cast %parallel_loop3A_285 : i32 to index
        %parallel_loop3A_399 = tpu.vector_load %arg8[%parallel_loop3A_396, %parallel_loop3A_397, %parallel_loop3A_398] {strides = array<i32>} : memref<2x16x512xf32, #tpu.memory_space<vmem>>, vector<16xf32>,
        tpu.vector_store %arg8[%parallel_loop3A_396, %parallel_loop3A_397, %parallel_loop3A_398], %parallel_loop3A_387 {add = true, strides = array<i32>} : memref<2x16x512xf32, #tpu.memory_space<vmem>>, vector<16xf32>,
        %parallel_loop3A_400 = arith.constant 27783 : i32
        %parallel_loop3A_401 = vector.broadcast %parallel_loop3A_400 : i32 to vector<16xi32>
        %parallel_loop3A_402 = arith.addi %parallel_loop3A_287, %parallel_loop3A_401 : vector<16xi32>
        %parallel_loop3A_403 = tpu.vector_load_idx %arg6[%parallel_loop3A_402] : memref<63504xf32, #tpu.memory_space<vmem>>[vector<16xi32>], vector<16xf32>,
        %parallel_loop3A_404 = arith.constant 0 : i32
        %parallel_loop3A_405 = arith.constant 7 : i32
        %parallel_loop3A_406 = arith.index_cast %parallel_loop3A_404 : i32 to index
        %parallel_loop3A_407 = arith.index_cast %parallel_loop3A_405 : i32 to index
        %parallel_loop3A_408 = arith.index_cast %parallel_loop3A_285 : i32 to index
        %parallel_loop3A_409 = tpu.vector_load %arg8[%parallel_loop3A_406, %parallel_loop3A_407, %parallel_loop3A_408] {strides = array<i32>} : memref<2x16x512xf32, #tpu.memory_space<vmem>>, vector<16xf32>,
        tpu.vector_store %arg8[%parallel_loop3A_406, %parallel_loop3A_407, %parallel_loop3A_408], %parallel_loop3A_403 {add = true, strides = array<i32>} : memref<2x16x512xf32, #tpu.memory_space<vmem>>, vector<16xf32>,
        %parallel_loop3A_410 = arith.constant 1 : i32
        %parallel_loop3A_411 = arith.constant 7 : i32
        %parallel_loop3A_412 = arith.index_cast %parallel_loop3A_410 : i32 to index
        %parallel_loop3A_413 = arith.index_cast %parallel_loop3A_411 : i32 to index
        %parallel_loop3A_414 = arith.index_cast %parallel_loop3A_285 : i32 to index
        %parallel_loop3A_415 = tpu.vector_load %arg8[%parallel_loop3A_412, %parallel_loop3A_413, %parallel_loop3A_414] {strides = array<i32>} : memref<2x16x512xf32, #tpu.memory_space<vmem>>, vector<16xf32>,
        tpu.vector_store %arg8[%parallel_loop3A_412, %parallel_loop3A_413, %parallel_loop3A_414], %parallel_loop3A_403 {add = true, strides = array<i32>} : memref<2x16x512xf32, #tpu.memory_space<vmem>>, vector<16xf32>,
        %parallel_loop3A_416 = arith.constant 31752 : i32
        %parallel_loop3A_417 = vector.broadcast %parallel_loop3A_416 : i32 to vector<16xi32>
        %parallel_loop3A_418 = arith.addi %parallel_loop3A_287, %parallel_loop3A_417 : vector<16xi32>
        %parallel_loop3A_419 = tpu.vector_load_idx %arg6[%parallel_loop3A_418] : memref<63504xf32, #tpu.memory_space<vmem>>[vector<16xi32>], vector<16xf32>,
        %parallel_loop3A_420 = arith.constant 0 : i32
        %parallel_loop3A_421 = arith.constant 8 : i32
        %parallel_loop3A_422 = arith.index_cast %parallel_loop3A_420 : i32 to index
        %parallel_loop3A_423 = arith.index_cast %parallel_loop3A_421 : i32 to index
        %parallel_loop3A_424 = arith.index_cast %parallel_loop3A_285 : i32 to index
        %parallel_loop3A_425 = tpu.vector_load %arg8[%parallel_loop3A_422, %parallel_loop3A_423, %parallel_loop3A_424] {strides = array<i32>} : memref<2x16x512xf32, #tpu.memory_space<vmem>>, vector<16xf32>,
        tpu.vector_store %arg8[%parallel_loop3A_422, %parallel_loop3A_423, %parallel_loop3A_424], %parallel_loop3A_419 {add = true, strides = array<i32>} : memref<2x16x512xf32, #tpu.memory_space<vmem>>, vector<16xf32>,
        %parallel_loop3A_426 = arith.constant 1 : i32
        %parallel_loop3A_427 = arith.constant 8 : i32
        %parallel_loop3A_428 = arith.index_cast %parallel_loop3A_426 : i32 to index
        %parallel_loop3A_429 = arith.index_cast %parallel_loop3A_427 : i32 to index
        %parallel_loop3A_430 = arith.index_cast %parallel_loop3A_285 : i32 to index
        %parallel_loop3A_431 = tpu.vector_load %arg8[%parallel_loop3A_428, %parallel_loop3A_429, %parallel_loop3A_430] {strides = array<i32>} : memref<2x16x512xf32, #tpu.memory_space<vmem>>, vector<16xf32>,
        tpu.vector_store %arg8[%parallel_loop3A_428, %parallel_loop3A_429, %parallel_loop3A_430], %parallel_loop3A_419 {add = true, strides = array<i32>} : memref<2x16x512xf32, #tpu.memory_space<vmem>>, vector<16xf32>,
        %parallel_loop3A_432 = arith.constant 35721 : i32
        %parallel_loop3A_433 = vector.broadcast %parallel_loop3A_432 : i32 to vector<16xi32>
        %parallel_loop3A_434 = arith.addi %parallel_loop3A_287, %parallel_loop3A_433 : vector<16xi32>
        %parallel_loop3A_435 = tpu.vector_load_idx %arg6[%parallel_loop3A_434] : memref<63504xf32, #tpu.memory_space<vmem>>[vector<16xi32>], vector<16xf32>,
        %parallel_loop3A_436 = arith.constant 0 : i32
        %parallel_loop3A_437 = arith.constant 9 : i32
        %parallel_loop3A_438 = arith.index_cast %parallel_loop3A_436 : i32 to index
        %parallel_loop3A_439 = arith.index_cast %parallel_loop3A_437 : i32 to index
        %parallel_loop3A_440 = arith.index_cast %parallel_loop3A_285 : i32 to index
        %parallel_loop3A_441 = tpu.vector_load %arg8[%parallel_loop3A_438, %parallel_loop3A_439, %parallel_loop3A_440] {strides = array<i32>} : memref<2x16x512xf32, #tpu.memory_space<vmem>>, vector<16xf32>,
        tpu.vector_store %arg8[%parallel_loop3A_438, %parallel_loop3A_439, %parallel_loop3A_440], %parallel_loop3A_435 {add = true, strides = array<i32>} : memref<2x16x512xf32, #tpu.memory_space<vmem>>, vector<16xf32>,
        %parallel_loop3A_442 = arith.constant 1 : i32
        %parallel_loop3A_443 = arith.constant 9 : i32
        %parallel_loop3A_444 = arith.index_cast %parallel_loop3A_442 : i32 to index
        %parallel_loop3A_445 = arith.index_cast %parallel_loop3A_443 : i32 to index
        %parallel_loop3A_446 = arith.index_cast %parallel_loop3A_285 : i32 to index
        %parallel_loop3A_447 = tpu.vector_load %arg8[%parallel_loop3A_444, %parallel_loop3A_445, %parallel_loop3A_446] {strides = array<i32>} : memref<2x16x512xf32, #tpu.memory_space<vmem>>, vector<16xf32>,
        tpu.vector_store %arg8[%parallel_loop3A_444, %parallel_loop3A_445, %parallel_loop3A_446], %parallel_loop3A_435 {add = true, strides = array<i32>} : memref<2x16x512xf32, #tpu.memory_space<vmem>>, vector<16xf32>,
        %parallel_loop3A_448 = arith.constant 39690 : i32
        %parallel_loop3A_449 = vector.broadcast %parallel_loop3A_448 : i32 to vector<16xi32>
        %parallel_loop3A_450 = arith.addi %parallel_loop3A_287, %parallel_loop3A_449 : vector<16xi32>
        %parallel_loop3A_451 = tpu.vector_load_idx %arg6[%parallel_loop3A_450] : memref<63504xf32, #tpu.memory_space<vmem>>[vector<16xi32>], vector<16xf32>,
        %parallel_loop3A_452 = arith.constant 0 : i32
        %parallel_loop3A_453 = arith.constant 10 : i32
        %parallel_loop3A_454 = arith.index_cast %parallel_loop3A_452 : i32 to index
        %parallel_loop3A_455 = arith.index_cast %parallel_loop3A_453 : i32 to index
        %parallel_loop3A_456 = arith.index_cast %parallel_loop3A_285 : i32 to index
        %parallel_loop3A_457 = tpu.vector_load %arg8[%parallel_loop3A_454, %parallel_loop3A_455, %parallel_loop3A_456] {strides = array<i32>} : memref<2x16x512xf32, #tpu.memory_space<vmem>>, vector<16xf32>,
        tpu.vector_store %arg8[%parallel_loop3A_454, %parallel_loop3A_455, %parallel_loop3A_456], %parallel_loop3A_451 {add = true, strides = array<i32>} : memref<2x16x512xf32, #tpu.memory_space<vmem>>, vector<16xf32>,
        %parallel_loop3A_458 = arith.constant 1 : i32
        %parallel_loop3A_459 = arith.constant 10 : i32
        %parallel_loop3A_460 = arith.index_cast %parallel_loop3A_458 : i32 to index
        %parallel_loop3A_461 = arith.index_cast %parallel_loop3A_459 : i32 to index
        %parallel_loop3A_462 = arith.index_cast %parallel_loop3A_285 : i32 to index
        %parallel_loop3A_463 = tpu.vector_load %arg8[%parallel_loop3A_460, %parallel_loop3A_461, %parallel_loop3A_462] {strides = array<i32>} : memref<2x16x512xf32, #tpu.memory_space<vmem>>, vector<16xf32>,
        tpu.vector_store %arg8[%parallel_loop3A_460, %parallel_loop3A_461, %parallel_loop3A_462], %parallel_loop3A_451 {add = true, strides = array<i32>} : memref<2x16x512xf32, #tpu.memory_space<vmem>>, vector<16xf32>,
        %parallel_loop3A_464 = arith.constant 43659 : i32
        %parallel_loop3A_465 = vector.broadcast %parallel_loop3A_464 : i32 to vector<16xi32>
        %parallel_loop3A_466 = arith.addi %parallel_loop3A_287, %parallel_loop3A_465 : vector<16xi32>
        %parallel_loop3A_467 = tpu.vector_load_idx %arg6[%parallel_loop3A_466] : memref<63504xf32, #tpu.memory_space<vmem>>[vector<16xi32>], vector<16xf32>,
        %parallel_loop3A_468 = arith.constant 0 : i32
        %parallel_loop3A_469 = arith.constant 11 : i32
        %parallel_loop3A_470 = arith.index_cast %parallel_loop3A_468 : i32 to index
        %parallel_loop3A_471 = arith.index_cast %parallel_loop3A_469 : i32 to index
        %parallel_loop3A_472 = arith.index_cast %parallel_loop3A_285 : i32 to index
        %parallel_loop3A_473 = tpu.vector_load %arg8[%parallel_loop3A_470, %parallel_loop3A_471, %parallel_loop3A_472] {strides = array<i32>} : memref<2x16x512xf32, #tpu.memory_space<vmem>>, vector<16xf32>,
        tpu.vector_store %arg8[%parallel_loop3A_470, %parallel_loop3A_471, %parallel_loop3A_472], %parallel_loop3A_467 {add = true, strides = array<i32>} : memref<2x16x512xf32, #tpu.memory_space<vmem>>, vector<16xf32>,
        %parallel_loop3A_474 = arith.constant 1 : i32
        %parallel_loop3A_475 = arith.constant 11 : i32
        %parallel_loop3A_476 = arith.index_cast %parallel_loop3A_474 : i32 to index
        %parallel_loop3A_477 = arith.index_cast %parallel_loop3A_475 : i32 to index
        %parallel_loop3A_478 = arith.index_cast %parallel_loop3A_285 : i32 to index
        %parallel_loop3A_479 = tpu.vector_load %arg8[%parallel_loop3A_476, %parallel_loop3A_477, %parallel_loop3A_478] {strides = array<i32>} : memref<2x16x512xf32, #tpu.memory_space<vmem>>, vector<16xf32>,
        tpu.vector_store %arg8[%parallel_loop3A_476, %parallel_loop3A_477, %parallel_loop3A_478], %parallel_loop3A_467 {add = true, strides = array<i32>} : memref<2x16x512xf32, #tpu.memory_space<vmem>>, vector<16xf32>,
        %parallel_loop3A_480 = arith.constant 47628 : i32
        %parallel_loop3A_481 = vector.broadcast %parallel_loop3A_480 : i32 to vector<16xi32>
        %parallel_loop3A_482 = arith.addi %parallel_loop3A_287, %parallel_loop3A_481 : vector<16xi32>
        %parallel_loop3A_483 = tpu.vector_load_idx %arg6[%parallel_loop3A_482] : memref<63504xf32, #tpu.memory_space<vmem>>[vector<16xi32>], vector<16xf32>,
        %parallel_loop3A_484 = arith.constant 0 : i32
        %parallel_loop3A_485 = arith.constant 12 : i32
        %parallel_loop3A_486 = arith.index_cast %parallel_loop3A_484 : i32 to index
        %parallel_loop3A_487 = arith.index_cast %parallel_loop3A_485 : i32 to index
        %parallel_loop3A_488 = arith.index_cast %parallel_loop3A_285 : i32 to index
        %parallel_loop3A_489 = tpu.vector_load %arg8[%parallel_loop3A_486, %parallel_loop3A_487, %parallel_loop3A_488] {strides = array<i32>} : memref<2x16x512xf32, #tpu.memory_space<vmem>>, vector<16xf32>,
        tpu.vector_store %arg8[%parallel_loop3A_486, %parallel_loop3A_487, %parallel_loop3A_488], %parallel_loop3A_483 {add = true, strides = array<i32>} : memref<2x16x512xf32, #tpu.memory_space<vmem>>, vector<16xf32>,
        %parallel_loop3A_490 = arith.constant 1 : i32
        %parallel_loop3A_491 = arith.constant 12 : i32
        %parallel_loop3A_492 = arith.index_cast %parallel_loop3A_490 : i32 to index
        %parallel_loop3A_493 = arith.index_cast %parallel_loop3A_491 : i32 to index
        %parallel_loop3A_494 = arith.index_cast %parallel_loop3A_285 : i32 to index
        %parallel_loop3A_495 = tpu.vector_load %arg8[%parallel_loop3A_492, %parallel_loop3A_493, %parallel_loop3A_494] {strides = array<i32>} : memref<2x16x512xf32, #tpu.memory_space<vmem>>, vector<16xf32>,
        tpu.vector_store %arg8[%parallel_loop3A_492, %parallel_loop3A_493, %parallel_loop3A_494], %parallel_loop3A_483 {add = true, strides = array<i32>} : memref<2x16x512xf32, #tpu.memory_space<vmem>>, vector<16xf32>,
        %parallel_loop3A_496 = arith.constant 51597 : i32
        %parallel_loop3A_497 = vector.broadcast %parallel_loop3A_496 : i32 to vector<16xi32>
        %parallel_loop3A_498 = arith.addi %parallel_loop3A_287, %parallel_loop3A_497 : vector<16xi32>
        %parallel_loop3A_499 = tpu.vector_load_idx %arg6[%parallel_loop3A_498] : memref<63504xf32, #tpu.memory_space<vmem>>[vector<16xi32>], vector<16xf32>,
        %parallel_loop3A_500 = arith.constant 0 : i32
        %parallel_loop3A_501 = arith.constant 13 : i32
        %parallel_loop3A_502 = arith.index_cast %parallel_loop3A_500 : i32 to index
        %parallel_loop3A_503 = arith.index_cast %parallel_loop3A_501 : i32 to index
        %parallel_loop3A_504 = arith.index_cast %parallel_loop3A_285 : i32 to index
        %parallel_loop3A_505 = tpu.vector_load %arg8[%parallel_loop3A_502, %parallel_loop3A_503, %parallel_loop3A_504] {strides = array<i32>} : memref<2x16x512xf32, #tpu.memory_space<vmem>>, vector<16xf32>,
        tpu.vector_store %arg8[%parallel_loop3A_502, %parallel_loop3A_503, %parallel_loop3A_504], %parallel_loop3A_499 {add = true, strides = array<i32>} : memref<2x16x512xf32, #tpu.memory_space<vmem>>, vector<16xf32>,
        %parallel_loop3A_506 = arith.constant 1 : i32
        %parallel_loop3A_507 = arith.constant 13 : i32
        %parallel_loop3A_508 = arith.index_cast %parallel_loop3A_506 : i32 to index
        %parallel_loop3A_509 = arith.index_cast %parallel_loop3A_507 : i32 to index
        %parallel_loop3A_510 = arith.index_cast %parallel_loop3A_285 : i32 to index
        %parallel_loop3A_511 = tpu.vector_load %arg8[%parallel_loop3A_508, %parallel_loop3A_509, %parallel_loop3A_510] {strides = array<i32>} : memref<2x16x512xf32, #tpu.memory_space<vmem>>, vector<16xf32>,
        tpu.vector_store %arg8[%parallel_loop3A_508, %parallel_loop3A_509, %parallel_loop3A_510], %parallel_loop3A_499 {add = true, strides = array<i32>} : memref<2x16x512xf32, #tpu.memory_space<vmem>>, vector<16xf32>,
        %parallel_loop3A_512 = arith.constant 55566 : i32
        %parallel_loop3A_513 = vector.broadcast %parallel_loop3A_512 : i32 to vector<16xi32>
        %parallel_loop3A_514 = arith.addi %parallel_loop3A_287, %parallel_loop3A_513 : vector<16xi32>
        %parallel_loop3A_515 = tpu.vector_load_idx %arg6[%parallel_loop3A_514] : memref<63504xf32, #tpu.memory_space<vmem>>[vector<16xi32>], vector<16xf32>,
        %parallel_loop3A_516 = arith.constant 0 : i32
        %parallel_loop3A_517 = arith.constant 14 : i32
        %parallel_loop3A_518 = arith.index_cast %parallel_loop3A_516 : i32 to index
        %parallel_loop3A_519 = arith.index_cast %parallel_loop3A_517 : i32 to index
        %parallel_loop3A_520 = arith.index_cast %parallel_loop3A_285 : i32 to index
        %parallel_loop3A_521 = tpu.vector_load %arg8[%parallel_loop3A_518, %parallel_loop3A_519, %parallel_loop3A_520] {strides = array<i32>} : memref<2x16x512xf32, #tpu.memory_space<vmem>>, vector<16xf32>,
        tpu.vector_store %arg8[%parallel_loop3A_518, %parallel_loop3A_519, %parallel_loop3A_520], %parallel_loop3A_515 {add = true, strides = array<i32>} : memref<2x16x512xf32, #tpu.memory_space<vmem>>, vector<16xf32>,
        %parallel_loop3A_522 = arith.constant 1 : i32
        %parallel_loop3A_523 = arith.constant 14 : i32
        %parallel_loop3A_524 = arith.index_cast %parallel_loop3A_522 : i32 to index
        %parallel_loop3A_525 = arith.index_cast %parallel_loop3A_523 : i32 to index
        %parallel_loop3A_526 = arith.index_cast %parallel_loop3A_285 : i32 to index
        %parallel_loop3A_527 = tpu.vector_load %arg8[%parallel_loop3A_524, %parallel_loop3A_525, %parallel_loop3A_526] {strides = array<i32>} : memref<2x16x512xf32, #tpu.memory_space<vmem>>, vector<16xf32>,
        tpu.vector_store %arg8[%parallel_loop3A_524, %parallel_loop3A_525, %parallel_loop3A_526], %parallel_loop3A_515 {add = true, strides = array<i32>} : memref<2x16x512xf32, #tpu.memory_space<vmem>>, vector<16xf32>,
        %parallel_loop3A_528 = arith.constant 59535 : i32
        %parallel_loop3A_529 = vector.broadcast %parallel_loop3A_528 : i32 to vector<16xi32>
        %parallel_loop3A_530 = arith.addi %parallel_loop3A_287, %parallel_loop3A_529 : vector<16xi32>
        %parallel_loop3A_531 = tpu.vector_load_idx %arg6[%parallel_loop3A_530] : memref<63504xf32, #tpu.memory_space<vmem>>[vector<16xi32>], vector<16xf32>,
        %parallel_loop3A_532 = arith.constant 0 : i32
        %parallel_loop3A_533 = arith.constant 15 : i32
        %parallel_loop3A_534 = arith.index_cast %parallel_loop3A_532 : i32 to index
        %parallel_loop3A_535 = arith.index_cast %parallel_loop3A_533 : i32 to index
        %parallel_loop3A_536 = arith.index_cast %parallel_loop3A_285 : i32 to index
        %parallel_loop3A_537 = tpu.vector_load %arg8[%parallel_loop3A_534, %parallel_loop3A_535, %parallel_loop3A_536] {strides = array<i32>} : memref<2x16x512xf32, #tpu.memory_space<vmem>>, vector<16xf32>,
        tpu.vector_store %arg8[%parallel_loop3A_534, %parallel_loop3A_535, %parallel_loop3A_536], %parallel_loop3A_531 {add = true, strides = array<i32>} : memref<2x16x512xf32, #tpu.memory_space<vmem>>, vector<16xf32>,
        %parallel_loop3A_538 = arith.constant 1 : i32
        %parallel_loop3A_539 = arith.constant 15 : i32
        %parallel_loop3A_540 = arith.index_cast %parallel_loop3A_538 : i32 to index
        %parallel_loop3A_541 = arith.index_cast %parallel_loop3A_539 : i32 to index
        %parallel_loop3A_542 = arith.index_cast %parallel_loop3A_285 : i32 to index
        %parallel_loop3A_543 = tpu.vector_load %arg8[%parallel_loop3A_540, %parallel_loop3A_541, %parallel_loop3A_542] {strides = array<i32>} : memref<2x16x512xf32, #tpu.memory_space<vmem>>, vector<16xf32>,
        tpu.vector_store %arg8[%parallel_loop3A_540, %parallel_loop3A_541, %parallel_loop3A_542], %parallel_loop3A_531 {add = true, strides = array<i32>} : memref<2x16x512xf32, #tpu.memory_space<vmem>>, vector<16xf32>,
      } {sc.loop_unroll_factor = 1 : i64, sc.parallel_access}
      %dma_start3A_158 = arith.constant 0 : i32
      %dma_start3A_159 = arith.constant 0 : i32
      %dma_start3A_160 = arith.constant 512 : i32
      %dma_start3A_161 = tpu.memref_slice %arg5[%dma_start3A_158, %dma_start3A_159, %add3A_113, %dma_start3A_160] : memref<2x16x1024x1024xf32, #tpu.memory_space<hbm>> -> memref<2x16x1x512xf32, #tpu.memory_space<hbm>>
      %dma_start3A_162 = tpu.memref_squeeze %dma_start3A_161 : memref<2x16x1x512xf32, #tpu.memory_space<hbm>> -> memref<2x16x512xf32, #tpu.memory_space<hbm>>
      %dma_start3A_163 = arith.constant 0 : i32
      %dma_start3A_164 = arith.constant 0 : i32
      %dma_start3A_165 = arith.constant 512 : i32
      %dma_start3A_166 = tpu.memref_slice %arg5[%dma_start3A_163, %dma_start3A_164, %add3A_113, %dma_start3A_165] : memref<2x16x1024x1024xf32, #tpu.memory_space<hbm>> -> memref<2x16x1x512xf32, #tpu.memory_space<hbm>>
      %dma_start3A_167 = tpu.memref_squeeze %dma_start3A_166 : memref<2x16x1x512xf32, #tpu.memory_space<hbm>> -> memref<2x16x512xf32, #tpu.memory_space<hbm>>
      tpu.enqueue_dma source(%arg8 : memref<2x16x512xf32, #tpu.memory_space<vmem>>) target(%dma_start3A_167 : memref<2x16x512xf32, #tpu.memory_space<hbm>>) target_semaphore(%arg18 : memref<!tpu.dma_semaphore, #tpu.memory_space<semaphore_mem>>)
      %mul3A_168 = arith.constant 2 : i32
      %mul3A_169 = arith.muli %mul3A_168, %scan3A_55 : i32
      %add3A_170 = arith.addi %mul3A_2, %mul3A_169 : i32
      %add3A_171 = arith.constant 1 : i32
      %add3A_172 = arith.addi %add3A_170, %add3A_171 : i32
      %sub3A_173 = arith.constant 1 : i32
      %sub3A_174 = arith.subi %add3A_172, %sub3A_173 : i32
      %dma_wait3A_175 = arith.constant 0 : i32
      %dma_wait3A_176 = arith.constant 0 : i32
      %dma_wait3A_177 = arith.constant 0 : i32
      %dma_wait3A_178 = tpu.memref_slice %arg5[%dma_wait3A_175, %dma_wait3A_176, %sub3A_174, %dma_wait3A_177] : memref<2x16x1024x1024xf32, #tpu.memory_space<hbm>> -> memref<2x16x1x512xf32, #tpu.memory_space<hbm>>
      %dma_wait3A_179 = tpu.memref_squeeze %dma_wait3A_178 : memref<2x16x1x512xf32, #tpu.memory_space<hbm>> -> memref<2x16x512xf32, #tpu.memory_space<hbm>>
      %dma_wait3A_180 = arith.constant 0 : i32
      %dma_wait3A_181 = arith.constant 0 : i32
      %dma_wait3A_182 = arith.constant 0 : i32
      %dma_wait3A_183 = tpu.memref_slice %arg5[%dma_wait3A_180, %dma_wait3A_181, %sub3A_174, %dma_wait3A_182] : memref<2x16x1024x1024xf32, #tpu.memory_space<hbm>> -> memref<2x16x1x512xf32, #tpu.memory_space<hbm>>
      %dma_wait3A_184 = tpu.memref_squeeze %dma_wait3A_183 : memref<2x16x1x512xf32, #tpu.memory_space<hbm>> -> memref<2x16x512xf32, #tpu.memory_space<hbm>>
      tpu.wait_dma2 semaphore(%arg17 : memref<!tpu.dma_semaphore, #tpu.memory_space<semaphore_mem>>) src(%arg7 : memref<2x16x512xf32, #tpu.memory_space<vmem>>) dst(%dma_wait3A_184 : memref<2x16x512xf32, #tpu.memory_space<hbm>>)
      %lt3A = arith.constant 15 : i32
      %lt3A_185 = arith.cmpi slt, %scan3A_55, %lt3A : i32
      %convert_element_type3A_186 = arith.extui %lt3A_185 : i1 to i32
      %cond3A_187 = arith.constant 0 : i32
      %cond3A_188 = arith.cmpi ne, %convert_element_type3A_186, %cond3A_187 : i32
      scf.if %cond3A_188 {
        %add3A_282 = arith.constant 1 : i32
        %add3A_283 = arith.addi %add3A_172, %add3A_282 : i32
        %dma_start3A_284 = arith.constant 0 : i32
        %dma_start3A_285 = arith.constant 0 : i32
        %dma_start3A_286 = arith.constant 0 : i32
        %dma_start3A_287 = tpu.memref_slice %arg2[%dma_start3A_284, %dma_start3A_285, %add3A_283, %dma_start3A_286] : memref<2x16x1024x1024xf32, #tpu.memory_space<hbm>> -> memref<2x16x1x512xf32, #tpu.memory_space<hbm>>
        %dma_start3A_288 = tpu.memref_squeeze %dma_start3A_287 : memref<2x16x1x512xf32, #tpu.memory_space<hbm>> -> memref<2x16x512xf32, #tpu.memory_space<hbm>>
        %dma_start3A_289 = arith.constant 0 : i32
        %dma_start3A_290 = arith.constant 0 : i32
        %dma_start3A_291 = arith.constant 0 : i32
        %dma_start3A_292 = tpu.memref_slice %arg2[%dma_start3A_289, %dma_start3A_290, %add3A_283, %dma_start3A_291] : memref<2x16x1024x1024xf32, #tpu.memory_space<hbm>> -> memref<2x16x1x512xf32, #tpu.memory_space<hbm>>
        %dma_start3A_293 = tpu.memref_squeeze %dma_start3A_292 : memref<2x16x1x512xf32, #tpu.memory_space<hbm>> -> memref<2x16x512xf32, #tpu.memory_space<hbm>>
        tpu.enqueue_dma source(%dma_start3A_293 : memref<2x16x512xf32, #tpu.memory_space<hbm>>) target(%arg7 : memref<2x16x512xf32, #tpu.memory_space<vmem>>) target_semaphore(%arg13 : memref<!tpu.dma_semaphore, #tpu.memory_space<semaphore_mem>>)
      } else {
      }
      %dma_start3A_189 = arith.constant 512 : i32
      %dma_start3A_190 = tpu.memref_slice %arg4[%add3A_172, %dma_start3A_189] : memref<1024x1024xi32, #tpu.memory_space<hbm>> -> memref<1x512xi32, #tpu.memory_space<hbm>>
      %dma_start3A_191 = tpu.memref_squeeze %dma_start3A_190 : memref<1x512xi32, #tpu.memory_space<hbm>> -> memref<512xi32, #tpu.memory_space<hbm>>
      %dma_start3A_192 = arith.constant 512 : i32
      %dma_start3A_193 = tpu.memref_slice %arg4[%add3A_172, %dma_start3A_192] : memref<1024x1024xi32, #tpu.memory_space<hbm>> -> memref<1x512xi32, #tpu.memory_space<hbm>>
      %dma_start3A_194 = tpu.memref_squeeze %dma_start3A_193 : memref<1x512xi32, #tpu.memory_space<hbm>> -> memref<512xi32, #tpu.memory_space<hbm>>
      tpu.enqueue_dma source(%dma_start3A_194 : memref<512xi32, #tpu.memory_space<hbm>>) target(%arg12 : memref<512xi32, #tpu.memory_space<vmem>>) target_semaphore(%arg22 : memref<!tpu.dma_semaphore, #tpu.memory_space<semaphore_mem>>)
      %dma_wait3A_195 = arith.constant 0 : i32
      %dma_wait3A_196 = tpu.memref_slice %arg4[%add3A_172, %dma_wait3A_195] : memref<1024x1024xi32, #tpu.memory_space<hbm>> -> memref<1x512xi32, #tpu.memory_space<hbm>>
      %dma_wait3A_197 = tpu.memref_squeeze %dma_wait3A_196 : memref<1x512xi32, #tpu.memory_space<hbm>> -> memref<512xi32, #tpu.memory_space<hbm>>
      %dma_wait3A_198 = arith.constant 0 : i32
      %dma_wait3A_199 = tpu.memref_slice %arg4[%add3A_172, %dma_wait3A_198] : memref<1024x1024xi32, #tpu.memory_space<hbm>> -> memref<1x512xi32, #tpu.memory_space<hbm>>
      %dma_wait3A_200 = tpu.memref_squeeze %dma_wait3A_199 : memref<1x512xi32, #tpu.memory_space<hbm>> -> memref<512xi32, #tpu.memory_space<hbm>>
      tpu.wait_dma2 semaphore(%arg21 : memref<!tpu.dma_semaphore, #tpu.memory_space<semaphore_mem>>) src(%dma_wait3A_200 : memref<512xi32, #tpu.memory_space<hbm>>) dst(%arg11 : memref<512xi32, #tpu.memory_space<vmem>>)
      %dma_wait3A_201 = arith.constant 0 : i32
      %dma_wait3A_202 = arith.constant 0 : i32
      %dma_wait3A_203 = arith.constant 0 : i32
      %dma_wait3A_204 = tpu.memref_slice %arg2[%dma_wait3A_201, %dma_wait3A_202, %add3A_172, %dma_wait3A_203] : memref<2x16x1024x1024xf32, #tpu.memory_space<hbm>> -> memref<2x16x1x512xf32, #tpu.memory_space<hbm>>
      %dma_wait3A_205 = tpu.memref_squeeze %dma_wait3A_204 : memref<2x16x1x512xf32, #tpu.memory_space<hbm>> -> memref<2x16x512xf32, #tpu.memory_space<hbm>>
      %dma_wait3A_206 = arith.constant 0 : i32
      %dma_wait3A_207 = arith.constant 0 : i32
      %dma_wait3A_208 = arith.constant 0 : i32
      %dma_wait3A_209 = tpu.memref_slice %arg2[%dma_wait3A_206, %dma_wait3A_207, %add3A_172, %dma_wait3A_208] : memref<2x16x1024x1024xf32, #tpu.memory_space<hbm>> -> memref<2x16x1x512xf32, #tpu.memory_space<hbm>>
      %dma_wait3A_210 = tpu.memref_squeeze %dma_wait3A_209 : memref<2x16x1x512xf32, #tpu.memory_space<hbm>> -> memref<2x16x512xf32, #tpu.memory_space<hbm>>
      tpu.wait_dma2 semaphore(%arg15 : memref<!tpu.dma_semaphore, #tpu.memory_space<semaphore_mem>>) src(%dma_wait3A_210 : memref<2x16x512xf32, #tpu.memory_space<hbm>>) dst(%arg9 : memref<2x16x512xf32, #tpu.memory_space<vmem>>)
      %parallel_loop3A_211 = arith.constant 0 : i32
      %parallel_loop3A_212 = arith.constant 32 : i32
      %parallel_loop3A_213 = arith.constant 1 : i32
      scf.for %parallel_loop3A_282 = %parallel_loop3A_211 to %parallel_loop3A_212 step %parallel_loop3A_213  : i32 {
        %parallel_loop3A_283 = arith.constant 16 : i32
        %parallel_loop3A_284 = arith.muli %parallel_loop3A_282, %parallel_loop3A_283 : i32
        %parallel_loop3A_285 = tpu.assume_multiple %parallel_loop3A_284, 16 : i32
        %parallel_loop3A_286 = arith.index_cast %parallel_loop3A_285 : i32 to index
        %parallel_loop3A_287 = tpu.vector_load %arg11[%parallel_loop3A_286] {strides = array<i32>} : memref<512xi32, #tpu.memory_space<vmem>>, vector<16xi32>,
        %parallel_loop3A_288 = arith.constant 0 : i32
        %parallel_loop3A_289 = vector.broadcast %parallel_loop3A_288 : i32 to vector<16xi32>
        %parallel_loop3A_290 = arith.addi %parallel_loop3A_287, %parallel_loop3A_289 : vector<16xi32>
        %parallel_loop3A_291 = tpu.vector_load_idx %arg6[%parallel_loop3A_290] : memref<63504xf32, #tpu.memory_space<vmem>>[vector<16xi32>], vector<16xf32>,
        %parallel_loop3A_292 = arith.constant 0 : i32
        %parallel_loop3A_293 = arith.constant 0 : i32
        %parallel_loop3A_294 = arith.index_cast %parallel_loop3A_292 : i32 to index
        %parallel_loop3A_295 = arith.index_cast %parallel_loop3A_293 : i32 to index
        %parallel_loop3A_296 = arith.index_cast %parallel_loop3A_285 : i32 to index
        %parallel_loop3A_297 = tpu.vector_load %arg9[%parallel_loop3A_294, %parallel_loop3A_295, %parallel_loop3A_296] {strides = array<i32>} : memref<2x16x512xf32, #tpu.memory_space<vmem>>, vector<16xf32>,
        tpu.vector_store %arg9[%parallel_loop3A_294, %parallel_loop3A_295, %parallel_loop3A_296], %parallel_loop3A_291 {add = true, strides = array<i32>} : memref<2x16x512xf32, #tpu.memory_space<vmem>>, vector<16xf32>,
        %parallel_loop3A_298 = arith.constant 1 : i32
        %parallel_loop3A_299 = arith.constant 0 : i32
        %parallel_loop3A_300 = arith.index_cast %parallel_loop3A_298 : i32 to index
        %parallel_loop3A_301 = arith.index_cast %parallel_loop3A_299 : i32 to index
        %parallel_loop3A_302 = arith.index_cast %parallel_loop3A_285 : i32 to index
        %parallel_loop3A_303 = tpu.vector_load %arg9[%parallel_loop3A_300, %parallel_loop3A_301, %parallel_loop3A_302] {strides = array<i32>} : memref<2x16x512xf32, #tpu.memory_space<vmem>>, vector<16xf32>,
        tpu.vector_store %arg9[%parallel_loop3A_300, %parallel_loop3A_301, %parallel_loop3A_302], %parallel_loop3A_291 {add = true, strides = array<i32>} : memref<2x16x512xf32, #tpu.memory_space<vmem>>, vector<16xf32>,
        %parallel_loop3A_304 = arith.constant 3969 : i32
        %parallel_loop3A_305 = vector.broadcast %parallel_loop3A_304 : i32 to vector<16xi32>
        %parallel_loop3A_306 = arith.addi %parallel_loop3A_287, %parallel_loop3A_305 : vector<16xi32>
        %parallel_loop3A_307 = tpu.vector_load_idx %arg6[%parallel_loop3A_306] : memref<63504xf32, #tpu.memory_space<vmem>>[vector<16xi32>], vector<16xf32>,
        %parallel_loop3A_308 = arith.constant 0 : i32
        %parallel_loop3A_309 = arith.constant 1 : i32
        %parallel_loop3A_310 = arith.index_cast %parallel_loop3A_308 : i32 to index
        %parallel_loop3A_311 = arith.index_cast %parallel_loop3A_309 : i32 to index
        %parallel_loop3A_312 = arith.index_cast %parallel_loop3A_285 : i32 to index
        %parallel_loop3A_313 = tpu.vector_load %arg9[%parallel_loop3A_310, %parallel_loop3A_311, %parallel_loop3A_312] {strides = array<i32>} : memref<2x16x512xf32, #tpu.memory_space<vmem>>, vector<16xf32>,
        tpu.vector_store %arg9[%parallel_loop3A_310, %parallel_loop3A_311, %parallel_loop3A_312], %parallel_loop3A_307 {add = true, strides = array<i32>} : memref<2x16x512xf32, #tpu.memory_space<vmem>>, vector<16xf32>,
        %parallel_loop3A_314 = arith.constant 1 : i32
        %parallel_loop3A_315 = arith.constant 1 : i32
        %parallel_loop3A_316 = arith.index_cast %parallel_loop3A_314 : i32 to index
        %parallel_loop3A_317 = arith.index_cast %parallel_loop3A_315 : i32 to index
        %parallel_loop3A_318 = arith.index_cast %parallel_loop3A_285 : i32 to index
        %parallel_loop3A_319 = tpu.vector_load %arg9[%parallel_loop3A_316, %parallel_loop3A_317, %parallel_loop3A_318] {strides = array<i32>} : memref<2x16x512xf32, #tpu.memory_space<vmem>>, vector<16xf32>,
        tpu.vector_store %arg9[%parallel_loop3A_316, %parallel_loop3A_317, %parallel_loop3A_318], %parallel_loop3A_307 {add = true, strides = array<i32>} : memref<2x16x512xf32, #tpu.memory_space<vmem>>, vector<16xf32>,
        %parallel_loop3A_320 = arith.constant 7938 : i32
        %parallel_loop3A_321 = vector.broadcast %parallel_loop3A_320 : i32 to vector<16xi32>
        %parallel_loop3A_322 = arith.addi %parallel_loop3A_287, %parallel_loop3A_321 : vector<16xi32>
        %parallel_loop3A_323 = tpu.vector_load_idx %arg6[%parallel_loop3A_322] : memref<63504xf32, #tpu.memory_space<vmem>>[vector<16xi32>], vector<16xf32>,
        %parallel_loop3A_324 = arith.constant 0 : i32
        %parallel_loop3A_325 = arith.constant 2 : i32
        %parallel_loop3A_326 = arith.index_cast %parallel_loop3A_324 : i32 to index
        %parallel_loop3A_327 = arith.index_cast %parallel_loop3A_325 : i32 to index
        %parallel_loop3A_328 = arith.index_cast %parallel_loop3A_285 : i32 to index
        %parallel_loop3A_329 = tpu.vector_load %arg9[%parallel_loop3A_326, %parallel_loop3A_327, %parallel_loop3A_328] {strides = array<i32>} : memref<2x16x512xf32, #tpu.memory_space<vmem>>, vector<16xf32>,
        tpu.vector_store %arg9[%parallel_loop3A_326, %parallel_loop3A_327, %parallel_loop3A_328], %parallel_loop3A_323 {add = true, strides = array<i32>} : memref<2x16x512xf32, #tpu.memory_space<vmem>>, vector<16xf32>,
        %parallel_loop3A_330 = arith.constant 1 : i32
        %parallel_loop3A_331 = arith.constant 2 : i32
        %parallel_loop3A_332 = arith.index_cast %parallel_loop3A_330 : i32 to index
        %parallel_loop3A_333 = arith.index_cast %parallel_loop3A_331 : i32 to index
        %parallel_loop3A_334 = arith.index_cast %parallel_loop3A_285 : i32 to index
        %parallel_loop3A_335 = tpu.vector_load %arg9[%parallel_loop3A_332, %parallel_loop3A_333, %parallel_loop3A_334] {strides = array<i32>} : memref<2x16x512xf32, #tpu.memory_space<vmem>>, vector<16xf32>,
        tpu.vector_store %arg9[%parallel_loop3A_332, %parallel_loop3A_333, %parallel_loop3A_334], %parallel_loop3A_323 {add = true, strides = array<i32>} : memref<2x16x512xf32, #tpu.memory_space<vmem>>, vector<16xf32>,
        %parallel_loop3A_336 = arith.constant 11907 : i32
        %parallel_loop3A_337 = vector.broadcast %parallel_loop3A_336 : i32 to vector<16xi32>
        %parallel_loop3A_338 = arith.addi %parallel_loop3A_287, %parallel_loop3A_337 : vector<16xi32>
        %parallel_loop3A_339 = tpu.vector_load_idx %arg6[%parallel_loop3A_338] : memref<63504xf32, #tpu.memory_space<vmem>>[vector<16xi32>], vector<16xf32>,
        %parallel_loop3A_340 = arith.constant 0 : i32
        %parallel_loop3A_341 = arith.constant 3 : i32
        %parallel_loop3A_342 = arith.index_cast %parallel_loop3A_340 : i32 to index
        %parallel_loop3A_343 = arith.index_cast %parallel_loop3A_341 : i32 to index
        %parallel_loop3A_344 = arith.index_cast %parallel_loop3A_285 : i32 to index
        %parallel_loop3A_345 = tpu.vector_load %arg9[%parallel_loop3A_342, %parallel_loop3A_343, %parallel_loop3A_344] {strides = array<i32>} : memref<2x16x512xf32, #tpu.memory_space<vmem>>, vector<16xf32>,
        tpu.vector_store %arg9[%parallel_loop3A_342, %parallel_loop3A_343, %parallel_loop3A_344], %parallel_loop3A_339 {add = true, strides = array<i32>} : memref<2x16x512xf32, #tpu.memory_space<vmem>>, vector<16xf32>,
        %parallel_loop3A_346 = arith.constant 1 : i32
        %parallel_loop3A_347 = arith.constant 3 : i32
        %parallel_loop3A_348 = arith.index_cast %parallel_loop3A_346 : i32 to index
        %parallel_loop3A_349 = arith.index_cast %parallel_loop3A_347 : i32 to index
        %parallel_loop3A_350 = arith.index_cast %parallel_loop3A_285 : i32 to index
        %parallel_loop3A_351 = tpu.vector_load %arg9[%parallel_loop3A_348, %parallel_loop3A_349, %parallel_loop3A_350] {strides = array<i32>} : memref<2x16x512xf32, #tpu.memory_space<vmem>>, vector<16xf32>,
        tpu.vector_store %arg9[%parallel_loop3A_348, %parallel_loop3A_349, %parallel_loop3A_350], %parallel_loop3A_339 {add = true, strides = array<i32>} : memref<2x16x512xf32, #tpu.memory_space<vmem>>, vector<16xf32>,
        %parallel_loop3A_352 = arith.constant 15876 : i32
        %parallel_loop3A_353 = vector.broadcast %parallel_loop3A_352 : i32 to vector<16xi32>
        %parallel_loop3A_354 = arith.addi %parallel_loop3A_287, %parallel_loop3A_353 : vector<16xi32>
        %parallel_loop3A_355 = tpu.vector_load_idx %arg6[%parallel_loop3A_354] : memref<63504xf32, #tpu.memory_space<vmem>>[vector<16xi32>], vector<16xf32>,
        %parallel_loop3A_356 = arith.constant 0 : i32
        %parallel_loop3A_357 = arith.constant 4 : i32
        %parallel_loop3A_358 = arith.index_cast %parallel_loop3A_356 : i32 to index
        %parallel_loop3A_359 = arith.index_cast %parallel_loop3A_357 : i32 to index
        %parallel_loop3A_360 = arith.index_cast %parallel_loop3A_285 : i32 to index
        %parallel_loop3A_361 = tpu.vector_load %arg9[%parallel_loop3A_358, %parallel_loop3A_359, %parallel_loop3A_360] {strides = array<i32>} : memref<2x16x512xf32, #tpu.memory_space<vmem>>, vector<16xf32>,
        tpu.vector_store %arg9[%parallel_loop3A_358, %parallel_loop3A_359, %parallel_loop3A_360], %parallel_loop3A_355 {add = true, strides = array<i32>} : memref<2x16x512xf32, #tpu.memory_space<vmem>>, vector<16xf32>,
        %parallel_loop3A_362 = arith.constant 1 : i32
        %parallel_loop3A_363 = arith.constant 4 : i32
        %parallel_loop3A_364 = arith.index_cast %parallel_loop3A_362 : i32 to index
        %parallel_loop3A_365 = arith.index_cast %parallel_loop3A_363 : i32 to index
        %parallel_loop3A_366 = arith.index_cast %parallel_loop3A_285 : i32 to index
        %parallel_loop3A_367 = tpu.vector_load %arg9[%parallel_loop3A_364, %parallel_loop3A_365, %parallel_loop3A_366] {strides = array<i32>} : memref<2x16x512xf32, #tpu.memory_space<vmem>>, vector<16xf32>,
        tpu.vector_store %arg9[%parallel_loop3A_364, %parallel_loop3A_365, %parallel_loop3A_366], %parallel_loop3A_355 {add = true, strides = array<i32>} : memref<2x16x512xf32, #tpu.memory_space<vmem>>, vector<16xf32>,
        %parallel_loop3A_368 = arith.constant 19845 : i32
        %parallel_loop3A_369 = vector.broadcast %parallel_loop3A_368 : i32 to vector<16xi32>
        %parallel_loop3A_370 = arith.addi %parallel_loop3A_287, %parallel_loop3A_369 : vector<16xi32>
        %parallel_loop3A_371 = tpu.vector_load_idx %arg6[%parallel_loop3A_370] : memref<63504xf32, #tpu.memory_space<vmem>>[vector<16xi32>], vector<16xf32>,
        %parallel_loop3A_372 = arith.constant 0 : i32
        %parallel_loop3A_373 = arith.constant 5 : i32
        %parallel_loop3A_374 = arith.index_cast %parallel_loop3A_372 : i32 to index
        %parallel_loop3A_375 = arith.index_cast %parallel_loop3A_373 : i32 to index
        %parallel_loop3A_376 = arith.index_cast %parallel_loop3A_285 : i32 to index
        %parallel_loop3A_377 = tpu.vector_load %arg9[%parallel_loop3A_374, %parallel_loop3A_375, %parallel_loop3A_376] {strides = array<i32>} : memref<2x16x512xf32, #tpu.memory_space<vmem>>, vector<16xf32>,
        tpu.vector_store %arg9[%parallel_loop3A_374, %parallel_loop3A_375, %parallel_loop3A_376], %parallel_loop3A_371 {add = true, strides = array<i32>} : memref<2x16x512xf32, #tpu.memory_space<vmem>>, vector<16xf32>,
        %parallel_loop3A_378 = arith.constant 1 : i32
        %parallel_loop3A_379 = arith.constant 5 : i32
        %parallel_loop3A_380 = arith.index_cast %parallel_loop3A_378 : i32 to index
        %parallel_loop3A_381 = arith.index_cast %parallel_loop3A_379 : i32 to index
        %parallel_loop3A_382 = arith.index_cast %parallel_loop3A_285 : i32 to index
        %parallel_loop3A_383 = tpu.vector_load %arg9[%parallel_loop3A_380, %parallel_loop3A_381, %parallel_loop3A_382] {strides = array<i32>} : memref<2x16x512xf32, #tpu.memory_space<vmem>>, vector<16xf32>,
        tpu.vector_store %arg9[%parallel_loop3A_380, %parallel_loop3A_381, %parallel_loop3A_382], %parallel_loop3A_371 {add = true, strides = array<i32>} : memref<2x16x512xf32, #tpu.memory_space<vmem>>, vector<16xf32>,
        %parallel_loop3A_384 = arith.constant 23814 : i32
        %parallel_loop3A_385 = vector.broadcast %parallel_loop3A_384 : i32 to vector<16xi32>
        %parallel_loop3A_386 = arith.addi %parallel_loop3A_287, %parallel_loop3A_385 : vector<16xi32>
        %parallel_loop3A_387 = tpu.vector_load_idx %arg6[%parallel_loop3A_386] : memref<63504xf32, #tpu.memory_space<vmem>>[vector<16xi32>], vector<16xf32>,
        %parallel_loop3A_388 = arith.constant 0 : i32
        %parallel_loop3A_389 = arith.constant 6 : i32
        %parallel_loop3A_390 = arith.index_cast %parallel_loop3A_388 : i32 to index
        %parallel_loop3A_391 = arith.index_cast %parallel_loop3A_389 : i32 to index
        %parallel_loop3A_392 = arith.index_cast %parallel_loop3A_285 : i32 to index
        %parallel_loop3A_393 = tpu.vector_load %arg9[%parallel_loop3A_390, %parallel_loop3A_391, %parallel_loop3A_392] {strides = array<i32>} : memref<2x16x512xf32, #tpu.memory_space<vmem>>, vector<16xf32>,
        tpu.vector_store %arg9[%parallel_loop3A_390, %parallel_loop3A_391, %parallel_loop3A_392], %parallel_loop3A_387 {add = true, strides = array<i32>} : memref<2x16x512xf32, #tpu.memory_space<vmem>>, vector<16xf32>,
        %parallel_loop3A_394 = arith.constant 1 : i32
        %parallel_loop3A_395 = arith.constant 6 : i32
        %parallel_loop3A_396 = arith.index_cast %parallel_loop3A_394 : i32 to index
        %parallel_loop3A_397 = arith.index_cast %parallel_loop3A_395 : i32 to index
        %parallel_loop3A_398 = arith.index_cast %parallel_loop3A_285 : i32 to index
        %parallel_loop3A_399 = tpu.vector_load %arg9[%parallel_loop3A_396, %parallel_loop3A_397, %parallel_loop3A_398] {strides = array<i32>} : memref<2x16x512xf32, #tpu.memory_space<vmem>>, vector<16xf32>,
        tpu.vector_store %arg9[%parallel_loop3A_396, %parallel_loop3A_397, %parallel_loop3A_398], %parallel_loop3A_387 {add = true, strides = array<i32>} : memref<2x16x512xf32, #tpu.memory_space<vmem>>, vector<16xf32>,
        %parallel_loop3A_400 = arith.constant 27783 : i32
        %parallel_loop3A_401 = vector.broadcast %parallel_loop3A_400 : i32 to vector<16xi32>
        %parallel_loop3A_402 = arith.addi %parallel_loop3A_287, %parallel_loop3A_401 : vector<16xi32>
        %parallel_loop3A_403 = tpu.vector_load_idx %arg6[%parallel_loop3A_402] : memref<63504xf32, #tpu.memory_space<vmem>>[vector<16xi32>], vector<16xf32>,
        %parallel_loop3A_404 = arith.constant 0 : i32
        %parallel_loop3A_405 = arith.constant 7 : i32
        %parallel_loop3A_406 = arith.index_cast %parallel_loop3A_404 : i32 to index
        %parallel_loop3A_407 = arith.index_cast %parallel_loop3A_405 : i32 to index
        %parallel_loop3A_408 = arith.index_cast %parallel_loop3A_285 : i32 to index
        %parallel_loop3A_409 = tpu.vector_load %arg9[%parallel_loop3A_406, %parallel_loop3A_407, %parallel_loop3A_408] {strides = array<i32>} : memref<2x16x512xf32, #tpu.memory_space<vmem>>, vector<16xf32>,
        tpu.vector_store %arg9[%parallel_loop3A_406, %parallel_loop3A_407, %parallel_loop3A_408], %parallel_loop3A_403 {add = true, strides = array<i32>} : memref<2x16x512xf32, #tpu.memory_space<vmem>>, vector<16xf32>,
        %parallel_loop3A_410 = arith.constant 1 : i32
        %parallel_loop3A_411 = arith.constant 7 : i32
        %parallel_loop3A_412 = arith.index_cast %parallel_loop3A_410 : i32 to index
        %parallel_loop3A_413 = arith.index_cast %parallel_loop3A_411 : i32 to index
        %parallel_loop3A_414 = arith.index_cast %parallel_loop3A_285 : i32 to index
        %parallel_loop3A_415 = tpu.vector_load %arg9[%parallel_loop3A_412, %parallel_loop3A_413, %parallel_loop3A_414] {strides = array<i32>} : memref<2x16x512xf32, #tpu.memory_space<vmem>>, vector<16xf32>,
        tpu.vector_store %arg9[%parallel_loop3A_412, %parallel_loop3A_413, %parallel_loop3A_414], %parallel_loop3A_403 {add = true, strides = array<i32>} : memref<2x16x512xf32, #tpu.memory_space<vmem>>, vector<16xf32>,
        %parallel_loop3A_416 = arith.constant 31752 : i32
        %parallel_loop3A_417 = vector.broadcast %parallel_loop3A_416 : i32 to vector<16xi32>
        %parallel_loop3A_418 = arith.addi %parallel_loop3A_287, %parallel_loop3A_417 : vector<16xi32>
        %parallel_loop3A_419 = tpu.vector_load_idx %arg6[%parallel_loop3A_418] : memref<63504xf32, #tpu.memory_space<vmem>>[vector<16xi32>], vector<16xf32>,
        %parallel_loop3A_420 = arith.constant 0 : i32
        %parallel_loop3A_421 = arith.constant 8 : i32
        %parallel_loop3A_422 = arith.index_cast %parallel_loop3A_420 : i32 to index
        %parallel_loop3A_423 = arith.index_cast %parallel_loop3A_421 : i32 to index
        %parallel_loop3A_424 = arith.index_cast %parallel_loop3A_285 : i32 to index
        %parallel_loop3A_425 = tpu.vector_load %arg9[%parallel_loop3A_422, %parallel_loop3A_423, %parallel_loop3A_424] {strides = array<i32>} : memref<2x16x512xf32, #tpu.memory_space<vmem>>, vector<16xf32>,
        tpu.vector_store %arg9[%parallel_loop3A_422, %parallel_loop3A_423, %parallel_loop3A_424], %parallel_loop3A_419 {add = true, strides = array<i32>} : memref<2x16x512xf32, #tpu.memory_space<vmem>>, vector<16xf32>,
        %parallel_loop3A_426 = arith.constant 1 : i32
        %parallel_loop3A_427 = arith.constant 8 : i32
        %parallel_loop3A_428 = arith.index_cast %parallel_loop3A_426 : i32 to index
        %parallel_loop3A_429 = arith.index_cast %parallel_loop3A_427 : i32 to index
        %parallel_loop3A_430 = arith.index_cast %parallel_loop3A_285 : i32 to index
        %parallel_loop3A_431 = tpu.vector_load %arg9[%parallel_loop3A_428, %parallel_loop3A_429, %parallel_loop3A_430] {strides = array<i32>} : memref<2x16x512xf32, #tpu.memory_space<vmem>>, vector<16xf32>,
        tpu.vector_store %arg9[%parallel_loop3A_428, %parallel_loop3A_429, %parallel_loop3A_430], %parallel_loop3A_419 {add = true, strides = array<i32>} : memref<2x16x512xf32, #tpu.memory_space<vmem>>, vector<16xf32>,
        %parallel_loop3A_432 = arith.constant 35721 : i32
        %parallel_loop3A_433 = vector.broadcast %parallel_loop3A_432 : i32 to vector<16xi32>
        %parallel_loop3A_434 = arith.addi %parallel_loop3A_287, %parallel_loop3A_433 : vector<16xi32>
        %parallel_loop3A_435 = tpu.vector_load_idx %arg6[%parallel_loop3A_434] : memref<63504xf32, #tpu.memory_space<vmem>>[vector<16xi32>], vector<16xf32>,
        %parallel_loop3A_436 = arith.constant 0 : i32
        %parallel_loop3A_437 = arith.constant 9 : i32
        %parallel_loop3A_438 = arith.index_cast %parallel_loop3A_436 : i32 to index
        %parallel_loop3A_439 = arith.index_cast %parallel_loop3A_437 : i32 to index
        %parallel_loop3A_440 = arith.index_cast %parallel_loop3A_285 : i32 to index
        %parallel_loop3A_441 = tpu.vector_load %arg9[%parallel_loop3A_438, %parallel_loop3A_439, %parallel_loop3A_440] {strides = array<i32>} : memref<2x16x512xf32, #tpu.memory_space<vmem>>, vector<16xf32>,
        tpu.vector_store %arg9[%parallel_loop3A_438, %parallel_loop3A_439, %parallel_loop3A_440], %parallel_loop3A_435 {add = true, strides = array<i32>} : memref<2x16x512xf32, #tpu.memory_space<vmem>>, vector<16xf32>,
        %parallel_loop3A_442 = arith.constant 1 : i32
        %parallel_loop3A_443 = arith.constant 9 : i32
        %parallel_loop3A_444 = arith.index_cast %parallel_loop3A_442 : i32 to index
        %parallel_loop3A_445 = arith.index_cast %parallel_loop3A_443 : i32 to index
        %parallel_loop3A_446 = arith.index_cast %parallel_loop3A_285 : i32 to index
        %parallel_loop3A_447 = tpu.vector_load %arg9[%parallel_loop3A_444, %parallel_loop3A_445, %parallel_loop3A_446] {strides = array<i32>} : memref<2x16x512xf32, #tpu.memory_space<vmem>>, vector<16xf32>,
        tpu.vector_store %arg9[%parallel_loop3A_444, %parallel_loop3A_445, %parallel_loop3A_446], %parallel_loop3A_435 {add = true, strides = array<i32>} : memref<2x16x512xf32, #tpu.memory_space<vmem>>, vector<16xf32>,
        %parallel_loop3A_448 = arith.constant 39690 : i32
        %parallel_loop3A_449 = vector.broadcast %parallel_loop3A_448 : i32 to vector<16xi32>
        %parallel_loop3A_450 = arith.addi %parallel_loop3A_287, %parallel_loop3A_449 : vector<16xi32>
        %parallel_loop3A_451 = tpu.vector_load_idx %arg6[%parallel_loop3A_450] : memref<63504xf32, #tpu.memory_space<vmem>>[vector<16xi32>], vector<16xf32>,
        %parallel_loop3A_452 = arith.constant 0 : i32
        %parallel_loop3A_453 = arith.constant 10 : i32
        %parallel_loop3A_454 = arith.index_cast %parallel_loop3A_452 : i32 to index
        %parallel_loop3A_455 = arith.index_cast %parallel_loop3A_453 : i32 to index
        %parallel_loop3A_456 = arith.index_cast %parallel_loop3A_285 : i32 to index
        %parallel_loop3A_457 = tpu.vector_load %arg9[%parallel_loop3A_454, %parallel_loop3A_455, %parallel_loop3A_456] {strides = array<i32>} : memref<2x16x512xf32, #tpu.memory_space<vmem>>, vector<16xf32>,
        tpu.vector_store %arg9[%parallel_loop3A_454, %parallel_loop3A_455, %parallel_loop3A_456], %parallel_loop3A_451 {add = true, strides = array<i32>} : memref<2x16x512xf32, #tpu.memory_space<vmem>>, vector<16xf32>,
        %parallel_loop3A_458 = arith.constant 1 : i32
        %parallel_loop3A_459 = arith.constant 10 : i32
        %parallel_loop3A_460 = arith.index_cast %parallel_loop3A_458 : i32 to index
        %parallel_loop3A_461 = arith.index_cast %parallel_loop3A_459 : i32 to index
        %parallel_loop3A_462 = arith.index_cast %parallel_loop3A_285 : i32 to index
        %parallel_loop3A_463 = tpu.vector_load %arg9[%parallel_loop3A_460, %parallel_loop3A_461, %parallel_loop3A_462] {strides = array<i32>} : memref<2x16x512xf32, #tpu.memory_space<vmem>>, vector<16xf32>,
        tpu.vector_store %arg9[%parallel_loop3A_460, %parallel_loop3A_461, %parallel_loop3A_462], %parallel_loop3A_451 {add = true, strides = array<i32>} : memref<2x16x512xf32, #tpu.memory_space<vmem>>, vector<16xf32>,
        %parallel_loop3A_464 = arith.constant 43659 : i32
        %parallel_loop3A_465 = vector.broadcast %parallel_loop3A_464 : i32 to vector<16xi32>
        %parallel_loop3A_466 = arith.addi %parallel_loop3A_287, %parallel_loop3A_465 : vector<16xi32>
        %parallel_loop3A_467 = tpu.vector_load_idx %arg6[%parallel_loop3A_466] : memref<63504xf32, #tpu.memory_space<vmem>>[vector<16xi32>], vector<16xf32>,
        %parallel_loop3A_468 = arith.constant 0 : i32
        %parallel_loop3A_469 = arith.constant 11 : i32
        %parallel_loop3A_470 = arith.index_cast %parallel_loop3A_468 : i32 to index
        %parallel_loop3A_471 = arith.index_cast %parallel_loop3A_469 : i32 to index
        %parallel_loop3A_472 = arith.index_cast %parallel_loop3A_285 : i32 to index
        %parallel_loop3A_473 = tpu.vector_load %arg9[%parallel_loop3A_470, %parallel_loop3A_471, %parallel_loop3A_472] {strides = array<i32>} : memref<2x16x512xf32, #tpu.memory_space<vmem>>, vector<16xf32>,
        tpu.vector_store %arg9[%parallel_loop3A_470, %parallel_loop3A_471, %parallel_loop3A_472], %parallel_loop3A_467 {add = true, strides = array<i32>} : memref<2x16x512xf32, #tpu.memory_space<vmem>>, vector<16xf32>,
        %parallel_loop3A_474 = arith.constant 1 : i32
        %parallel_loop3A_475 = arith.constant 11 : i32
        %parallel_loop3A_476 = arith.index_cast %parallel_loop3A_474 : i32 to index
        %parallel_loop3A_477 = arith.index_cast %parallel_loop3A_475 : i32 to index
        %parallel_loop3A_478 = arith.index_cast %parallel_loop3A_285 : i32 to index
        %parallel_loop3A_479 = tpu.vector_load %arg9[%parallel_loop3A_476, %parallel_loop3A_477, %parallel_loop3A_478] {strides = array<i32>} : memref<2x16x512xf32, #tpu.memory_space<vmem>>, vector<16xf32>,
        tpu.vector_store %arg9[%parallel_loop3A_476, %parallel_loop3A_477, %parallel_loop3A_478], %parallel_loop3A_467 {add = true, strides = array<i32>} : memref<2x16x512xf32, #tpu.memory_space<vmem>>, vector<16xf32>,
        %parallel_loop3A_480 = arith.constant 47628 : i32
        %parallel_loop3A_481 = vector.broadcast %parallel_loop3A_480 : i32 to vector<16xi32>
        %parallel_loop3A_482 = arith.addi %parallel_loop3A_287, %parallel_loop3A_481 : vector<16xi32>
        %parallel_loop3A_483 = tpu.vector_load_idx %arg6[%parallel_loop3A_482] : memref<63504xf32, #tpu.memory_space<vmem>>[vector<16xi32>], vector<16xf32>,
        %parallel_loop3A_484 = arith.constant 0 : i32
        %parallel_loop3A_485 = arith.constant 12 : i32
        %parallel_loop3A_486 = arith.index_cast %parallel_loop3A_484 : i32 to index
        %parallel_loop3A_487 = arith.index_cast %parallel_loop3A_485 : i32 to index
        %parallel_loop3A_488 = arith.index_cast %parallel_loop3A_285 : i32 to index
        %parallel_loop3A_489 = tpu.vector_load %arg9[%parallel_loop3A_486, %parallel_loop3A_487, %parallel_loop3A_488] {strides = array<i32>} : memref<2x16x512xf32, #tpu.memory_space<vmem>>, vector<16xf32>,
        tpu.vector_store %arg9[%parallel_loop3A_486, %parallel_loop3A_487, %parallel_loop3A_488], %parallel_loop3A_483 {add = true, strides = array<i32>} : memref<2x16x512xf32, #tpu.memory_space<vmem>>, vector<16xf32>,
        %parallel_loop3A_490 = arith.constant 1 : i32
        %parallel_loop3A_491 = arith.constant 12 : i32
        %parallel_loop3A_492 = arith.index_cast %parallel_loop3A_490 : i32 to index
        %parallel_loop3A_493 = arith.index_cast %parallel_loop3A_491 : i32 to index
        %parallel_loop3A_494 = arith.index_cast %parallel_loop3A_285 : i32 to index
        %parallel_loop3A_495 = tpu.vector_load %arg9[%parallel_loop3A_492, %parallel_loop3A_493, %parallel_loop3A_494] {strides = array<i32>} : memref<2x16x512xf32, #tpu.memory_space<vmem>>, vector<16xf32>,
        tpu.vector_store %arg9[%parallel_loop3A_492, %parallel_loop3A_493, %parallel_loop3A_494], %parallel_loop3A_483 {add = true, strides = array<i32>} : memref<2x16x512xf32, #tpu.memory_space<vmem>>, vector<16xf32>,
        %parallel_loop3A_496 = arith.constant 51597 : i32
        %parallel_loop3A_497 = vector.broadcast %parallel_loop3A_496 : i32 to vector<16xi32>
        %parallel_loop3A_498 = arith.addi %parallel_loop3A_287, %parallel_loop3A_497 : vector<16xi32>
        %parallel_loop3A_499 = tpu.vector_load_idx %arg6[%parallel_loop3A_498] : memref<63504xf32, #tpu.memory_space<vmem>>[vector<16xi32>], vector<16xf32>,
        %parallel_loop3A_500 = arith.constant 0 : i32
        %parallel_loop3A_501 = arith.constant 13 : i32
        %parallel_loop3A_502 = arith.index_cast %parallel_loop3A_500 : i32 to index
        %parallel_loop3A_503 = arith.index_cast %parallel_loop3A_501 : i32 to index
        %parallel_loop3A_504 = arith.index_cast %parallel_loop3A_285 : i32 to index
        %parallel_loop3A_505 = tpu.vector_load %arg9[%parallel_loop3A_502, %parallel_loop3A_503, %parallel_loop3A_504] {strides = array<i32>} : memref<2x16x512xf32, #tpu.memory_space<vmem>>, vector<16xf32>,
        tpu.vector_store %arg9[%parallel_loop3A_502, %parallel_loop3A_503, %parallel_loop3A_504], %parallel_loop3A_499 {add = true, strides = array<i32>} : memref<2x16x512xf32, #tpu.memory_space<vmem>>, vector<16xf32>,
        %parallel_loop3A_506 = arith.constant 1 : i32
        %parallel_loop3A_507 = arith.constant 13 : i32
        %parallel_loop3A_508 = arith.index_cast %parallel_loop3A_506 : i32 to index
        %parallel_loop3A_509 = arith.index_cast %parallel_loop3A_507 : i32 to index
        %parallel_loop3A_510 = arith.index_cast %parallel_loop3A_285 : i32 to index
        %parallel_loop3A_511 = tpu.vector_load %arg9[%parallel_loop3A_508, %parallel_loop3A_509, %parallel_loop3A_510] {strides = array<i32>} : memref<2x16x512xf32, #tpu.memory_space<vmem>>, vector<16xf32>,
        tpu.vector_store %arg9[%parallel_loop3A_508, %parallel_loop3A_509, %parallel_loop3A_510], %parallel_loop3A_499 {add = true, strides = array<i32>} : memref<2x16x512xf32, #tpu.memory_space<vmem>>, vector<16xf32>,
        %parallel_loop3A_512 = arith.constant 55566 : i32
        %parallel_loop3A_513 = vector.broadcast %parallel_loop3A_512 : i32 to vector<16xi32>
        %parallel_loop3A_514 = arith.addi %parallel_loop3A_287, %parallel_loop3A_513 : vector<16xi32>
        %parallel_loop3A_515 = tpu.vector_load_idx %arg6[%parallel_loop3A_514] : memref<63504xf32, #tpu.memory_space<vmem>>[vector<16xi32>], vector<16xf32>,
        %parallel_loop3A_516 = arith.constant 0 : i32
        %parallel_loop3A_517 = arith.constant 14 : i32
        %parallel_loop3A_518 = arith.index_cast %parallel_loop3A_516 : i32 to index
        %parallel_loop3A_519 = arith.index_cast %parallel_loop3A_517 : i32 to index
        %parallel_loop3A_520 = arith.index_cast %parallel_loop3A_285 : i32 to index
        %parallel_loop3A_521 = tpu.vector_load %arg9[%parallel_loop3A_518, %parallel_loop3A_519, %parallel_loop3A_520] {strides = array<i32>} : memref<2x16x512xf32, #tpu.memory_space<vmem>>, vector<16xf32>,
        tpu.vector_store %arg9[%parallel_loop3A_518, %parallel_loop3A_519, %parallel_loop3A_520], %parallel_loop3A_515 {add = true, strides = array<i32>} : memref<2x16x512xf32, #tpu.memory_space<vmem>>, vector<16xf32>,
        %parallel_loop3A_522 = arith.constant 1 : i32
        %parallel_loop3A_523 = arith.constant 14 : i32
        %parallel_loop3A_524 = arith.index_cast %parallel_loop3A_522 : i32 to index
        %parallel_loop3A_525 = arith.index_cast %parallel_loop3A_523 : i32 to index
        %parallel_loop3A_526 = arith.index_cast %parallel_loop3A_285 : i32 to index
        %parallel_loop3A_527 = tpu.vector_load %arg9[%parallel_loop3A_524, %parallel_loop3A_525, %parallel_loop3A_526] {strides = array<i32>} : memref<2x16x512xf32, #tpu.memory_space<vmem>>, vector<16xf32>,
        tpu.vector_store %arg9[%parallel_loop3A_524, %parallel_loop3A_525, %parallel_loop3A_526], %parallel_loop3A_515 {add = true, strides = array<i32>} : memref<2x16x512xf32, #tpu.memory_space<vmem>>, vector<16xf32>,
        %parallel_loop3A_528 = arith.constant 59535 : i32
        %parallel_loop3A_529 = vector.broadcast %parallel_loop3A_528 : i32 to vector<16xi32>
        %parallel_loop3A_530 = arith.addi %parallel_loop3A_287, %parallel_loop3A_529 : vector<16xi32>
        %parallel_loop3A_531 = tpu.vector_load_idx %arg6[%parallel_loop3A_530] : memref<63504xf32, #tpu.memory_space<vmem>>[vector<16xi32>], vector<16xf32>,
        %parallel_loop3A_532 = arith.constant 0 : i32
        %parallel_loop3A_533 = arith.constant 15 : i32
        %parallel_loop3A_534 = arith.index_cast %parallel_loop3A_532 : i32 to index
        %parallel_loop3A_535 = arith.index_cast %parallel_loop3A_533 : i32 to index
        %parallel_loop3A_536 = arith.index_cast %parallel_loop3A_285 : i32 to index
        %parallel_loop3A_537 = tpu.vector_load %arg9[%parallel_loop3A_534, %parallel_loop3A_535, %parallel_loop3A_536] {strides = array<i32>} : memref<2x16x512xf32, #tpu.memory_space<vmem>>, vector<16xf32>,
        tpu.vector_store %arg9[%parallel_loop3A_534, %parallel_loop3A_535, %parallel_loop3A_536], %parallel_loop3A_531 {add = true, strides = array<i32>} : memref<2x16x512xf32, #tpu.memory_space<vmem>>, vector<16xf32>,
        %parallel_loop3A_538 = arith.constant 1 : i32
        %parallel_loop3A_539 = arith.constant 15 : i32
        %parallel_loop3A_540 = arith.index_cast %parallel_loop3A_538 : i32 to index
        %parallel_loop3A_541 = arith.index_cast %parallel_loop3A_539 : i32 to index
        %parallel_loop3A_542 = arith.index_cast %parallel_loop3A_285 : i32 to index
        %parallel_loop3A_543 = tpu.vector_load %arg9[%parallel_loop3A_540, %parallel_loop3A_541, %parallel_loop3A_542] {strides = array<i32>} : memref<2x16x512xf32, #tpu.memory_space<vmem>>, vector<16xf32>,
        tpu.vector_store %arg9[%parallel_loop3A_540, %parallel_loop3A_541, %parallel_loop3A_542], %parallel_loop3A_531 {add = true, strides = array<i32>} : memref<2x16x512xf32, #tpu.memory_space<vmem>>, vector<16xf32>,
      } {sc.loop_unroll_factor = 1 : i64, sc.parallel_access}
      %dma_start3A_214 = arith.constant 0 : i32
      %dma_start3A_215 = arith.constant 0 : i32
      %dma_start3A_216 = arith.constant 0 : i32
      %dma_start3A_217 = tpu.memref_slice %arg5[%dma_start3A_214, %dma_start3A_215, %add3A_172, %dma_start3A_216] : memref<2x16x1024x1024xf32, #tpu.memory_space<hbm>> -> memref<2x16x1x512xf32, #tpu.memory_space<hbm>>
      %dma_start3A_218 = tpu.memref_squeeze %dma_start3A_217 : memref<2x16x1x512xf32, #tpu.memory_space<hbm>> -> memref<2x16x512xf32, #tpu.memory_space<hbm>>
      %dma_start3A_219 = arith.constant 0 : i32
      %dma_start3A_220 = arith.constant 0 : i32
      %dma_start3A_221 = arith.constant 0 : i32
      %dma_start3A_222 = tpu.memref_slice %arg5[%dma_start3A_219, %dma_start3A_220, %add3A_172, %dma_start3A_221] : memref<2x16x1024x1024xf32, #tpu.memory_space<hbm>> -> memref<2x16x1x512xf32, #tpu.memory_space<hbm>>
      %dma_start3A_223 = tpu.memref_squeeze %dma_start3A_222 : memref<2x16x1x512xf32, #tpu.memory_space<hbm>> -> memref<2x16x512xf32, #tpu.memory_space<hbm>>
      tpu.enqueue_dma source(%arg9 : memref<2x16x512xf32, #tpu.memory_space<vmem>>) target(%dma_start3A_223 : memref<2x16x512xf32, #tpu.memory_space<hbm>>) target_semaphore(%arg19 : memref<!tpu.dma_semaphore, #tpu.memory_space<semaphore_mem>>)
      %mul3A_224 = arith.constant 2 : i32
      %mul3A_225 = arith.muli %mul3A_224, %scan3A_55 : i32
      %add3A_226 = arith.addi %mul3A_2, %mul3A_225 : i32
      %add3A_227 = arith.constant 1 : i32
      %add3A_228 = arith.addi %add3A_226, %add3A_227 : i32
      %sub3A_229 = arith.constant 1 : i32
      %sub3A_230 = arith.subi %add3A_228, %sub3A_229 : i32
      %dma_wait3A_231 = arith.constant 0 : i32
      %dma_wait3A_232 = arith.constant 0 : i32
      %dma_wait3A_233 = arith.constant 512 : i32
      %dma_wait3A_234 = tpu.memref_slice %arg5[%dma_wait3A_231, %dma_wait3A_232, %sub3A_230, %dma_wait3A_233] : memref<2x16x1024x1024xf32, #tpu.memory_space<hbm>> -> memref<2x16x1x512xf32, #tpu.memory_space<hbm>>
      %dma_wait3A_235 = tpu.memref_squeeze %dma_wait3A_234 : memref<2x16x1x512xf32, #tpu.memory_space<hbm>> -> memref<2x16x512xf32, #tpu.memory_space<hbm>>
      %dma_wait3A_236 = arith.constant 0 : i32
      %dma_wait3A_237 = arith.constant 0 : i32
      %dma_wait3A_238 = arith.constant 512 : i32
      %dma_wait3A_239 = tpu.memref_slice %arg5[%dma_wait3A_236, %dma_wait3A_237, %sub3A_230, %dma_wait3A_238] : memref<2x16x1024x1024xf32, #tpu.memory_space<hbm>> -> memref<2x16x1x512xf32, #tpu.memory_space<hbm>>
      %dma_wait3A_240 = tpu.memref_squeeze %dma_wait3A_239 : memref<2x16x1x512xf32, #tpu.memory_space<hbm>> -> memref<2x16x512xf32, #tpu.memory_space<hbm>>
      tpu.wait_dma2 semaphore(%arg18 : memref<!tpu.dma_semaphore, #tpu.memory_space<semaphore_mem>>) src(%arg8 : memref<2x16x512xf32, #tpu.memory_space<vmem>>) dst(%dma_wait3A_240 : memref<2x16x512xf32, #tpu.memory_space<hbm>>)
      %lt3A_241 = arith.constant 15 : i32
      %lt3A_242 = arith.cmpi slt, %scan3A_55, %lt3A_241 : i32
      %convert_element_type3A_243 = arith.extui %lt3A_242 : i1 to i32
      %cond3A_244 = arith.constant 0 : i32
      %cond3A_245 = arith.cmpi ne, %convert_element_type3A_243, %cond3A_244 : i32
      scf.if %cond3A_245 {
        %add3A_282 = arith.constant 1 : i32
        %add3A_283 = arith.addi %add3A_228, %add3A_282 : i32
        %dma_start3A_284 = arith.constant 0 : i32
        %dma_start3A_285 = arith.constant 0 : i32
        %dma_start3A_286 = arith.constant 512 : i32
        %dma_start3A_287 = tpu.memref_slice %arg2[%dma_start3A_284, %dma_start3A_285, %add3A_283, %dma_start3A_286] : memref<2x16x1024x1024xf32, #tpu.memory_space<hbm>> -> memref<2x16x1x512xf32, #tpu.memory_space<hbm>>
        %dma_start3A_288 = tpu.memref_squeeze %dma_start3A_287 : memref<2x16x1x512xf32, #tpu.memory_space<hbm>> -> memref<2x16x512xf32, #tpu.memory_space<hbm>>
        %dma_start3A_289 = arith.constant 0 : i32
        %dma_start3A_290 = arith.constant 0 : i32
        %dma_start3A_291 = arith.constant 512 : i32
        %dma_start3A_292 = tpu.memref_slice %arg2[%dma_start3A_289, %dma_start3A_290, %add3A_283, %dma_start3A_291] : memref<2x16x1024x1024xf32, #tpu.memory_space<hbm>> -> memref<2x16x1x512xf32, #tpu.memory_space<hbm>>
        %dma_start3A_293 = tpu.memref_squeeze %dma_start3A_292 : memref<2x16x1x512xf32, #tpu.memory_space<hbm>> -> memref<2x16x512xf32, #tpu.memory_space<hbm>>
        tpu.enqueue_dma source(%dma_start3A_293 : memref<2x16x512xf32, #tpu.memory_space<hbm>>) target(%arg8 : memref<2x16x512xf32, #tpu.memory_space<vmem>>) target_semaphore(%arg14 : memref<!tpu.dma_semaphore, #tpu.memory_space<semaphore_mem>>)
      } else {
      }
      %add3A_246 = arith.constant 1 : i32
      %add3A_247 = arith.addi %add3A_228, %add3A_246 : i32
      %lt3A_248 = arith.constant 15 : i32
      %lt3A_249 = arith.cmpi slt, %scan3A_55, %lt3A_248 : i32
      %convert_element_type3A_250 = arith.extui %lt3A_249 : i1 to i32
      %cond3A_251 = arith.constant 0 : i32
      %cond3A_252 = arith.cmpi ne, %convert_element_type3A_250, %cond3A_251 : i32
      scf.if %cond3A_252 {
        %dma_start3A_282 = arith.constant 0 : i32
        %dma_start3A_283 = tpu.memref_slice %arg4[%add3A_247, %dma_start3A_282] : memref<1024x1024xi32, #tpu.memory_space<hbm>> -> memref<1x512xi32, #tpu.memory_space<hbm>>
        %dma_start3A_284 = tpu.memref_squeeze %dma_start3A_283 : memref<1x512xi32, #tpu.memory_space<hbm>> -> memref<512xi32, #tpu.memory_space<hbm>>
        %dma_start3A_285 = arith.constant 0 : i32
        %dma_start3A_286 = tpu.memref_slice %arg4[%add3A_247, %dma_start3A_285] : memref<1024x1024xi32, #tpu.memory_space<hbm>> -> memref<1x512xi32, #tpu.memory_space<hbm>>
        %dma_start3A_287 = tpu.memref_squeeze %dma_start3A_286 : memref<1x512xi32, #tpu.memory_space<hbm>> -> memref<512xi32, #tpu.memory_space<hbm>>
        tpu.enqueue_dma source(%dma_start3A_287 : memref<512xi32, #tpu.memory_space<hbm>>) target(%arg11 : memref<512xi32, #tpu.memory_space<vmem>>) target_semaphore(%arg21 : memref<!tpu.dma_semaphore, #tpu.memory_space<semaphore_mem>>)
      } else {
      }
      %dma_wait3A_253 = arith.constant 512 : i32
      %dma_wait3A_254 = tpu.memref_slice %arg4[%add3A_228, %dma_wait3A_253] : memref<1024x1024xi32, #tpu.memory_space<hbm>> -> memref<1x512xi32, #tpu.memory_space<hbm>>
      %dma_wait3A_255 = tpu.memref_squeeze %dma_wait3A_254 : memref<1x512xi32, #tpu.memory_space<hbm>> -> memref<512xi32, #tpu.memory_space<hbm>>
      %dma_wait3A_256 = arith.constant 512 : i32
      %dma_wait3A_257 = tpu.memref_slice %arg4[%add3A_228, %dma_wait3A_256] : memref<1024x1024xi32, #tpu.memory_space<hbm>> -> memref<1x512xi32, #tpu.memory_space<hbm>>
      %dma_wait3A_258 = tpu.memref_squeeze %dma_wait3A_257 : memref<1x512xi32, #tpu.memory_space<hbm>> -> memref<512xi32, #tpu.memory_space<hbm>>
      tpu.wait_dma2 semaphore(%arg22 : memref<!tpu.dma_semaphore, #tpu.memory_space<semaphore_mem>>) src(%dma_wait3A_258 : memref<512xi32, #tpu.memory_space<hbm>>) dst(%arg12 : memref<512xi32, #tpu.memory_space<vmem>>)
      %dma_wait3A_259 = arith.constant 0 : i32
      %dma_wait3A_260 = arith.constant 0 : i32
      %dma_wait3A_261 = arith.constant 512 : i32
      %dma_wait3A_262 = tpu.memref_slice %arg2[%dma_wait3A_259, %dma_wait3A_260, %add3A_228, %dma_wait3A_261] : memref<2x16x1024x1024xf32, #tpu.memory_space<hbm>> -> memref<2x16x1x512xf32, #tpu.memory_space<hbm>>
      %dma_wait3A_263 = tpu.memref_squeeze %dma_wait3A_262 : memref<2x16x1x512xf32, #tpu.memory_space<hbm>> -> memref<2x16x512xf32, #tpu.memory_space<hbm>>
      %dma_wait3A_264 = arith.constant 0 : i32
      %dma_wait3A_265 = arith.constant 0 : i32
      %dma_wait3A_266 = arith.constant 512 : i32
      %dma_wait3A_267 = tpu.memref_slice %arg2[%dma_wait3A_264, %dma_wait3A_265, %add3A_228, %dma_wait3A_266] : memref<2x16x1024x1024xf32, #tpu.memory_space<hbm>> -> memref<2x16x1x512xf32, #tpu.memory_space<hbm>>
      %dma_wait3A_268 = tpu.memref_squeeze %dma_wait3A_267 : memref<2x16x1x512xf32, #tpu.memory_space<hbm>> -> memref<2x16x512xf32, #tpu.memory_space<hbm>>
      tpu.wait_dma2 semaphore(%arg16 : memref<!tpu.dma_semaphore, #tpu.memory_space<semaphore_mem>>) src(%dma_wait3A_268 : memref<2x16x512xf32, #tpu.memory_space<hbm>>) dst(%arg10 : memref<2x16x512xf32, #tpu.memory_space<vmem>>)
      %parallel_loop3A_269 = arith.constant 0 : i32
      %parallel_loop3A_270 = arith.constant 32 : i32
      %parallel_loop3A_271 = arith.constant 1 : i32
      scf.for %parallel_loop3A_282 = %parallel_loop3A_269 to %parallel_loop3A_270 step %parallel_loop3A_271  : i32 {
        %parallel_loop3A_283 = arith.constant 16 : i32
        %parallel_loop3A_284 = arith.muli %parallel_loop3A_282, %parallel_loop3A_283 : i32
        %parallel_loop3A_285 = tpu.assume_multiple %parallel_loop3A_284, 16 : i32
        %parallel_loop3A_286 = arith.index_cast %parallel_loop3A_285 : i32 to index
        %parallel_loop3A_287 = tpu.vector_load %arg12[%parallel_loop3A_286] {strides = array<i32>} : memref<512xi32, #tpu.memory_space<vmem>>, vector<16xi32>,
        %parallel_loop3A_288 = arith.constant 0 : i32
        %parallel_loop3A_289 = vector.broadcast %parallel_loop3A_288 : i32 to vector<16xi32>
        %parallel_loop3A_290 = arith.addi %parallel_loop3A_287, %parallel_loop3A_289 : vector<16xi32>
        %parallel_loop3A_291 = tpu.vector_load_idx %arg6[%parallel_loop3A_290] : memref<63504xf32, #tpu.memory_space<vmem>>[vector<16xi32>], vector<16xf32>,
        %parallel_loop3A_292 = arith.constant 0 : i32
        %parallel_loop3A_293 = arith.constant 0 : i32
        %parallel_loop3A_294 = arith.index_cast %parallel_loop3A_292 : i32 to index
        %parallel_loop3A_295 = arith.index_cast %parallel_loop3A_293 : i32 to index
        %parallel_loop3A_296 = arith.index_cast %parallel_loop3A_285 : i32 to index
        %parallel_loop3A_297 = tpu.vector_load %arg10[%parallel_loop3A_294, %parallel_loop3A_295, %parallel_loop3A_296] {strides = array<i32>} : memref<2x16x512xf32, #tpu.memory_space<vmem>>, vector<16xf32>,
        tpu.vector_store %arg10[%parallel_loop3A_294, %parallel_loop3A_295, %parallel_loop3A_296], %parallel_loop3A_291 {add = true, strides = array<i32>} : memref<2x16x512xf32, #tpu.memory_space<vmem>>, vector<16xf32>,
        %parallel_loop3A_298 = arith.constant 1 : i32
        %parallel_loop3A_299 = arith.constant 0 : i32
        %parallel_loop3A_300 = arith.index_cast %parallel_loop3A_298 : i32 to index
        %parallel_loop3A_301 = arith.index_cast %parallel_loop3A_299 : i32 to index
        %parallel_loop3A_302 = arith.index_cast %parallel_loop3A_285 : i32 to index
        %parallel_loop3A_303 = tpu.vector_load %arg10[%parallel_loop3A_300, %parallel_loop3A_301, %parallel_loop3A_302] {strides = array<i32>} : memref<2x16x512xf32, #tpu.memory_space<vmem>>, vector<16xf32>,
        tpu.vector_store %arg10[%parallel_loop3A_300, %parallel_loop3A_301, %parallel_loop3A_302], %parallel_loop3A_291 {add = true, strides = array<i32>} : memref<2x16x512xf32, #tpu.memory_space<vmem>>, vector<16xf32>,
        %parallel_loop3A_304 = arith.constant 3969 : i32
        %parallel_loop3A_305 = vector.broadcast %parallel_loop3A_304 : i32 to vector<16xi32>
        %parallel_loop3A_306 = arith.addi %parallel_loop3A_287, %parallel_loop3A_305 : vector<16xi32>
        %parallel_loop3A_307 = tpu.vector_load_idx %arg6[%parallel_loop3A_306] : memref<63504xf32, #tpu.memory_space<vmem>>[vector<16xi32>], vector<16xf32>,
        %parallel_loop3A_308 = arith.constant 0 : i32
        %parallel_loop3A_309 = arith.constant 1 : i32
        %parallel_loop3A_310 = arith.index_cast %parallel_loop3A_308 : i32 to index
        %parallel_loop3A_311 = arith.index_cast %parallel_loop3A_309 : i32 to index
        %parallel_loop3A_312 = arith.index_cast %parallel_loop3A_285 : i32 to index
        %parallel_loop3A_313 = tpu.vector_load %arg10[%parallel_loop3A_310, %parallel_loop3A_311, %parallel_loop3A_312] {strides = array<i32>} : memref<2x16x512xf32, #tpu.memory_space<vmem>>, vector<16xf32>,
        tpu.vector_store %arg10[%parallel_loop3A_310, %parallel_loop3A_311, %parallel_loop3A_312], %parallel_loop3A_307 {add = true, strides = array<i32>} : memref<2x16x512xf32, #tpu.memory_space<vmem>>, vector<16xf32>,
        %parallel_loop3A_314 = arith.constant 1 : i32
        %parallel_loop3A_315 = arith.constant 1 : i32
        %parallel_loop3A_316 = arith.index_cast %parallel_loop3A_314 : i32 to index
        %parallel_loop3A_317 = arith.index_cast %parallel_loop3A_315 : i32 to index
        %parallel_loop3A_318 = arith.index_cast %parallel_loop3A_285 : i32 to index
        %parallel_loop3A_319 = tpu.vector_load %arg10[%parallel_loop3A_316, %parallel_loop3A_317, %parallel_loop3A_318] {strides = array<i32>} : memref<2x16x512xf32, #tpu.memory_space<vmem>>, vector<16xf32>,
        tpu.vector_store %arg10[%parallel_loop3A_316, %parallel_loop3A_317, %parallel_loop3A_318], %parallel_loop3A_307 {add = true, strides = array<i32>} : memref<2x16x512xf32, #tpu.memory_space<vmem>>, vector<16xf32>,
        %parallel_loop3A_320 = arith.constant 7938 : i32
        %parallel_loop3A_321 = vector.broadcast %parallel_loop3A_320 : i32 to vector<16xi32>
        %parallel_loop3A_322 = arith.addi %parallel_loop3A_287, %parallel_loop3A_321 : vector<16xi32>
        %parallel_loop3A_323 = tpu.vector_load_idx %arg6[%parallel_loop3A_322] : memref<63504xf32, #tpu.memory_space<vmem>>[vector<16xi32>], vector<16xf32>,
        %parallel_loop3A_324 = arith.constant 0 : i32
        %parallel_loop3A_325 = arith.constant 2 : i32
        %parallel_loop3A_326 = arith.index_cast %parallel_loop3A_324 : i32 to index
        %parallel_loop3A_327 = arith.index_cast %parallel_loop3A_325 : i32 to index
        %parallel_loop3A_328 = arith.index_cast %parallel_loop3A_285 : i32 to index
        %parallel_loop3A_329 = tpu.vector_load %arg10[%parallel_loop3A_326, %parallel_loop3A_327, %parallel_loop3A_328] {strides = array<i32>} : memref<2x16x512xf32, #tpu.memory_space<vmem>>, vector<16xf32>,
        tpu.vector_store %arg10[%parallel_loop3A_326, %parallel_loop3A_327, %parallel_loop3A_328], %parallel_loop3A_323 {add = true, strides = array<i32>} : memref<2x16x512xf32, #tpu.memory_space<vmem>>, vector<16xf32>,
        %parallel_loop3A_330 = arith.constant 1 : i32
        %parallel_loop3A_331 = arith.constant 2 : i32
        %parallel_loop3A_332 = arith.index_cast %parallel_loop3A_330 : i32 to index
        %parallel_loop3A_333 = arith.index_cast %parallel_loop3A_331 : i32 to index
        %parallel_loop3A_334 = arith.index_cast %parallel_loop3A_285 : i32 to index
        %parallel_loop3A_335 = tpu.vector_load %arg10[%parallel_loop3A_332, %parallel_loop3A_333, %parallel_loop3A_334] {strides = array<i32>} : memref<2x16x512xf32, #tpu.memory_space<vmem>>, vector<16xf32>,
        tpu.vector_store %arg10[%parallel_loop3A_332, %parallel_loop3A_333, %parallel_loop3A_334], %parallel_loop3A_323 {add = true, strides = array<i32>} : memref<2x16x512xf32, #tpu.memory_space<vmem>>, vector<16xf32>,
        %parallel_loop3A_336 = arith.constant 11907 : i32
        %parallel_loop3A_337 = vector.broadcast %parallel_loop3A_336 : i32 to vector<16xi32>
        %parallel_loop3A_338 = arith.addi %parallel_loop3A_287, %parallel_loop3A_337 : vector<16xi32>
        %parallel_loop3A_339 = tpu.vector_load_idx %arg6[%parallel_loop3A_338] : memref<63504xf32, #tpu.memory_space<vmem>>[vector<16xi32>], vector<16xf32>,
        %parallel_loop3A_340 = arith.constant 0 : i32
        %parallel_loop3A_341 = arith.constant 3 : i32
        %parallel_loop3A_342 = arith.index_cast %parallel_loop3A_340 : i32 to index
        %parallel_loop3A_343 = arith.index_cast %parallel_loop3A_341 : i32 to index
        %parallel_loop3A_344 = arith.index_cast %parallel_loop3A_285 : i32 to index
        %parallel_loop3A_345 = tpu.vector_load %arg10[%parallel_loop3A_342, %parallel_loop3A_343, %parallel_loop3A_344] {strides = array<i32>} : memref<2x16x512xf32, #tpu.memory_space<vmem>>, vector<16xf32>,
        tpu.vector_store %arg10[%parallel_loop3A_342, %parallel_loop3A_343, %parallel_loop3A_344], %parallel_loop3A_339 {add = true, strides = array<i32>} : memref<2x16x512xf32, #tpu.memory_space<vmem>>, vector<16xf32>,
        %parallel_loop3A_346 = arith.constant 1 : i32
        %parallel_loop3A_347 = arith.constant 3 : i32
        %parallel_loop3A_348 = arith.index_cast %parallel_loop3A_346 : i32 to index
        %parallel_loop3A_349 = arith.index_cast %parallel_loop3A_347 : i32 to index
        %parallel_loop3A_350 = arith.index_cast %parallel_loop3A_285 : i32 to index
        %parallel_loop3A_351 = tpu.vector_load %arg10[%parallel_loop3A_348, %parallel_loop3A_349, %parallel_loop3A_350] {strides = array<i32>} : memref<2x16x512xf32, #tpu.memory_space<vmem>>, vector<16xf32>,
        tpu.vector_store %arg10[%parallel_loop3A_348, %parallel_loop3A_349, %parallel_loop3A_350], %parallel_loop3A_339 {add = true, strides = array<i32>} : memref<2x16x512xf32, #tpu.memory_space<vmem>>, vector<16xf32>,
        %parallel_loop3A_352 = arith.constant 15876 : i32
        %parallel_loop3A_353 = vector.broadcast %parallel_loop3A_352 : i32 to vector<16xi32>
        %parallel_loop3A_354 = arith.addi %parallel_loop3A_287, %parallel_loop3A_353 : vector<16xi32>
        %parallel_loop3A_355 = tpu.vector_load_idx %arg6[%parallel_loop3A_354] : memref<63504xf32, #tpu.memory_space<vmem>>[vector<16xi32>], vector<16xf32>,
        %parallel_loop3A_356 = arith.constant 0 : i32
        %parallel_loop3A_357 = arith.constant 4 : i32
        %parallel_loop3A_358 = arith.index_cast %parallel_loop3A_356 : i32 to index
        %parallel_loop3A_359 = arith.index_cast %parallel_loop3A_357 : i32 to index
        %parallel_loop3A_360 = arith.index_cast %parallel_loop3A_285 : i32 to index
        %parallel_loop3A_361 = tpu.vector_load %arg10[%parallel_loop3A_358, %parallel_loop3A_359, %parallel_loop3A_360] {strides = array<i32>} : memref<2x16x512xf32, #tpu.memory_space<vmem>>, vector<16xf32>,
        tpu.vector_store %arg10[%parallel_loop3A_358, %parallel_loop3A_359, %parallel_loop3A_360], %parallel_loop3A_355 {add = true, strides = array<i32>} : memref<2x16x512xf32, #tpu.memory_space<vmem>>, vector<16xf32>,
        %parallel_loop3A_362 = arith.constant 1 : i32
        %parallel_loop3A_363 = arith.constant 4 : i32
        %parallel_loop3A_364 = arith.index_cast %parallel_loop3A_362 : i32 to index
        %parallel_loop3A_365 = arith.index_cast %parallel_loop3A_363 : i32 to index
        %parallel_loop3A_366 = arith.index_cast %parallel_loop3A_285 : i32 to index
        %parallel_loop3A_367 = tpu.vector_load %arg10[%parallel_loop3A_364, %parallel_loop3A_365, %parallel_loop3A_366] {strides = array<i32>} : memref<2x16x512xf32, #tpu.memory_space<vmem>>, vector<16xf32>,
        tpu.vector_store %arg10[%parallel_loop3A_364, %parallel_loop3A_365, %parallel_loop3A_366], %parallel_loop3A_355 {add = true, strides = array<i32>} : memref<2x16x512xf32, #tpu.memory_space<vmem>>, vector<16xf32>,
        %parallel_loop3A_368 = arith.constant 19845 : i32
        %parallel_loop3A_369 = vector.broadcast %parallel_loop3A_368 : i32 to vector<16xi32>
        %parallel_loop3A_370 = arith.addi %parallel_loop3A_287, %parallel_loop3A_369 : vector<16xi32>
        %parallel_loop3A_371 = tpu.vector_load_idx %arg6[%parallel_loop3A_370] : memref<63504xf32, #tpu.memory_space<vmem>>[vector<16xi32>], vector<16xf32>,
        %parallel_loop3A_372 = arith.constant 0 : i32
        %parallel_loop3A_373 = arith.constant 5 : i32
        %parallel_loop3A_374 = arith.index_cast %parallel_loop3A_372 : i32 to index
        %parallel_loop3A_375 = arith.index_cast %parallel_loop3A_373 : i32 to index
        %parallel_loop3A_376 = arith.index_cast %parallel_loop3A_285 : i32 to index
        %parallel_loop3A_377 = tpu.vector_load %arg10[%parallel_loop3A_374, %parallel_loop3A_375, %parallel_loop3A_376] {strides = array<i32>} : memref<2x16x512xf32, #tpu.memory_space<vmem>>, vector<16xf32>,
        tpu.vector_store %arg10[%parallel_loop3A_374, %parallel_loop3A_375, %parallel_loop3A_376], %parallel_loop3A_371 {add = true, strides = array<i32>} : memref<2x16x512xf32, #tpu.memory_space<vmem>>, vector<16xf32>,
        %parallel_loop3A_378 = arith.constant 1 : i32
        %parallel_loop3A_379 = arith.constant 5 : i32
        %parallel_loop3A_380 = arith.index_cast %parallel_loop3A_378 : i32 to index
        %parallel_loop3A_381 = arith.index_cast %parallel_loop3A_379 : i32 to index
        %parallel_loop3A_382 = arith.index_cast %parallel_loop3A_285 : i32 to index
        %parallel_loop3A_383 = tpu.vector_load %arg10[%parallel_loop3A_380, %parallel_loop3A_381, %parallel_loop3A_382] {strides = array<i32>} : memref<2x16x512xf32, #tpu.memory_space<vmem>>, vector<16xf32>,
        tpu.vector_store %arg10[%parallel_loop3A_380, %parallel_loop3A_381, %parallel_loop3A_382], %parallel_loop3A_371 {add = true, strides = array<i32>} : memref<2x16x512xf32, #tpu.memory_space<vmem>>, vector<16xf32>,
        %parallel_loop3A_384 = arith.constant 23814 : i32
        %parallel_loop3A_385 = vector.broadcast %parallel_loop3A_384 : i32 to vector<16xi32>
        %parallel_loop3A_386 = arith.addi %parallel_loop3A_287, %parallel_loop3A_385 : vector<16xi32>
        %parallel_loop3A_387 = tpu.vector_load_idx %arg6[%parallel_loop3A_386] : memref<63504xf32, #tpu.memory_space<vmem>>[vector<16xi32>], vector<16xf32>,
        %parallel_loop3A_388 = arith.constant 0 : i32
        %parallel_loop3A_389 = arith.constant 6 : i32
        %parallel_loop3A_390 = arith.index_cast %parallel_loop3A_388 : i32 to index
        %parallel_loop3A_391 = arith.index_cast %parallel_loop3A_389 : i32 to index
        %parallel_loop3A_392 = arith.index_cast %parallel_loop3A_285 : i32 to index
        %parallel_loop3A_393 = tpu.vector_load %arg10[%parallel_loop3A_390, %parallel_loop3A_391, %parallel_loop3A_392] {strides = array<i32>} : memref<2x16x512xf32, #tpu.memory_space<vmem>>, vector<16xf32>,
        tpu.vector_store %arg10[%parallel_loop3A_390, %parallel_loop3A_391, %parallel_loop3A_392], %parallel_loop3A_387 {add = true, strides = array<i32>} : memref<2x16x512xf32, #tpu.memory_space<vmem>>, vector<16xf32>,
        %parallel_loop3A_394 = arith.constant 1 : i32
        %parallel_loop3A_395 = arith.constant 6 : i32
        %parallel_loop3A_396 = arith.index_cast %parallel_loop3A_394 : i32 to index
        %parallel_loop3A_397 = arith.index_cast %parallel_loop3A_395 : i32 to index
        %parallel_loop3A_398 = arith.index_cast %parallel_loop3A_285 : i32 to index
        %parallel_loop3A_399 = tpu.vector_load %arg10[%parallel_loop3A_396, %parallel_loop3A_397, %parallel_loop3A_398] {strides = array<i32>} : memref<2x16x512xf32, #tpu.memory_space<vmem>>, vector<16xf32>,
        tpu.vector_store %arg10[%parallel_loop3A_396, %parallel_loop3A_397, %parallel_loop3A_398], %parallel_loop3A_387 {add = true, strides = array<i32>} : memref<2x16x512xf32, #tpu.memory_space<vmem>>, vector<16xf32>,
        %parallel_loop3A_400 = arith.constant 27783 : i32
        %parallel_loop3A_401 = vector.broadcast %parallel_loop3A_400 : i32 to vector<16xi32>
        %parallel_loop3A_402 = arith.addi %parallel_loop3A_287, %parallel_loop3A_401 : vector<16xi32>
        %parallel_loop3A_403 = tpu.vector_load_idx %arg6[%parallel_loop3A_402] : memref<63504xf32, #tpu.memory_space<vmem>>[vector<16xi32>], vector<16xf32>,
        %parallel_loop3A_404 = arith.constant 0 : i32
        %parallel_loop3A_405 = arith.constant 7 : i32
        %parallel_loop3A_406 = arith.index_cast %parallel_loop3A_404 : i32 to index
        %parallel_loop3A_407 = arith.index_cast %parallel_loop3A_405 : i32 to index
        %parallel_loop3A_408 = arith.index_cast %parallel_loop3A_285 : i32 to index
        %parallel_loop3A_409 = tpu.vector_load %arg10[%parallel_loop3A_406, %parallel_loop3A_407, %parallel_loop3A_408] {strides = array<i32>} : memref<2x16x512xf32, #tpu.memory_space<vmem>>, vector<16xf32>,
        tpu.vector_store %arg10[%parallel_loop3A_406, %parallel_loop3A_407, %parallel_loop3A_408], %parallel_loop3A_403 {add = true, strides = array<i32>} : memref<2x16x512xf32, #tpu.memory_space<vmem>>, vector<16xf32>,
        %parallel_loop3A_410 = arith.constant 1 : i32
        %parallel_loop3A_411 = arith.constant 7 : i32
        %parallel_loop3A_412 = arith.index_cast %parallel_loop3A_410 : i32 to index
        %parallel_loop3A_413 = arith.index_cast %parallel_loop3A_411 : i32 to index
        %parallel_loop3A_414 = arith.index_cast %parallel_loop3A_285 : i32 to index
        %parallel_loop3A_415 = tpu.vector_load %arg10[%parallel_loop3A_412, %parallel_loop3A_413, %parallel_loop3A_414] {strides = array<i32>} : memref<2x16x512xf32, #tpu.memory_space<vmem>>, vector<16xf32>,
        tpu.vector_store %arg10[%parallel_loop3A_412, %parallel_loop3A_413, %parallel_loop3A_414], %parallel_loop3A_403 {add = true, strides = array<i32>} : memref<2x16x512xf32, #tpu.memory_space<vmem>>, vector<16xf32>,
        %parallel_loop3A_416 = arith.constant 31752 : i32
        %parallel_loop3A_417 = vector.broadcast %parallel_loop3A_416 : i32 to vector<16xi32>
        %parallel_loop3A_418 = arith.addi %parallel_loop3A_287, %parallel_loop3A_417 : vector<16xi32>
        %parallel_loop3A_419 = tpu.vector_load_idx %arg6[%parallel_loop3A_418] : memref<63504xf32, #tpu.memory_space<vmem>>[vector<16xi32>], vector<16xf32>,
        %parallel_loop3A_420 = arith.constant 0 : i32
        %parallel_loop3A_421 = arith.constant 8 : i32
        %parallel_loop3A_422 = arith.index_cast %parallel_loop3A_420 : i32 to index
        %parallel_loop3A_423 = arith.index_cast %parallel_loop3A_421 : i32 to index
        %parallel_loop3A_424 = arith.index_cast %parallel_loop3A_285 : i32 to index
        %parallel_loop3A_425 = tpu.vector_load %arg10[%parallel_loop3A_422, %parallel_loop3A_423, %parallel_loop3A_424] {strides = array<i32>} : memref<2x16x512xf32, #tpu.memory_space<vmem>>, vector<16xf32>,
        tpu.vector_store %arg10[%parallel_loop3A_422, %parallel_loop3A_423, %parallel_loop3A_424], %parallel_loop3A_419 {add = true, strides = array<i32>} : memref<2x16x512xf32, #tpu.memory_space<vmem>>, vector<16xf32>,
        %parallel_loop3A_426 = arith.constant 1 : i32
        %parallel_loop3A_427 = arith.constant 8 : i32
        %parallel_loop3A_428 = arith.index_cast %parallel_loop3A_426 : i32 to index
        %parallel_loop3A_429 = arith.index_cast %parallel_loop3A_427 : i32 to index
        %parallel_loop3A_430 = arith.index_cast %parallel_loop3A_285 : i32 to index
        %parallel_loop3A_431 = tpu.vector_load %arg10[%parallel_loop3A_428, %parallel_loop3A_429, %parallel_loop3A_430] {strides = array<i32>} : memref<2x16x512xf32, #tpu.memory_space<vmem>>, vector<16xf32>,
        tpu.vector_store %arg10[%parallel_loop3A_428, %parallel_loop3A_429, %parallel_loop3A_430], %parallel_loop3A_419 {add = true, strides = array<i32>} : memref<2x16x512xf32, #tpu.memory_space<vmem>>, vector<16xf32>,
        %parallel_loop3A_432 = arith.constant 35721 : i32
        %parallel_loop3A_433 = vector.broadcast %parallel_loop3A_432 : i32 to vector<16xi32>
        %parallel_loop3A_434 = arith.addi %parallel_loop3A_287, %parallel_loop3A_433 : vector<16xi32>
        %parallel_loop3A_435 = tpu.vector_load_idx %arg6[%parallel_loop3A_434] : memref<63504xf32, #tpu.memory_space<vmem>>[vector<16xi32>], vector<16xf32>,
        %parallel_loop3A_436 = arith.constant 0 : i32
        %parallel_loop3A_437 = arith.constant 9 : i32
        %parallel_loop3A_438 = arith.index_cast %parallel_loop3A_436 : i32 to index
        %parallel_loop3A_439 = arith.index_cast %parallel_loop3A_437 : i32 to index
        %parallel_loop3A_440 = arith.index_cast %parallel_loop3A_285 : i32 to index
        %parallel_loop3A_441 = tpu.vector_load %arg10[%parallel_loop3A_438, %parallel_loop3A_439, %parallel_loop3A_440] {strides = array<i32>} : memref<2x16x512xf32, #tpu.memory_space<vmem>>, vector<16xf32>,
        tpu.vector_store %arg10[%parallel_loop3A_438, %parallel_loop3A_439, %parallel_loop3A_440], %parallel_loop3A_435 {add = true, strides = array<i32>} : memref<2x16x512xf32, #tpu.memory_space<vmem>>, vector<16xf32>,
        %parallel_loop3A_442 = arith.constant 1 : i32
        %parallel_loop3A_443 = arith.constant 9 : i32
        %parallel_loop3A_444 = arith.index_cast %parallel_loop3A_442 : i32 to index
        %parallel_loop3A_445 = arith.index_cast %parallel_loop3A_443 : i32 to index
        %parallel_loop3A_446 = arith.index_cast %parallel_loop3A_285 : i32 to index
        %parallel_loop3A_447 = tpu.vector_load %arg10[%parallel_loop3A_444, %parallel_loop3A_445, %parallel_loop3A_446] {strides = array<i32>} : memref<2x16x512xf32, #tpu.memory_space<vmem>>, vector<16xf32>,
        tpu.vector_store %arg10[%parallel_loop3A_444, %parallel_loop3A_445, %parallel_loop3A_446], %parallel_loop3A_435 {add = true, strides = array<i32>} : memref<2x16x512xf32, #tpu.memory_space<vmem>>, vector<16xf32>,
        %parallel_loop3A_448 = arith.constant 39690 : i32
        %parallel_loop3A_449 = vector.broadcast %parallel_loop3A_448 : i32 to vector<16xi32>
        %parallel_loop3A_450 = arith.addi %parallel_loop3A_287, %parallel_loop3A_449 : vector<16xi32>
        %parallel_loop3A_451 = tpu.vector_load_idx %arg6[%parallel_loop3A_450] : memref<63504xf32, #tpu.memory_space<vmem>>[vector<16xi32>], vector<16xf32>,
        %parallel_loop3A_452 = arith.constant 0 : i32
        %parallel_loop3A_453 = arith.constant 10 : i32
        %parallel_loop3A_454 = arith.index_cast %parallel_loop3A_452 : i32 to index
        %parallel_loop3A_455 = arith.index_cast %parallel_loop3A_453 : i32 to index
        %parallel_loop3A_456 = arith.index_cast %parallel_loop3A_285 : i32 to index
        %parallel_loop3A_457 = tpu.vector_load %arg10[%parallel_loop3A_454, %parallel_loop3A_455, %parallel_loop3A_456] {strides = array<i32>} : memref<2x16x512xf32, #tpu.memory_space<vmem>>, vector<16xf32>,
        tpu.vector_store %arg10[%parallel_loop3A_454, %parallel_loop3A_455, %parallel_loop3A_456], %parallel_loop3A_451 {add = true, strides = array<i32>} : memref<2x16x512xf32, #tpu.memory_space<vmem>>, vector<16xf32>,
        %parallel_loop3A_458 = arith.constant 1 : i32
        %parallel_loop3A_459 = arith.constant 10 : i32
        %parallel_loop3A_460 = arith.index_cast %parallel_loop3A_458 : i32 to index
        %parallel_loop3A_461 = arith.index_cast %parallel_loop3A_459 : i32 to index
        %parallel_loop3A_462 = arith.index_cast %parallel_loop3A_285 : i32 to index
        %parallel_loop3A_463 = tpu.vector_load %arg10[%parallel_loop3A_460, %parallel_loop3A_461, %parallel_loop3A_462] {strides = array<i32>} : memref<2x16x512xf32, #tpu.memory_space<vmem>>, vector<16xf32>,
        tpu.vector_store %arg10[%parallel_loop3A_460, %parallel_loop3A_461, %parallel_loop3A_462], %parallel_loop3A_451 {add = true, strides = array<i32>} : memref<2x16x512xf32, #tpu.memory_space<vmem>>, vector<16xf32>,
        %parallel_loop3A_464 = arith.constant 43659 : i32
        %parallel_loop3A_465 = vector.broadcast %parallel_loop3A_464 : i32 to vector<16xi32>
        %parallel_loop3A_466 = arith.addi %parallel_loop3A_287, %parallel_loop3A_465 : vector<16xi32>
        %parallel_loop3A_467 = tpu.vector_load_idx %arg6[%parallel_loop3A_466] : memref<63504xf32, #tpu.memory_space<vmem>>[vector<16xi32>], vector<16xf32>,
        %parallel_loop3A_468 = arith.constant 0 : i32
        %parallel_loop3A_469 = arith.constant 11 : i32
        %parallel_loop3A_470 = arith.index_cast %parallel_loop3A_468 : i32 to index
        %parallel_loop3A_471 = arith.index_cast %parallel_loop3A_469 : i32 to index
        %parallel_loop3A_472 = arith.index_cast %parallel_loop3A_285 : i32 to index
        %parallel_loop3A_473 = tpu.vector_load %arg10[%parallel_loop3A_470, %parallel_loop3A_471, %parallel_loop3A_472] {strides = array<i32>} : memref<2x16x512xf32, #tpu.memory_space<vmem>>, vector<16xf32>,
        tpu.vector_store %arg10[%parallel_loop3A_470, %parallel_loop3A_471, %parallel_loop3A_472], %parallel_loop3A_467 {add = true, strides = array<i32>} : memref<2x16x512xf32, #tpu.memory_space<vmem>>, vector<16xf32>,
        %parallel_loop3A_474 = arith.constant 1 : i32
        %parallel_loop3A_475 = arith.constant 11 : i32
        %parallel_loop3A_476 = arith.index_cast %parallel_loop3A_474 : i32 to index
        %parallel_loop3A_477 = arith.index_cast %parallel_loop3A_475 : i32 to index
        %parallel_loop3A_478 = arith.index_cast %parallel_loop3A_285 : i32 to index
        %parallel_loop3A_479 = tpu.vector_load %arg10[%parallel_loop3A_476, %parallel_loop3A_477, %parallel_loop3A_478] {strides = array<i32>} : memref<2x16x512xf32, #tpu.memory_space<vmem>>, vector<16xf32>,
        tpu.vector_store %arg10[%parallel_loop3A_476, %parallel_loop3A_477, %parallel_loop3A_478], %parallel_loop3A_467 {add = true, strides = array<i32>} : memref<2x16x512xf32, #tpu.memory_space<vmem>>, vector<16xf32>,
        %parallel_loop3A_480 = arith.constant 47628 : i32
        %parallel_loop3A_481 = vector.broadcast %parallel_loop3A_480 : i32 to vector<16xi32>
        %parallel_loop3A_482 = arith.addi %parallel_loop3A_287, %parallel_loop3A_481 : vector<16xi32>
        %parallel_loop3A_483 = tpu.vector_load_idx %arg6[%parallel_loop3A_482] : memref<63504xf32, #tpu.memory_space<vmem>>[vector<16xi32>], vector<16xf32>,
        %parallel_loop3A_484 = arith.constant 0 : i32
        %parallel_loop3A_485 = arith.constant 12 : i32
        %parallel_loop3A_486 = arith.index_cast %parallel_loop3A_484 : i32 to index
        %parallel_loop3A_487 = arith.index_cast %parallel_loop3A_485 : i32 to index
        %parallel_loop3A_488 = arith.index_cast %parallel_loop3A_285 : i32 to index
        %parallel_loop3A_489 = tpu.vector_load %arg10[%parallel_loop3A_486, %parallel_loop3A_487, %parallel_loop3A_488] {strides = array<i32>} : memref<2x16x512xf32, #tpu.memory_space<vmem>>, vector<16xf32>,
        tpu.vector_store %arg10[%parallel_loop3A_486, %parallel_loop3A_487, %parallel_loop3A_488], %parallel_loop3A_483 {add = true, strides = array<i32>} : memref<2x16x512xf32, #tpu.memory_space<vmem>>, vector<16xf32>,
        %parallel_loop3A_490 = arith.constant 1 : i32
        %parallel_loop3A_491 = arith.constant 12 : i32
        %parallel_loop3A_492 = arith.index_cast %parallel_loop3A_490 : i32 to index
        %parallel_loop3A_493 = arith.index_cast %parallel_loop3A_491 : i32 to index
        %parallel_loop3A_494 = arith.index_cast %parallel_loop3A_285 : i32 to index
        %parallel_loop3A_495 = tpu.vector_load %arg10[%parallel_loop3A_492, %parallel_loop3A_493, %parallel_loop3A_494] {strides = array<i32>} : memref<2x16x512xf32, #tpu.memory_space<vmem>>, vector<16xf32>,
        tpu.vector_store %arg10[%parallel_loop3A_492, %parallel_loop3A_493, %parallel_loop3A_494], %parallel_loop3A_483 {add = true, strides = array<i32>} : memref<2x16x512xf32, #tpu.memory_space<vmem>>, vector<16xf32>,
        %parallel_loop3A_496 = arith.constant 51597 : i32
        %parallel_loop3A_497 = vector.broadcast %parallel_loop3A_496 : i32 to vector<16xi32>
        %parallel_loop3A_498 = arith.addi %parallel_loop3A_287, %parallel_loop3A_497 : vector<16xi32>
        %parallel_loop3A_499 = tpu.vector_load_idx %arg6[%parallel_loop3A_498] : memref<63504xf32, #tpu.memory_space<vmem>>[vector<16xi32>], vector<16xf32>,
        %parallel_loop3A_500 = arith.constant 0 : i32
        %parallel_loop3A_501 = arith.constant 13 : i32
        %parallel_loop3A_502 = arith.index_cast %parallel_loop3A_500 : i32 to index
        %parallel_loop3A_503 = arith.index_cast %parallel_loop3A_501 : i32 to index
        %parallel_loop3A_504 = arith.index_cast %parallel_loop3A_285 : i32 to index
        %parallel_loop3A_505 = tpu.vector_load %arg10[%parallel_loop3A_502, %parallel_loop3A_503, %parallel_loop3A_504] {strides = array<i32>} : memref<2x16x512xf32, #tpu.memory_space<vmem>>, vector<16xf32>,
        tpu.vector_store %arg10[%parallel_loop3A_502, %parallel_loop3A_503, %parallel_loop3A_504], %parallel_loop3A_499 {add = true, strides = array<i32>} : memref<2x16x512xf32, #tpu.memory_space<vmem>>, vector<16xf32>,
        %parallel_loop3A_506 = arith.constant 1 : i32
        %parallel_loop3A_507 = arith.constant 13 : i32
        %parallel_loop3A_508 = arith.index_cast %parallel_loop3A_506 : i32 to index
        %parallel_loop3A_509 = arith.index_cast %parallel_loop3A_507 : i32 to index
        %parallel_loop3A_510 = arith.index_cast %parallel_loop3A_285 : i32 to index
        %parallel_loop3A_511 = tpu.vector_load %arg10[%parallel_loop3A_508, %parallel_loop3A_509, %parallel_loop3A_510] {strides = array<i32>} : memref<2x16x512xf32, #tpu.memory_space<vmem>>, vector<16xf32>,
        tpu.vector_store %arg10[%parallel_loop3A_508, %parallel_loop3A_509, %parallel_loop3A_510], %parallel_loop3A_499 {add = true, strides = array<i32>} : memref<2x16x512xf32, #tpu.memory_space<vmem>>, vector<16xf32>,
        %parallel_loop3A_512 = arith.constant 55566 : i32
        %parallel_loop3A_513 = vector.broadcast %parallel_loop3A_512 : i32 to vector<16xi32>
        %parallel_loop3A_514 = arith.addi %parallel_loop3A_287, %parallel_loop3A_513 : vector<16xi32>
        %parallel_loop3A_515 = tpu.vector_load_idx %arg6[%parallel_loop3A_514] : memref<63504xf32, #tpu.memory_space<vmem>>[vector<16xi32>], vector<16xf32>,
        %parallel_loop3A_516 = arith.constant 0 : i32
        %parallel_loop3A_517 = arith.constant 14 : i32
        %parallel_loop3A_518 = arith.index_cast %parallel_loop3A_516 : i32 to index
        %parallel_loop3A_519 = arith.index_cast %parallel_loop3A_517 : i32 to index
        %parallel_loop3A_520 = arith.index_cast %parallel_loop3A_285 : i32 to index
        %parallel_loop3A_521 = tpu.vector_load %arg10[%parallel_loop3A_518, %parallel_loop3A_519, %parallel_loop3A_520] {strides = array<i32>} : memref<2x16x512xf32, #tpu.memory_space<vmem>>, vector<16xf32>,
        tpu.vector_store %arg10[%parallel_loop3A_518, %parallel_loop3A_519, %parallel_loop3A_520], %parallel_loop3A_515 {add = true, strides = array<i32>} : memref<2x16x512xf32, #tpu.memory_space<vmem>>, vector<16xf32>,
        %parallel_loop3A_522 = arith.constant 1 : i32
        %parallel_loop3A_523 = arith.constant 14 : i32
        %parallel_loop3A_524 = arith.index_cast %parallel_loop3A_522 : i32 to index
        %parallel_loop3A_525 = arith.index_cast %parallel_loop3A_523 : i32 to index
        %parallel_loop3A_526 = arith.index_cast %parallel_loop3A_285 : i32 to index
        %parallel_loop3A_527 = tpu.vector_load %arg10[%parallel_loop3A_524, %parallel_loop3A_525, %parallel_loop3A_526] {strides = array<i32>} : memref<2x16x512xf32, #tpu.memory_space<vmem>>, vector<16xf32>,
        tpu.vector_store %arg10[%parallel_loop3A_524, %parallel_loop3A_525, %parallel_loop3A_526], %parallel_loop3A_515 {add = true, strides = array<i32>} : memref<2x16x512xf32, #tpu.memory_space<vmem>>, vector<16xf32>,
        %parallel_loop3A_528 = arith.constant 59535 : i32
        %parallel_loop3A_529 = vector.broadcast %parallel_loop3A_528 : i32 to vector<16xi32>
        %parallel_loop3A_530 = arith.addi %parallel_loop3A_287, %parallel_loop3A_529 : vector<16xi32>
        %parallel_loop3A_531 = tpu.vector_load_idx %arg6[%parallel_loop3A_530] : memref<63504xf32, #tpu.memory_space<vmem>>[vector<16xi32>], vector<16xf32>,
        %parallel_loop3A_532 = arith.constant 0 : i32
        %parallel_loop3A_533 = arith.constant 15 : i32
        %parallel_loop3A_534 = arith.index_cast %parallel_loop3A_532 : i32 to index
        %parallel_loop3A_535 = arith.index_cast %parallel_loop3A_533 : i32 to index
        %parallel_loop3A_536 = arith.index_cast %parallel_loop3A_285 : i32 to index
        %parallel_loop3A_537 = tpu.vector_load %arg10[%parallel_loop3A_534, %parallel_loop3A_535, %parallel_loop3A_536] {strides = array<i32>} : memref<2x16x512xf32, #tpu.memory_space<vmem>>, vector<16xf32>,
        tpu.vector_store %arg10[%parallel_loop3A_534, %parallel_loop3A_535, %parallel_loop3A_536], %parallel_loop3A_531 {add = true, strides = array<i32>} : memref<2x16x512xf32, #tpu.memory_space<vmem>>, vector<16xf32>,
        %parallel_loop3A_538 = arith.constant 1 : i32
        %parallel_loop3A_539 = arith.constant 15 : i32
        %parallel_loop3A_540 = arith.index_cast %parallel_loop3A_538 : i32 to index
        %parallel_loop3A_541 = arith.index_cast %parallel_loop3A_539 : i32 to index
        %parallel_loop3A_542 = arith.index_cast %parallel_loop3A_285 : i32 to index
        %parallel_loop3A_543 = tpu.vector_load %arg10[%parallel_loop3A_540, %parallel_loop3A_541, %parallel_loop3A_542] {strides = array<i32>} : memref<2x16x512xf32, #tpu.memory_space<vmem>>, vector<16xf32>,
        tpu.vector_store %arg10[%parallel_loop3A_540, %parallel_loop3A_541, %parallel_loop3A_542], %parallel_loop3A_531 {add = true, strides = array<i32>} : memref<2x16x512xf32, #tpu.memory_space<vmem>>, vector<16xf32>,
      } {sc.loop_unroll_factor = 1 : i64, sc.parallel_access}
      %dma_start3A_272 = arith.constant 0 : i32
      %dma_start3A_273 = arith.constant 0 : i32
      %dma_start3A_274 = arith.constant 512 : i32
      %dma_start3A_275 = tpu.memref_slice %arg5[%dma_start3A_272, %dma_start3A_273, %add3A_228, %dma_start3A_274] : memref<2x16x1024x1024xf32, #tpu.memory_space<hbm>> -> memref<2x16x1x512xf32, #tpu.memory_space<hbm>>
      %dma_start3A_276 = tpu.memref_squeeze %dma_start3A_275 : memref<2x16x1x512xf32, #tpu.memory_space<hbm>> -> memref<2x16x512xf32, #tpu.memory_space<hbm>>
      %dma_start3A_277 = arith.constant 0 : i32
      %dma_start3A_278 = arith.constant 0 : i32
      %dma_start3A_279 = arith.constant 512 : i32
      %dma_start3A_280 = tpu.memref_slice %arg5[%dma_start3A_277, %dma_start3A_278, %add3A_228, %dma_start3A_279] : memref<2x16x1024x1024xf32, #tpu.memory_space<hbm>> -> memref<2x16x1x512xf32, #tpu.memory_space<hbm>>
      %dma_start3A_281 = tpu.memref_squeeze %dma_start3A_280 : memref<2x16x1x512xf32, #tpu.memory_space<hbm>> -> memref<2x16x512xf32, #tpu.memory_space<hbm>>
      tpu.enqueue_dma source(%arg10 : memref<2x16x512xf32, #tpu.memory_space<vmem>>) target(%dma_start3A_281 : memref<2x16x512xf32, #tpu.memory_space<hbm>>) target_semaphore(%arg20 : memref<!tpu.dma_semaphore, #tpu.memory_space<semaphore_mem>>)
    }
    %scan3A_32 = arith.constant 16 : i32
    %add3A_33 = arith.constant 32 : i32
    %add3A_34 = arith.addi %mul3A_2, %add3A_33 : i32
    %sub3A = arith.constant 1 : i32
    %sub3A_35 = arith.subi %add3A_34, %sub3A : i32
    %dma_wait3A = arith.constant 0 : i32
    %dma_wait3A_36 = arith.constant 0 : i32
    %dma_wait3A_37 = arith.constant 0 : i32
    %dma_wait3A_38 = tpu.memref_slice %arg5[%dma_wait3A, %dma_wait3A_36, %sub3A_35, %dma_wait3A_37] : memref<2x16x1024x1024xf32, #tpu.memory_space<hbm>> -> memref<2x16x1x512xf32, #tpu.memory_space<hbm>>
    %dma_wait3A_39 = tpu.memref_squeeze %dma_wait3A_38 : memref<2x16x1x512xf32, #tpu.memory_space<hbm>> -> memref<2x16x512xf32, #tpu.memory_space<hbm>>
    %dma_wait3A_40 = arith.constant 0 : i32
    %dma_wait3A_41 = arith.constant 0 : i32
    %dma_wait3A_42 = arith.constant 0 : i32
    %dma_wait3A_43 = tpu.memref_slice %arg5[%dma_wait3A_40, %dma_wait3A_41, %sub3A_35, %dma_wait3A_42] : memref<2x16x1024x1024xf32, #tpu.memory_space<hbm>> -> memref<2x16x1x512xf32, #tpu.memory_space<hbm>>
    %dma_wait3A_44 = tpu.memref_squeeze %dma_wait3A_43 : memref<2x16x1x512xf32, #tpu.memory_space<hbm>> -> memref<2x16x512xf32, #tpu.memory_space<hbm>>
    tpu.wait_dma2 semaphore(%arg19 : memref<!tpu.dma_semaphore, #tpu.memory_space<semaphore_mem>>) src(%arg9 : memref<2x16x512xf32, #tpu.memory_space<vmem>>) dst(%dma_wait3A_44 : memref<2x16x512xf32, #tpu.memory_space<hbm>>)
    %dma_wait3A_45 = arith.constant 0 : i32
    %dma_wait3A_46 = arith.constant 0 : i32
    %dma_wait3A_47 = arith.constant 512 : i32
    %dma_wait3A_48 = tpu.memref_slice %arg5[%dma_wait3A_45, %dma_wait3A_46, %sub3A_35, %dma_wait3A_47] : memref<2x16x1024x1024xf32, #tpu.memory_space<hbm>> -> memref<2x16x1x512xf32, #tpu.memory_space<hbm>>
    %dma_wait3A_49 = tpu.memref_squeeze %dma_wait3A_48 : memref<2x16x1x512xf32, #tpu.memory_space<hbm>> -> memref<2x16x512xf32, #tpu.memory_space<hbm>>
    %dma_wait3A_50 = arith.constant 0 : i32
    %dma_wait3A_51 = arith.constant 0 : i32
    %dma_wait3A_52 = arith.constant 512 : i32
    %dma_wait3A_53 = tpu.memref_slice %arg5[%dma_wait3A_50, %dma_wait3A_51, %sub3A_35, %dma_wait3A_52] : memref<2x16x1024x1024xf32, #tpu.memory_space<hbm>> -> memref<2x16x1x512xf32, #tpu.memory_space<hbm>>
    %dma_wait3A_54 = tpu.memref_squeeze %dma_wait3A_53 : memref<2x16x1x512xf32, #tpu.memory_space<hbm>> -> memref<2x16x512xf32, #tpu.memory_space<hbm>>
    tpu.wait_dma2 semaphore(%arg20 : memref<!tpu.dma_semaphore, #tpu.memory_space<semaphore_mem>>) src(%arg10 : memref<2x16x512xf32, #tpu.memory_space<vmem>>) dst(%dma_wait3A_54 : memref<2x16x512xf32, #tpu.memory_space<hbm>>)
    return
  }
}

</mosaic_0001>

<sc_bundles>
// kernel: kernel.3.cloned.1.call-start
scs
__scs_entry_jumppad:
0x0: {  	(pc) =	sbr.rel $0x88, $3  }
0x1: {  	(tag) =	ssettag $0x0;
	lr =	simm.s32 $0x1  }
0x2: {  	[smem:$0x3F9E] =	sst lr;
	_ =	strace $0xD0000000  }
0x3: {  	_ = 	snop  }
0x4: {  	_ = 	snop  }
0x5: {  	_ = 	snop  }
0x6: {  	_ = 	snop  }
0x7: {  	_ = 	snop  }
__scs_overlays_trampoline_lowered:
0x8: {  	[smem:$0x3FAD] =	sst s0  }
0x9: {  	[smem:$0x3FAE] =	sst s1  }
0xa: {  	[smem:$0x3FAF] =	sst s2  }
0xb: {  	[smem:$0x3FB0] =	sst s3  }
0xc: {  	[smem:$0x3FB1] =	sst s4  }
0xd: {  	[smem:$0x3FB2] =	sst s5  }
0xe: {  	[smem:$0x3FB3] =	sst s6  }
0xf: {  	[smem:$0x3FB4] =	sst s7  }
0x10: {  	[smem:$0x3FB5] =	sst s8  }
0x11: {  	[smem:$0x3FB6] =	sst s9;
	s0 =	simm.s32 @!p0 $0x0  }
0x12: {  	s1 =	sld [smem:$0x3F9C];
	s0 =	simm.s32 @p0 $0x1  }
0x13: {  	[smem:$0x3FB7] =	sst s0;
	s0 =	simm.s32 @!p1 $0x0  }
0x14: {  	s2 =	sld [smem:$0x3F9B];
	s0 =	simm.s32 @p1 $0x1  }
0x15: {  	[smem:$0x3FB8] =	sst s0;
	s0 =	simm.s32 @!p2 $0x0  }
0x16: {  	s3 =	sld [smem:$0x3FDB];
	s0 =	simm.s32 @p2 $0x1  }
0x17: {  	s4 =	simm.s32 $0x1BF5;
	[smem:$0x3FBA] =	sst s0  }
0x18: {  	s0 =	sld [smem:$0x3F9D];
	_ =	swait.ge [sflag:s4], $0x0  }
0x19: {  	s7 =	sld [smem:$0x3F9E]  }
0x1a: {  	s8 =	sadd.s32 $0xFFFFE003, lr  }
0x1b: {  	s9 =	sadd.s32 $0xFFFFFEF7, lr;
	s5 =	simm.s32 $0xFFFFFFFF;
	p2 =	slt.u32 s8, $0xFFFFF086  }
0x1c: {  	p1 =	slt.u32 s9, $0xF7A;
	s5 =	simm.s32 @!p2 $0x0  }
0x1d: {  	s5 =	simm.s32 @p1 $0x1;
	p0 =	seq.s32 s7, s2  }
0x1e: {  	s7 =	smul.u32 @!p0 $0xF7A, s2;
	p2 =	seq.s32 @!p0 s5, $0x0  }
0x1f: {  	s9 =	smul.u32 $0xF7A, s1;
	s8 =	simm.s32 @!p0 $0x1BF5;
	p2 =	por !p2, p0  }
0x20: {  	[sflag:s8] =	ssyncset.s32 @!p0 $0xFFFFF086;
	s6 =	sadd.s32 @!p0 s3, s7;
	s7 =	simm.s32 @!p0 $0x108  }
0x21: {  	s3 =	sadd.s32 s3, s9;
	s6 =	sadd.s32 @!p0 $0x88, s6;
	s7 =	simm.s32 @p2 $0x1082  }
0x22: {  	[simem:s7], [sflag:s8] =	dma.local @!p0 [hbm:s6], $0xF7A  }
0x23: {  	s9 =	sor.u32 $0xD0000000, s2;
	s6 =	simm.s32 $0x108;
	_ =	swait.ge @!p0 [sflag:s8], $0x0  }
0x24: {  	s3 =	sadd.s32 $0x88, s3;
	s6 =	simm.s32 @!p1 $0x1082;
	[sflag:s4] =	ssyncset.s32 $0xFFFFF086  }
0x25: {  	[simem:s6], [sflag:s4] =	dma.local [hbm:s3], $0xF7A  }
0x26: {  	[smem:$0x3F9E] =	sst s1;
	(tag) =	ssettag s2;
	_ =	strace s9  }
0x27: {  	s1 =	sld [smem:$0x3FAE]  }
0x28: {  	s2 =	sld [smem:$0x3FAF]  }
0x29: {  	s4 =	sld [smem:$0x3FB1]  }
0x2a: {  	p0 =	seq.s32 s5, $0x0;
	s5 =	sld [smem:$0x3FB2]  }
0x2b: {  	s6 =	sld [smem:$0x3FB3]  }
0x2c: {  	s7 =	sld [smem:$0x3FB4]  }
0x2d: {  	s3 =	simm.s32 $0x108;
	s8 =	sld [smem:$0x3FB5]  }
0x2e: {  	s3 =	simm.s32 @!p0 $0x1082;
	s9 =	sld [smem:$0x3FB6]  }
0x2f: {  	lr =	sadd.s32 s0, s3;
	s0 =	sld [smem:$0x3FAD]  }
0x30: {  	s3 =	sld [smem:$0x3FB0]  }
0x31: {  	[smem:$0x3FB9] =	sst s10  }
0x32: {  	s10 =	sld [smem:$0x3FB7];
	_ =	sdelay $0x3  }
0x33: {  	p0 =	seq.s32 s10, $0x1;
	s10 =	sld [smem:$0x3FB9];
	_ =	sdelay $0x3  }
0x34: {  	[smem:$0x3FB9] =	sst s10  }
0x35: {  	s10 =	sld [smem:$0x3FB8];
	_ =	sdelay $0x3  }
0x36: {  	p1 =	seq.s32 s10, $0x1;
	s10 =	sld [smem:$0x3FB9];
	_ =	sdelay $0x3  }
0x37: {  	[smem:$0x3FB9] =	sst s10  }
0x38: {  	s10 =	sld [smem:$0x3FBA]  }
0x39: {  	_ = 	snop;
	(pc) =	sbr.ind lr, $3  }
0x3a: {  	_ = 	snop  }
0x3b: {  	_ = 	snop  }
0x3c: {  	p2 =	seq.s32 s10, $0x1;
	s10 =	sld [smem:$0x3FB9]  }
0x3d: {  	_ =	shalt  }
0x3e: {  	_ =	shalt  }
0x3f: {  	_ =	shalt  }
0x40: {  	_ =	shalt  }
0x41: {  	_ =	shalt  }
0x42: {  	_ =	shalt  }
0x43: {  	_ =	shalt  }
0x44: {  	_ =	shalt  }
0x45: {  	_ =	shalt  }
0x46: {  	_ =	shalt  }
0x47: {  	_ =	shalt  }
0x48: {  	_ =	shalt  }
0x49: {  	_ =	shalt  }
0x4a: {  	_ =	shalt  }
0x4b: {  	_ =	shalt  }
0x4c: {  	_ =	shalt  }
0x4d: {  	_ =	shalt  }
0x4e: {  	_ =	shalt  }
0x4f: {  	_ =	shalt  }
0x50: {  	_ =	shalt  }
0x51: {  	_ =	shalt  }
0x52: {  	_ =	shalt  }
0x53: {  	_ =	shalt  }
0x54: {  	_ =	shalt  }
0x55: {  	_ =	shalt  }
0x56: {  	_ =	shalt  }
0x57: {  	_ =	shalt  }
0x58: {  	_ =	shalt  }
0x59: {  	_ =	shalt  }
0x5a: {  	_ =	shalt  }
0x5b: {  	_ =	shalt  }
0x5c: {  	_ =	shalt  }
0x5d: {  	_ =	shalt  }
0x5e: {  	_ =	shalt  }
0x5f: {  	_ =	shalt  }
0x60: {  	_ =	shalt  }
0x61: {  	_ =	shalt  }
0x62: {  	_ =	shalt  }
0x63: {  	_ =	shalt  }
0x64: {  	_ =	shalt  }
0x65: {  	_ =	shalt  }
0x66: {  	_ =	shalt  }
0x67: {  	_ =	shalt  }
0x68: {  	_ =	shalt  }
0x69: {  	_ =	shalt  }
0x6a: {  	_ =	shalt  }
0x6b: {  	_ =	shalt  }
0x6c: {  	_ =	shalt  }
0x6d: {  	_ =	shalt  }
0x6e: {  	_ =	shalt  }
0x6f: {  	_ =	shalt  }
0x70: {  	_ =	shalt  }
0x71: {  	_ =	shalt  }
0x72: {  	_ =	shalt  }
0x73: {  	_ =	shalt  }
0x74: {  	_ =	shalt  }
0x75: {  	_ =	shalt  }
0x76: {  	_ =	shalt  }
0x77: {  	_ =	shalt  }
0x78: {  	_ =	shalt  }
0x79: {  	_ =	shalt  }
0x7a: {  	_ =	shalt  }
0x7b: {  	_ =	shalt  }
0x7c: {  	_ =	shalt  }
0x7d: {  	_ =	shalt  }
0x7e: {  	_ =	shalt  }
0x7f: {  	_ =	shalt  }
0x80: {  	_ =	shalt  }
0x81: {  	_ =	shalt  }
0x82: {  	_ =	shalt  }
0x83: {  	_ =	shalt  }
0x84: {  	_ =	shalt  }
0x85: {  	_ =	shalt  }
0x86: {  	_ =	shalt  }
0x87: {  	_ =	shalt  }
.Lfunc_end0:
.L_simem_size_0:
called_computation_lowered:
.L_overlay_start_0:
0x88: {  	s2 =	sld [smem:$0x3FD9]  }
0x89: {  	s3 =	sld [smem:$0x3FFE];
	_ =	sdelay $0x1  }
0x8a: {  	s1 =	srdreg.scid  }
0x8b: {  	s0 =	sand.u32 $0x1, s1  }
0x8c: {  	s17 =	sshll.u32 s0, $0xA;
	s2 =	sadd.s32 s3, s2  }
0x8d: {  	s2 =	sadd.s32 s2, s17  }
0x8e: {  	[smem:$0x3FC5] =	sst s2  }
0x8f: {  	_ = 	snop  }
0x90: {  	s2 =	sld [smem:$0x3FC9]  }
0x91: {  	s18 =	sld [smem:$0x3FC7]  }
0x92: {  	s4 =	sld [smem:$0x3FD0];
	(tm) =	ssettm $0x1  }
0x93: {  	s5 =	sld [smem:$0x3FFB];
	_ =	sdelay $0x3  }
0x94: {  	_ =	strace s5  }
0x95: {  	s5 =	sld [smem:$0x3FFC];
	_ =	sdelay $0x3  }
0x96: {  	_ =	strace s5  }
0x97: {  	s5 =	sld [smem:$0x3FFD];
	_ =	sdelay $0x3  }
0x98: {  	_ =	strace s5  }
0x99: {  	_ =	strace $0x8FFFFFFF  }
0x9a: {  	s19 =	sld [smem:$0x3FDB];
	_ =	sdelay $0x1  }
0x9b: {  	s6 =	simm.s32 $_scs_section_size  }
0x9c: {  	s7 =	simm.s32 $_size__tile_overlayer_lowered;
	s8 =	simm.s32 $_tile_overlayer_lowered  }
0x9d: {  	s22 =	simm.s32 $0x1BFF;
	s21 =	sshll.u32 s8, $0x1;
	s5 =	sadd.s32 s6, s19  }
0x9e: {  	s9 =	simm.s32 $0x0;
	s20 =	sshll.u32 s7, $0x1;
	s7 =	sadd.s32 s21, s5  }
0x9f: {  	[timem:s9], [sflag:s22] =	dma.local [hbm:s7], s20  }
0xa0: {  	_ =	swait.ge [sflag:s22], s20  }
0xa1: {  	s6 =	ssub.s32 $0x0, s20;
	[sflag:s22] =	ssyncset.done $0x0  }
0xa2: {  	[sflag:s22] =	ssyncadd.s32 s6;
	_ =	sdelay $0x1  }
0xa3: {  	s23 =	simm.s32 $0x1B8B  }
0xa4: {  	_ =	swait.ge [sflag:s23], $0x1  }
0xa5: {  	[sflag:s23] =	ssyncset.done $0x0  }
0xa6: {  	s25 =	simm.s32 $0x1B8E;
	s24 =	sld [smem:$0x3FFE];
	[sflag:s23] =	ssyncadd.s32 $0xFFFFFFFF  }
0xa7: {  	s26 =	simm.s32 $execute0_lowered;
	[smem:$0x3FD2] =	sst s25  }
0xa8: {  	s7 =	sshll.u32 s26, $0x1;
	_ =	strace $0x80000046;
	[dreg:$0x1] =	wrdreg $0xFFFFFFFF  }
0xa9: {  	s28 =	simm.s32 $_size_execute0_lowered;
	s5 =	sadd.s32 s5, s7;
	[dreg:$0x0] =	wrdreg $0x0  }
0xaa: {  	s7 =	sshll.u32 s28, $0x1;
	[dreg:$0x2] =	wrdreg s5  }
0xab: {  	[dreg:$0x3] =	wrdreg s7  }
0xac: {  	[dreg:$0x4] =	wrdreg $0xC0  }
0xad: {  	_ =	task [dreg:s9], $0x5FFFF  }
0xae: {  	[dreg:$0x1] =	wrdreg $0xFFFFFFFF  }
0xaf: {  	[dreg:$0x0] =	wrdreg $0x60  }
0xb0: {  	[dreg:$0x2] =	wrdreg s2  }
0xb1: {  	[dreg:$0x3] =	wrdreg s24  }
0xb2: {  	[dreg:$0x4] =	wrdreg s18  }
0xb3: {  	[dreg:$0x5] =	wrdreg s4  }
0xb4: {  	[dreg:$0x6] =	wrdreg $0x9  }
0xb5: {  	_ =	task.clear_ibuf [dreg:s9], $0x7FFFF;
	_ =	strace $0x90000046  }
0xb6: {  	s29 =	simm.s32 $0x9;
	_ =	strace $0x80000048  }
0xb7: {  	_ =	swait.ge [sflag:s29], $0x1  }
0xb8: {  	[sflag:s29] =	ssyncadd.s32 $0xFFFFFFFF  }
0xb9: {  	_ =	strace $0x90000048  }
0xba: {  	_ =	sfence  }
0xbb: {  	s30 =	sld [smem:$0x0];
	_ =	sdelay $0x2  }
0xbc: {  	s31 =	sshll.u32 s1, $0xD;
	s1 =	sshrl.u32 s1, $0x2  }
0xbd: {  	s3 =	sand.u32 $0x4000, s31;
	s1 =	sadd.s32 s1, s30  }
0xbe: {  	s0 =	sor.u32 s3, s0;
	s1 =	sshll.u32 s1, $0x11  }
0xbf: {  	s0 =	sor.u32 s1, s0  }
0xc0: {  	s0 =	sadd.s32 $0x8F2B, s0  }
0xc1: {  	[sflag:s0] =	ssyncadd.remote.s32 $0x1  }
0xc2: {  	_ =	sfence.sel $0xFFFF  }
0xc3: {  	[dreg:$0x0] =	wrdreg $0xFFFFFFFF;
	(pc) =	sbr.abs _section_cstart, $3  }
0xc4: {  	[dreg:$0x1] =	wrdreg $0xFFFFFFFF  }
0xc5: {  	_ =	task.clear_ibuf [dreg:s9], $0x2FFFF;
	_ =	strace $0x9FFFFFFF  }
0xc6: {  	(tm) =	ssettm $0x7FFFFFFF  }
0xc7: {  	_ =	shalt  }
tec
execute0_lowered:
.L_overlay_start_1:
0x0: {  	(tag) =	ssettag $0x1  }
0x1: {  	s1 =	rddreg [dreg:$0x0]  }
0x2: {  	s0 =	rddreg [dreg:$0x1]  }
0x3: {  	s2 =	rddreg [dreg:$0x2]  }
0x4: {  	s4 =	rddreg [dreg:$0x3]  }
0x5: {  	s3 =	srdreg.scid;
	s5 =	simm.s32 $0x0;
	s6 =	stileid.u32  }
0x6: {  	s3 =	sand.u32 $0x1, s3;
	[smem:$0x7FF] =	sst s5;
	s6 =	sshll.u32 s6, $0x6  }
0x7: {  	s0 =	sadd.s32 $0x400, s0;
	s20 =	sadd.s32 $0x200, s1;
	s7 =	sshll.u32 s3, $0x5  }
0x8: {  	_ =	strace $0x80000047;
	s3 =	ssub.s32 $0x2, s3;
	[dreg:$0x6] =	wrdreg s0  }
0x9: {  	[dreg:$0x8] =	wrdreg s20;
	s6 =	sor.u32 s7, s6;
	s18 =	sshrl.u32 s3, $0x1  }
0xa: {  	[dreg:$0x5] =	wrdreg s6;
	s6 =	sshll.u32 s6, $0x7;
	s0 =	ssub.s32 s3, s18  }
0xb: {  	s19 =	sadd.s32 s1, s6;
	s7 =	sadd.s32 s6, s20;
	s6 =	sadd.s32 s2, s6  }
0xc: {  	s0 =	smax.u32 s0, $0x1;
	[dreg:$0xa] =	wrdreg s6  }
0xd: {  	[dreg:$0xb] =	wrdreg s0  }
0xe: {  	[dreg:$0x7] =	wrdreg s19  }
0xf: {  	s21 =	sadd.s32 $0x80, s19;
	[dreg:$0x9] =	wrdreg s7  }
0x10: {  	s22 =	sadd.s32 $0x100080, s19;
	[dreg:$0xc] =	wrdreg s21  }
0x11: {  	s23 =	sadd.s32 $0x100100, s19;
	[dreg:$0xd] =	wrdreg s22  }
0x12: {  	s24 =	sadd.s32 $0x100, s19;
	[dreg:$0xe] =	wrdreg s23  }
0x13: {  	s25 =	sadd.s32 $0x100180, s19;
	[dreg:$0xf] =	wrdreg s24  }
0x14: {  	s26 =	sadd.s32 $0x200080, s19;
	[dreg:$0x10] =	wrdreg s25  }
0x15: {  	s30 =	sadd.s32 $0x180, s19;
	[dreg:$0x11] =	wrdreg s26  }
0x16: {  	s31 =	sadd.s32 $0x200100, s19;
	[dreg:$0x12] =	wrdreg s30  }
0x17: {  	s6 =	sadd.s32 $0x200180, s19;
	[dreg:$0x13] =	wrdreg s31  }
0x18: {  	s8 =	sadd.s32 $0x200000, s19;
	[dreg:$0x14] =	wrdreg s6  }
0x19: {  	s9 =	sadd.s32 $0x300000, s19;
	[dreg:$0x15] =	wrdreg s8  }
0x1a: {  	s10 =	sadd.s32 $0x300080, s19;
	[dreg:$0x16] =	wrdreg s9  }
0x1b: {  	s11 =	sadd.s32 $0x100000, s19;
	[dreg:$0x17] =	wrdreg s10  }
0x1c: {  	s12 =	sadd.s32 $0x300100, s19;
	[dreg:$0x18] =	wrdreg s11  }
0x1d: {  	s13 =	sadd.s32 $0x300180, s19;
	[dreg:$0x19] =	wrdreg s12  }
0x1e: {  	s14 =	sadd.s32 $0x80, s7;
	[dreg:$0x1a] =	wrdreg s13  }
0x1f: {  	s15 =	sadd.s32 $0x100080, s7;
	[dreg:$0x1b] =	wrdreg s14  }
0x20: {  	s16 =	sadd.s32 $0x100100, s7;
	[dreg:$0x1c] =	wrdreg s15  }
0x21: {  	s17 =	sadd.s32 $0x100, s7;
	[dreg:$0x1d] =	wrdreg s16  }
0x22: {  	s18 =	sadd.s32 $0x100180, s7;
	[dreg:$0x1e] =	wrdreg s17  }
0x23: {  	s19 =	sadd.s32 $0x200080, s7;
	[dreg:$0x1f] =	wrdreg s18  }
0x24: {  	s20 =	sadd.s32 $0x180, s7;
	[smem:$0x7F4] =	sst s19  }
0x25: {  	[smem:$0x7F5] =	sst s20;
	s21 =	sadd.s32 $0x200100, s7  }
0x26: {  	s22 =	sadd.s32 $0x200180, s7;
	[smem:$0x7F6] =	sst s21  }
0x27: {  	s28 =	simm.s32 $0x9;
	s23 =	sadd.s32 $0x200000, s7;
	[smem:$0x7F7] =	sst s22  }
0x28: {  	s29 =	simm.s32 $0x1;
	s24 =	sadd.s32 $0x300000, s7;
	[smem:$0x7F8] =	sst s23  }
0x29: {  	s0 =	simm.s32 $0x400;
	s25 =	sadd.s32 $0x300080, s7;
	[smem:$0x7F9] =	sst s24  }
0x2a: {  	s26 =	sadd.s32 $0x100000, s7;
	s30 =	sadd.s32 $0x300100, s7;
	[smem:$0x7FA] =	sst s25  }
0x2b: {  	s31 =	sadd.s32 $0x300180, s7;
	s20 =	simm.s32 $0x80;
	[smem:$0x7FB] =	sst s26  }
0x2c: {  	s18 =	simm.s32 $0x17880;
	s19 =	simm.s32 $0x17C80;
	[smem:$0x7FC] =	sst s30  }
0x2d: {  	s10 =	simm.s32 $0xA;
	s7 =	simm.s32 $0x0;
	[smem:$0x7FD] =	sst s31  }
0x2e: {  	s21 =	simm.s32 $0x100000;
	s22 =	simm.s32 $0x2;
	s23 =	simm.s32 $0x5  }
0x2f: {  	s24 =	simm.s32 $0x3;
	s25 =	simm.s32 $0x6;
	s26 =	simm.s32 $0x4  }
.LBB2_1:
0x30: {  	[smem:$0x7F3] =	sst s7  }
0x31: {  	s3 =	rddreg [dreg:$0x7]  }
0x32: {  	s6 =	simm.s32 $0xF880;
	s13 =	rddreg [dreg:$0xc]  }
0x33: {  	[tilespmem:s6], [sflag:$0x1] =	stream.strided.gather [hbm4b:s3+s20], $0x400, s21, s20, $0x38;
	[tilespmem:$0x1FC80] =	vst v63  }
0x34: {  	s14 =	simm.s32 $0xFC80;
	s15 =	rddreg [dreg:$0xf]  }
0x35: {  	[tilespmem:s14], [sflag:$0x1] =	stream.strided.gather [hbm4b:s13+s20], $0x400, s21, s20, $0x38;
	[tilespmem:$0x1FC80] =	vst v63  }
0x36: {  	s16 =	simm.s32 $0x10080;
	s17 =	rddreg [dreg:$0x12]  }
0x37: {  	[tilespmem:s16], [sflag:$0x1] =	stream.strided.gather [hbm4b:s15+s20], $0x400, s21, s20, $0x38;
	[tilespmem:$0x1FC80] =	vst v63  }
0x38: {  	s31 =	simm.s32 $0x10480;
	s8 =	rddreg [dreg:$0xd]  }
0x39: {  	[tilespmem:s31], [sflag:$0x1] =	stream.strided.gather [hbm4b:s17+s20], $0x400, s21, s20, $0x38;
	[tilespmem:$0x1FC80] =	vst v63  }
0x3a: {  	s7 =	simm.s32 $0x10880;
	s6 =	rddreg [dreg:$0x18]  }
0x3b: {  	[tilespmem:s7], [sflag:$0x1] =	stream.strided.gather [hbm4b:s6+s20], $0x400, s21, s20, $0x38;
	[tilespmem:$0x1FC80] =	vst v63  }
0x3c: {  	s9 =	simm.s32 $0x10C80;
	s11 =	rddreg [dreg:$0xe]  }
0x3d: {  	[tilespmem:s9], [sflag:$0x1] =	stream.strided.gather [hbm4b:s8+s20], $0x400, s21, s20, $0x38;
	[tilespmem:$0x1FC80] =	vst v63  }
0x3e: {  	s12 =	simm.s32 $0x11080;
	s13 =	rddreg [dreg:$0x10]  }
0x3f: {  	[tilespmem:s12], [sflag:$0x1] =	stream.strided.gather [hbm4b:s11+s20], $0x400, s21, s20, $0x38;
	[tilespmem:$0x1FC80] =	vst v63  }
0x40: {  	s14 =	simm.s32 $0x11480;
	s15 =	rddreg [dreg:$0x15]  }
0x41: {  	[tilespmem:s14], [sflag:$0x1] =	stream.strided.gather [hbm4b:s13+s20], $0x400, s21, s20, $0x38;
	[tilespmem:$0x1FC80] =	vst v63  }
0x42: {  	s16 =	simm.s32 $0x11880;
	s17 =	rddreg [dreg:$0x11]  }
0x43: {  	[tilespmem:s16], [sflag:$0x1] =	stream.strided.gather [hbm4b:s15+s20], $0x400, s21, s20, $0x38;
	[tilespmem:$0x1FC80] =	vst v63  }
0x44: {  	s31 =	simm.s32 $0x11C80;
	s6 =	rddreg [dreg:$0x13]  }
0x45: {  	[tilespmem:s31], [sflag:$0x1] =	stream.strided.gather [hbm4b:s17+s20], $0x400, s21, s20, $0x38;
	[tilespmem:$0x1FC80] =	vst v63  }
0x46: {  	s7 =	simm.s32 $0x12080;
	s8 =	rddreg [dreg:$0x14]  }
0x47: {  	[tilespmem:s7], [sflag:$0x1] =	stream.strided.gather [hbm4b:s6+s20], $0x400, s21, s20, $0x38;
	[tilespmem:$0x1FC80] =	vst v63  }
0x48: {  	s9 =	simm.s32 $0x12480;
	s11 =	rddreg [dreg:$0x16]  }
0x49: {  	[tilespmem:s9], [sflag:$0x1] =	stream.strided.gather [hbm4b:s8+s20], $0x400, s21, s20, $0x38;
	[tilespmem:$0x1FC80] =	vst v63  }
0x4a: {  	s12 =	simm.s32 $0x12880;
	s13 =	rddreg [dreg:$0x17]  }
0x4b: {  	[tilespmem:s12], [sflag:$0x1] =	stream.strided.gather [hbm4b:s11+s20], $0x400, s21, s20, $0x38;
	[tilespmem:$0x1FC80] =	vst v63  }
0x4c: {  	s14 =	simm.s32 $0x12C80;
	s15 =	rddreg [dreg:$0x19]  }
0x4d: {  	[tilespmem:s14], [sflag:$0x1] =	stream.strided.gather [hbm4b:s13+s20], $0x400, s21, s20, $0x38;
	[tilespmem:$0x1FC80] =	vst v63  }
0x4e: {  	s16 =	simm.s32 $0x13080;
	s17 =	rddreg [dreg:$0x1a]  }
0x4f: {  	[tilespmem:s16], [sflag:$0x1] =	stream.strided.gather [hbm4b:s15+s20], $0x400, s21, s20, $0x38;
	[tilespmem:$0x1FC80] =	vst v63  }
0x50: {  	s31 =	simm.s32 $0x13480;
	s6 =	rddreg [dreg:$0x9]  }
0x51: {  	[tilespmem:s31], [sflag:$0x1] =	stream.strided.gather [hbm4b:s17+s20], $0x400, s21, s20, $0x38;
	[tilespmem:$0x1FC80] =	vst v63  }
0x52: {  	s7 =	simm.s32 $0x13880;
	s8 =	rddreg [dreg:$0x1b]  }
0x53: {  	[tilespmem:s7], [sflag:$0x2] =	stream.strided.gather [hbm4b:s6+s20], $0x400, s21, s20, $0x38;
	[tilespmem:$0x1FC80] =	vst v63  }
0x54: {  	s9 =	simm.s32 $0x13C80;
	s11 =	rddreg [dreg:$0x1e]  }
0x55: {  	[tilespmem:s9], [sflag:$0x2] =	stream.strided.gather [hbm4b:s8+s20], $0x400, s21, s20, $0x38;
	[tilespmem:$0x1FC80] =	vst v63  }
0x56: {  	s12 =	simm.s32 $0x14080;
	s13 =	sld [smem:$0x7F5]  }
0x57: {  	[tilespmem:s12], [sflag:$0x2] =	stream.strided.gather [hbm4b:s11+s20], $0x400, s21, s20, $0x38;
	[tilespmem:$0x1FC80] =	vst v63  }
0x58: {  	s14 =	simm.s32 $0x14480;
	s15 =	sld [smem:$0x7FB]  }
0x59: {  	[tilespmem:s14], [sflag:$0x2] =	stream.strided.gather [hbm4b:s13+s20], $0x400, s21, s20, $0x38;
	[tilespmem:$0x1FC80] =	vst v63  }
0x5a: {  	s16 =	simm.s32 $0x14880;
	s17 =	rddreg [dreg:$0x1c]  }
0x5b: {  	[tilespmem:s16], [sflag:$0x2] =	stream.strided.gather [hbm4b:s15+s20], $0x400, s21, s20, $0x38;
	[tilespmem:$0x1FC80] =	vst v63  }
0x5c: {  	s31 =	simm.s32 $0x14C80;
	s6 =	rddreg [dreg:$0x1d]  }
0x5d: {  	[tilespmem:s31], [sflag:$0x2] =	stream.strided.gather [hbm4b:s17+s20], $0x400, s21, s20, $0x38;
	[tilespmem:$0x1FC80] =	vst v63  }
0x5e: {  	s7 =	simm.s32 $0x15080;
	s8 =	rddreg [dreg:$0x1f]  }
0x5f: {  	[tilespmem:s7], [sflag:$0x2] =	stream.strided.gather [hbm4b:s6+s20], $0x400, s21, s20, $0x38;
	[tilespmem:$0x1FC80] =	vst v63  }
0x60: {  	s9 =	simm.s32 $0x15480;
	s11 =	sld [smem:$0x7F8]  }
0x61: {  	[tilespmem:s9], [sflag:$0x2] =	stream.strided.gather [hbm4b:s8+s20], $0x400, s21, s20, $0x38;
	[tilespmem:$0x1FC80] =	vst v63  }
0x62: {  	s12 =	simm.s32 $0x15880;
	s13 =	sld [smem:$0x7F4]  }
0x63: {  	[tilespmem:s12], [sflag:$0x2] =	stream.strided.gather [hbm4b:s11+s20], $0x400, s21, s20, $0x38;
	[tilespmem:$0x1FC80] =	vst v63  }
0x64: {  	s14 =	simm.s32 $0x15C80;
	s15 =	sld [smem:$0x7F6]  }
0x65: {  	[tilespmem:s14], [sflag:$0x2] =	stream.strided.gather [hbm4b:s13+s20], $0x400, s21, s20, $0x38;
	[tilespmem:$0x1FC80] =	vst v63  }
0x66: {  	s16 =	simm.s32 $0x16080;
	s17 =	sld [smem:$0x7F7]  }
0x67: {  	[tilespmem:s16], [sflag:$0x2] =	stream.strided.gather [hbm4b:s15+s20], $0x400, s21, s20, $0x38;
	[tilespmem:$0x1FC80] =	vst v63  }
0x68: {  	s31 =	simm.s32 $0x16480;
	s6 =	sld [smem:$0x7F9]  }
0x69: {  	[tilespmem:s31], [sflag:$0x2] =	stream.strided.gather [hbm4b:s17+s20], $0x400, s21, s20, $0x38;
	[tilespmem:$0x1FC80] =	vst v63  }
0x6a: {  	s7 =	simm.s32 $0x16880;
	s8 =	sld [smem:$0x7FA]  }
0x6b: {  	[tilespmem:s7], [sflag:$0x2] =	stream.strided.gather [hbm4b:s6+s20], $0x400, s21, s20, $0x38;
	[tilespmem:$0x1FC80] =	vst v63  }
0x6c: {  	s9 =	simm.s32 $0x16C80;
	s11 =	sld [smem:$0x7FC]  }
0x6d: {  	[tilespmem:s9], [sflag:$0x2] =	stream.strided.gather [hbm4b:s8+s20], $0x400, s21, s20, $0x38;
	[tilespmem:$0x1FC80] =	vst v63  }
0x6e: {  	s12 =	simm.s32 $0x17080;
	s13 =	sld [smem:$0x7FD]  }
0x6f: {  	[tilespmem:s12], [sflag:$0x2] =	stream.strided.gather [hbm4b:s11+s20], $0x400, s21, s20, $0x38;
	[tilespmem:$0x1FC80] =	vst v63  }
0x70: {  	s14 =	simm.s32 $0x17480  }
0x71: {  	[tilespmem:s14], [sflag:$0x2] =	stream.strided.gather [hbm4b:s13+s20], $0x400, s21, s20, $0x38;
	[tilespmem:$0x1FC80] =	vst v63  }
0x72: {  	s15 =	rddreg [dreg:$0xa];
	s16 =	simm.s32 $0x1F880  }
0x73: {  	[tilespmem:s16], [sflag:$0x9] =	stream.strided.gather [hbm4b:s15+s20], $0x200, s0, s20, $0x38;
	[tilespmem:$0x1FC80] =	vst v63  }
0x74: {  	s17 =	rddreg [dreg:$0x6];
	s31 =	simm.s32 $0xB  }
0x75: {  	[tilespmem:s5], [sflag:$0xB] =	stream.linear.gather [hbm4b:s17+s5], $0xF880, $0x38;
	[tilespmem:$0x1FC80] =	vst v63  }
0x76: {  	_ =	swait.ge [sflag:s31], $0xF880  }
0x77: {  	[sflag:s31] =	ssyncset.done $0x0  }
0x78: {  	s30 =	simm.s32 $0x0;
	[sflag:s31] =	ssyncadd.s32 $0xFFFF0780  }
.LBB2_2:
0x79: {  	s3 =	sshll.u32 s30, $0x1;
	s6 =	rddreg [dreg:$0x5]  }
0x7a: {  	s6 =	sadd.s32 s6, s3  }
0x7b: {  	s7 =	sshll.u32 s30, $0x8;
	s3 =	sshll.u32 s6, $0xA  }
0x7c: {  	p0 =	seq.s32 s30, $0x0;
	s7 =	sand.u32 $0x300, s7;
	s3 =	sand.u32 $0xFE000, s3  }
0x7d: {  	s9 =	simm.s32 @!p0 $0x7;
	s3 =	sor.u32 s7, s3  }
0x7e: {  	_ =	swait.ge @!p0 [sflag:s9], $0x4000;
	s3 =	sshrl.u32 s3, $0x3  }
0x7f: {  	[sflag:s9] =	ssyncset.done @!p0 $0x0;
	s31 =	sor.u32 $0x10, s3  }
0x80: {  	[sflag:s9] =	ssyncadd.s32 @!p0 $0xFFFFC000;
	s7 =	sadd.s32 s1, s31  }
0x81: {  	[tilespmem:s18], [sflag:$0x3] =	stream.strided.gather [hbm4b:s7+s20], $0x400, s21, s20, $0x38;
	[tilespmem:$0x1FC80] =	vst v63  }
0x82: {  	s15 =	sadd.s32 $0x80, s7  }
0x83: {  	[tilespmem:s19], [sflag:$0x3] =	stream.strided.gather [hbm4b:s15+s20], $0x400, s21, s20, $0x38;
	[tilespmem:$0x1FC80] =	vst v63  }
0x84: {  	s8 =	simm.s32 $0x18080;
	s16 =	sadd.s32 $0x100, s7  }
0x85: {  	[tilespmem:s8], [sflag:$0x3] =	stream.strided.gather [hbm4b:s16+s20], $0x400, s21, s20, $0x38;
	[tilespmem:$0x1FC80] =	vst v63  }
0x86: {  	s17 =	sadd.s32 $0x180, s7;
	s18 =	simm.s32 $0x18480  }
0x87: {  	[tilespmem:s18], [sflag:$0x3] =	stream.strided.gather [hbm4b:s17+s20], $0x400, s21, s20, $0x38;
	[tilespmem:$0x1FC80] =	vst v63  }
0x88: {  	s11 =	simm.s32 $0x18880;
	s19 =	sadd.s32 $0x100000, s7  }
0x89: {  	[tilespmem:s11], [sflag:$0x3] =	stream.strided.gather [hbm4b:s19+s20], $0x400, s21, s20, $0x38;
	[tilespmem:$0x1FC80] =	vst v63  }
0x8a: {  	s12 =	simm.s32 $0x18C80;
	s11 =	sadd.s32 $0x80, s19  }
0x8b: {  	[tilespmem:s12], [sflag:$0x3] =	stream.strided.gather [hbm4b:s11+s20], $0x400, s21, s20, $0x38;
	[tilespmem:$0x1FC80] =	vst v63  }
0x8c: {  	s14 =	simm.s32 $0x19080;
	s13 =	sadd.s32 $0x100, s19  }
0x8d: {  	[tilespmem:s14], [sflag:$0x3] =	stream.strided.gather [hbm4b:s13+s20], $0x400, s21, s20, $0x38;
	[tilespmem:$0x1FC80] =	vst v63  }
0x8e: {  	s15 =	simm.s32 $0x19480;
	s9 =	sadd.s32 $0x180, s19  }
0x8f: {  	[tilespmem:s15], [sflag:$0x3] =	stream.strided.gather [hbm4b:s9+s20], $0x400, s21, s20, $0x38;
	[tilespmem:$0x1FC80] =	vst v63  }
0x90: {  	s16 =	sadd.s32 $0x200000, s7;
	s17 =	simm.s32 $0x19880  }
0x91: {  	[tilespmem:s17], [sflag:$0x3] =	stream.strided.gather [hbm4b:s16+s20], $0x400, s21, s20, $0x38;
	[tilespmem:$0x1FC80] =	vst v63  }
0x92: {  	s18 =	sadd.s32 $0x80, s16;
	s19 =	simm.s32 $0x19C80  }
0x93: {  	[tilespmem:s19], [sflag:$0x3] =	stream.strided.gather [hbm4b:s18+s20], $0x400, s21, s20, $0x38;
	[tilespmem:$0x1FC80] =	vst v63  }
0x94: {  	s8 =	sadd.s32 $0x100, s16;
	s12 =	simm.s32 $0x1A080  }
0x95: {  	[tilespmem:s12], [sflag:$0x3] =	stream.strided.gather [hbm4b:s8+s20], $0x400, s21, s20, $0x38;
	[tilespmem:$0x1FC80] =	vst v63  }
0x96: {  	s13 =	simm.s32 $0x1A480;
	s9 =	sadd.s32 $0x180, s16  }
0x97: {  	[tilespmem:s13], [sflag:$0x3] =	stream.strided.gather [hbm4b:s9+s20], $0x400, s21, s20, $0x38;
	[tilespmem:$0x1FC80] =	vst v63  }
0x98: {  	s7 =	sadd.s32 $0x300000, s7;
	s14 =	simm.s32 $0x1A880  }
0x99: {  	[tilespmem:s14], [sflag:$0x3] =	stream.strided.gather [hbm4b:s7+s20], $0x400, s21, s20, $0x38;
	[tilespmem:$0x1FC80] =	vst v63  }
0x9a: {  	s15 =	sadd.s32 $0x80, s7;
	s16 =	simm.s32 $0x1AC80  }
0x9b: {  	[tilespmem:s16], [sflag:$0x3] =	stream.strided.gather [hbm4b:s15+s20], $0x400, s21, s20, $0x38;
	[tilespmem:$0x1FC80] =	vst v63  }
0x9c: {  	s17 =	sadd.s32 $0x100, s7;
	s18 =	simm.s32 $0x1B080  }
0x9d: {  	[tilespmem:s18], [sflag:$0x3] =	stream.strided.gather [hbm4b:s17+s20], $0x400, s21, s20, $0x38;
	[tilespmem:$0x1FC80] =	vst v63  }
0x9e: {  	s19 =	simm.s32 $0x1B480;
	s9 =	sor.u32 $0x200, s3;
	s7 =	sadd.s32 $0x180, s7  }
0x9f: {  	[tilespmem:s19], [sflag:$0x3] =	stream.strided.gather [hbm4b:s7+s20], $0x400, s21, s20, $0x38;
	[tilespmem:$0x1FC80] =	vst v63  }
0xa0: {  	s11 =	simm.s32 $0x1FA80;
	s8 =	sadd.s32 s2, s9  }
0xa1: {  	[tilespmem:s11], [sflag:$0xA] =	stream.strided.gather [hbm4b:s8+s20], $0x200, s0, s20, $0x38;
	[tilespmem:$0x1FC80] =	vst v63  }
0xa2: {  	_ =	swait.ge [sflag:s28], $0x200  }
0xa3: {  	[sflag:s28] =	ssyncset.done $0x0  }
0xa4: {  	[sflag:s28] =	ssyncadd.s32 $0xFFFFFE00  }
0xa5: {  	_ =	swait.ge [sflag:s29], $0x4000  }
0xa6: {  	[sflag:s29] =	ssyncset.done $0x0  }
0xa7: {  	s12 =	simm.s32 $0x1F880;
	[sflag:s29] =	ssyncadd.s32 $0xFFFFC000  }
0xa8: {  	v3 =	vld [tilespmem:s12+$0x0];
	_ =	sdelay $0x7  }
0xa9: {  	v0 =	vld.idx.msk [tilespmem:v3+s5+$0x0], $0xffff;
	_ =	sdelay $0x1  }
0xaa: {  	s12 =	simm.s32 $0x0;
	v1 =	vadd.s32 $0xF81, v3  }
0xab: {  	s13 =	sand.u32 $0x70, s12;
	s14 =	sand.u32 $0xC00, s12  }
0xac: {  	s11 =	sor.u32 s13, s14  }
0xad: {  	[tilespmem:s11+$0xF880] =	vst.add.f32.msk $0xffff, v0  }
0xae: {  	[tilespmem:s11+$0x11880] =	vst.add.f32.msk $0xffff, v0  }
0xaf: {  	v0 =	vld.idx.msk [tilespmem:v1+s5+$0x0], $0xffff;
	_ =	sdelay $0x1  }
0xb0: {  	v1 =	vadd.s32 $0x1F02, v3;
	_ =	sdelay $0x2  }
0xb1: {  	[tilespmem:s11+$0xF900] =	vst.add.f32.msk $0xffff, v0  }
0xb2: {  	[tilespmem:s11+$0x11900] =	vst.add.f32.msk $0xffff, v0  }
0xb3: {  	v0 =	vld.idx.msk [tilespmem:v1+s5+$0x0], $0xffff;
	_ =	sdelay $0x1  }
0xb4: {  	v1 =	vadd.s32 $0x2E83, v3;
	_ =	sdelay $0x2  }
0xb5: {  	[tilespmem:s11+$0xF980] =	vst.add.f32.msk $0xffff, v0  }
0xb6: {  	[tilespmem:s11+$0x11980] =	vst.add.f32.msk $0xffff, v0  }
0xb7: {  	v0 =	vld.idx.msk [tilespmem:v1+s5+$0x0], $0xffff;
	_ =	sdelay $0x1  }
0xb8: {  	v1 =	vadd.s32 $0x3E04, v3;
	_ =	sdelay $0x2  }
0xb9: {  	[tilespmem:s11+$0xFA00] =	vst.add.f32.msk $0xffff, v0  }
0xba: {  	[tilespmem:s11+$0x11A00] =	vst.add.f32.msk $0xffff, v0  }
0xbb: {  	v1 =	vld.idx.msk [tilespmem:v1+s5+$0x0], $0xffff  }
0xbc: {  	s15 =	simm.s32 $0x1F890  }
0xbd: {  	v2 =	vadd.s32 $0x4D85, v3;
	v0 =	vld [tilespmem:s15+$0x0];
	_ =	sdelay $0x2  }
0xbe: {  	[tilespmem:s11+$0xFA80] =	vst.add.f32.msk $0xffff, v1  }
0xbf: {  	[tilespmem:s11+$0x11A80] =	vst.add.f32.msk $0xffff, v1  }
0xc0: {  	v1 =	vld.idx.msk [tilespmem:v2+s5+$0x0], $0xffff;
	_ =	sdelay $0x1  }
0xc1: {  	v2 =	vadd.s32 $0x5D06, v3  }
0xc2: {  	v4 =	vld.idx.msk [tilespmem:v0+s5+$0x0], $0xffff;
	_ =	sdelay $0x1  }
0xc3: {  	s13 =	simm.s32 $0x10;
	s15 =	simm.s32 $0x80;
	v5 =	vadd.s32 $0xF81, v0;
	[tilespmem:s11+$0xFB00] =	vst.add.f32.msk $0xffff, v1  }
0xc4: {  	s16 =	sand.u32 $0x70, s13;
	s14 =	sand.u32 $0xC00, s15;
	[tilespmem:s11+$0x11B00] =	vst.add.f32.msk $0xffff, v1  }
0xc5: {  	s7 =	sor.u32 s16, s14;
	v1 =	vld.idx.msk [tilespmem:v2+s5+$0x0], $0xffff  }
0xc6: {  	[tilespmem:s7+$0xF880] =	vst.add.f32.msk $0xffff, v4  }
0xc7: {  	[tilespmem:s7+$0x11880] =	vst.add.f32.msk $0xffff, v4;
	v2 =	vadd.s32 $0x6C87, v3  }
0xc8: {  	v4 =	vld.idx.msk [tilespmem:v5+s5+$0x0], $0xffff;
	_ =	sdelay $0x1  }
0xc9: {  	v5 =	vadd.s32 $0x1F02, v0;
	[tilespmem:s11+$0xFB80] =	vst.add.f32.msk $0xffff, v1  }
0xca: {  	[tilespmem:s11+$0x11B80] =	vst.add.f32.msk $0xffff, v1  }
0xcb: {  	v1 =	vld.idx.msk [tilespmem:v2+s5+$0x0], $0xffff  }
0xcc: {  	[tilespmem:s7+$0xF900] =	vst.add.f32.msk $0xffff, v4  }
0xcd: {  	[tilespmem:s7+$0x11900] =	vst.add.f32.msk $0xffff, v4  }
0xce: {  	v4 =	vld.idx.msk [tilespmem:v5+s5+$0x0], $0xffff  }
0xcf: {  	s12 =	sor.u32 s12, s12;
	v2 =	vadd.s32 $0x7C08, v3  }
0xd0: {  	s12 =	sor.u32 $0x380, s12  }
0xd1: {  	v5 =	vadd.s32 $0x2E83, v0;
	[tilespmem:s12+$0xF880] =	vst.add.f32.msk $0xffff, v1  }
0xd2: {  	[tilespmem:s11+$0x11C00] =	vst.add.f32.msk $0xffff, v1  }
0xd3: {  	[tilespmem:s7+$0xF980] =	vst.add.f32.msk $0xffff, v4  }
0xd4: {  	v1 =	vld.idx.msk [tilespmem:v2+s5+$0x0], $0xffff  }
0xd5: {  	[tilespmem:s7+$0x11980] =	vst.add.f32.msk $0xffff, v4  }
0xd6: {  	v4 =	vld.idx.msk [tilespmem:v5+s5+$0x0], $0xffff  }
0xd7: {  	v2 =	vadd.s32 $0x8B89, v3;
	_ =	sdelay $0x1  }
0xd8: {  	[tilespmem:s11+$0x10880] =	vst.add.f32.msk $0xffff, v1  }
0xd9: {  	v5 =	vadd.s32 $0x3E04, v0;
	[tilespmem:s11+$0x12880] =	vst.add.f32.msk $0xffff, v1  }
0xda: {  	[tilespmem:s7+$0xFA00] =	vst.add.f32.msk $0xffff, v4  }
0xdb: {  	v2 =	vld.idx.msk [tilespmem:v2+s5+$0x0], $0xffff  }
0xdc: {  	s17 =	simm.s32 $0x1F8A0;
	[tilespmem:s7+$0x11A00] =	vst.add.f32.msk $0xffff, v4  }
0xdd: {  	v4 =	vadd.s32 $0x9B0A, v3;
	v1 =	vld [tilespmem:s17+$0x0]  }
0xde: {  	v5 =	vld.idx.msk [tilespmem:v5+s5+$0x0], $0xffff;
	_ =	sdelay $0x1  }
0xdf: {  	v6 =	vadd.s32 $0x4D85, v0;
	[tilespmem:s11+$0x10900] =	vst.add.f32.msk $0xffff, v2  }
0xe0: {  	[tilespmem:s11+$0x12900] =	vst.add.f32.msk $0xffff, v2  }
0xe1: {  	v2 =	vld.idx.msk [tilespmem:v4+s5+$0x0], $0xffff  }
0xe2: {  	[tilespmem:s7+$0xFA80] =	vst.add.f32.msk $0xffff, v5  }
0xe3: {  	[tilespmem:s7+$0x11A80] =	vst.add.f32.msk $0xffff, v5;
	v4 =	vadd.s32 $0xAA8B, v3  }
0xe4: {  	v5 =	vld.idx.msk [tilespmem:v6+s5+$0x0], $0xffff  }
0xe5: {  	v6 =	vld.idx.msk [tilespmem:v1+s5+$0x0], $0xffff  }
0xe6: {  	[tilespmem:s11+$0x10980] =	vst.add.f32.msk $0xffff, v2  }
0xe7: {  	s14 =	simm.s32 $0x20;
	s17 =	simm.s32 $0x100;
	[tilespmem:s11+$0x12980] =	vst.add.f32.msk $0xffff, v2  }
0xe8: {  	s18 =	sand.u32 $0x70, s14;
	s16 =	sand.u32 $0xC00, s17;
	v2 =	vld.idx.msk [tilespmem:v4+s5+$0x0], $0xffff;
	v4 =	vadd.s32 $0x5D06, v0  }
0xe9: {  	s12 =	sor.u32 s18, s16;
	[tilespmem:s7+$0xFB00] =	vst.add.f32.msk $0xffff, v5  }
0xea: {  	[tilespmem:s12+$0xF880] =	vst.add.f32.msk $0xffff, v6  }
0xeb: {  	[tilespmem:s12+$0x11880] =	vst.add.f32.msk $0xffff, v6;
	v6 =	vadd.s32 $0xBA0C, v3  }
0xec: {  	v7 =	vadd.s32 $0xF81, v1;
	[tilespmem:s7+$0x11B00] =	vst.add.f32.msk $0xffff, v5  }
0xed: {  	v4 =	vld.idx.msk [tilespmem:v4+s5+$0x0], $0xffff  }
0xee: {  	[tilespmem:s11+$0x10A00] =	vst.add.f32.msk $0xffff, v2  }
0xef: {  	[tilespmem:s11+$0x12A00] =	vst.add.f32.msk $0xffff, v2;
	v2 =	vadd.s32 $0x6C87, v0  }
0xf0: {  	v5 =	vld.idx.msk [tilespmem:v6+s5+$0x0], $0xffff  }
0xf1: {  	v6 =	vld.idx.msk [tilespmem:v7+s5+$0x0], $0xffff  }
0xf2: {  	[tilespmem:s7+$0xFB80] =	vst.add.f32.msk $0xffff, v4  }
0xf3: {  	v7 =	vadd.s32 $0x1F02, v1;
	[tilespmem:s7+$0x11B80] =	vst.add.f32.msk $0xffff, v4  }
0xf4: {  	v2 =	vld.idx.msk [tilespmem:v2+s5+$0x0], $0xffff  }
0xf5: {  	v4 =	vadd.s32 $0xC98D, v3;
	[tilespmem:s11+$0x10A80] =	vst.add.f32.msk $0xffff, v5  }
0xf6: {  	[tilespmem:s12+$0xF900] =	vst.add.f32.msk $0xffff, v6  }
0xf7: {  	[tilespmem:s12+$0x11900] =	vst.add.f32.msk $0xffff, v6  }
0xf8: {  	v6 =	vld.idx.msk [tilespmem:v7+s5+$0x0], $0xffff  }
0xf9: {  	s13 =	sor.u32 s15, s13;
	[tilespmem:s11+$0x12A80] =	vst.add.f32.msk $0xffff, v5  }
0xfa: {  	s13 =	sor.u32 $0x380, s13;
	v5 =	vadd.s32 $0x7C08, v0;
	v4 =	vld.idx.msk [tilespmem:v4+s5+$0x0], $0xffff  }
0xfb: {  	[tilespmem:s13+$0xF880] =	vst.add.f32.msk $0xffff, v2  }
0xfc: {  	[tilespmem:s7+$0x11C00] =	vst.add.f32.msk $0xffff, v2  }
0xfd: {  	v2 =	vadd.s32 $0x2E83, v1;
	[tilespmem:s12+$0xF980] =	vst.add.f32.msk $0xffff, v6  }
0xfe: {  	[tilespmem:s12+$0x11980] =	vst.add.f32.msk $0xffff, v6;
	v6 =	vadd.s32 $0xD90E, v3  }
0xff: {  	v5 =	vld.idx.msk [tilespmem:v5+s5+$0x0], $0xffff  }
0x100: {  	[tilespmem:s11+$0x10B00] =	vst.add.f32.msk $0xffff, v4  }
0x101: {  	[tilespmem:s11+$0x12B00] =	vst.add.f32.msk $0xffff, v4;
	v4 =	vadd.s32 $0x8B89, v0  }
0x102: {  	v2 =	vld.idx.msk [tilespmem:v2+s5+$0x0], $0xffff  }
0x103: {  	v6 =	vld.idx.msk [tilespmem:v6+s5+$0x0], $0xffff  }
0x104: {  	[tilespmem:s7+$0x10880] =	vst.add.f32.msk $0xffff, v5  }
0x105: {  	[tilespmem:s7+$0x12880] =	vst.add.f32.msk $0xffff, v5  }
0x106: {  	v5 =	vadd.s32 $0x3E04, v1;
	v4 =	vld.idx.msk [tilespmem:v4+s5+$0x0], $0xffff  }
0x107: {  	[tilespmem:s12+$0xFA00] =	vst.add.f32.msk $0xffff, v2  }
0x108: {  	s15 =	simm.s32 $0x1F8B0;
	[tilespmem:s12+$0x11A00] =	vst.add.f32.msk $0xffff, v2  }
0x109: {  	v2 =	vld [tilespmem:s15+$0x0]  }
0x10a: {  	v7 =	vadd.s32 $0x9B0A, v0;
	[tilespmem:s11+$0x10B80] =	vst.add.f32.msk $0xffff, v6  }
0x10b: {  	v5 =	vld.idx.msk [tilespmem:v5+s5+$0x0], $0xffff  }
0x10c: {  	[tilespmem:s11+$0x12B80] =	vst.add.f32.msk $0xffff, v6  }
0x10d: {  	v8 =	vadd.s32 $0x4D85, v1;
	[tilespmem:s7+$0x10900] =	vst.add.f32.msk $0xffff, v4  }
0x10e: {  	[tilespmem:s7+$0x12900] =	vst.add.f32.msk $0xffff, v4  }
0x10f: {  	v4 =	vld.idx.msk [tilespmem:v7+s5+$0x0], $0xffff  }
0x110: {  	[tilespmem:s12+$0xFA80] =	vst.add.f32.msk $0xffff, v5  }
0x111: {  	[tilespmem:s12+$0x11A80] =	vst.add.f32.msk $0xffff, v5;
	v5 =	vadd.s32 $0xAA8B, v0  }
0x112: {  	v7 =	vld.idx.msk [tilespmem:v8+s5+$0x0], $0xffff  }
0x113: {  	v8 =	vld.idx.msk [tilespmem:v2+s5+$0x0], $0xffff  }
0x114: {  	[tilespmem:s7+$0x10980] =	vst.add.f32.msk $0xffff, v4  }
0x115: {  	[tilespmem:s7+$0x12980] =	vst.add.f32.msk $0xffff, v4  }
0x116: {  	s18 =	simm.s32 $0x30;
	s16 =	simm.s32 $0x180;
	v4 =	vadd.s32 $0x5D06, v1;
	v9 =	vld.idx.msk [tilespmem:v5+s5+$0x0], $0xffff  }
0x117: {  	s19 =	sand.u32 $0x70, s18;
	s8 =	sand.u32 $0xC00, s16;
	[tilespmem:s12+$0xFB00] =	vst.add.f32.msk $0xffff, v7  }
0x118: {  	s13 =	sor.u32 s19, s8;
	[tilespmem:s12+$0x11B00] =	vst.add.f32.msk $0xffff, v7  }
0x119: {  	v10 =	vadd.s32 $0xBA0C, v0;
	[tilespmem:s13+$0xF880] =	vst.add.f32.msk $0xffff, v8  }
0x11a: {  	[tilespmem:s13+$0x11880] =	vst.add.f32.msk $0xffff, v8;
	v8 =	vadd.s32 $0xE88F, v3  }
0x11b: {  	v7 =	vadd.s32 $0xF81, v2;
	v5 =	vld.idx.msk [tilespmem:v4+s5+$0x0], $0xffff  }
0x11c: {  	[tilespmem:s7+$0x10A00] =	vst.add.f32.msk $0xffff, v9  }
0x11d: {  	[tilespmem:s7+$0x12A00] =	vst.add.f32.msk $0xffff, v9  }
0x11e: {  	s14 =	sor.u32 s17, s14;
	s17 =	simm.s32 $0x40;
	s18 =	sor.u32 s16, s18;
	v6 =	vadd.s32 $0x6C87, v1;
	v4 =	vadd.s32 $0x1F02, v2;
	v3 =	vld.idx.msk [tilespmem:v10+s5+$0x0], $0xffff  }
.LBB2_3:
0x11f: {  	p1 =	sne.s32 s17, $0x1F0;
	v8 =	vld.idx.msk [tilespmem:v8+s5+$0x0], $0xffff;
	s19 =	smov.u32 s17;
	s17 =	sadd.s32 $0x10, s17  }
0x120: {  	v7 =	vld.idx.msk [tilespmem:v7+s5+$0x0], $0xffff  }
0x121: {  	[tilespmem:s12+$0xFB80] =	vst.add.f32.msk $0xffff, v5  }
0x122: {  	[tilespmem:s12+$0x11B80] =	vst.add.f32.msk $0xffff, v5;
	v5 =	vadd.s32 $0xC98D, v0  }
0x123: {  	v6 =	vld.idx.msk [tilespmem:v6+s5+$0x0], $0xffff  }
0x124: {  	[tilespmem:s7+$0x10A80] =	vst.add.f32.msk $0xffff, v3  }
0x125: {  	[tilespmem:s7+$0x12A80] =	vst.add.f32.msk $0xffff, v3  }
0x126: {  	[tilespmem:s13+$0xF900] =	vst.add.f32.msk $0xffff, v7  }
0x127: {  	v3 =	vld.idx.msk [tilespmem:v5+s5+$0x0], $0xffff  }
0x128: {  	v5 =	vadd.s32 $0x7C08, v1;
	[tilespmem:s11+$0x10C00] =	vst.add.f32.msk $0xffff, v8  }
0x129: {  	[tilespmem:s13+$0x11900] =	vst.add.f32.msk $0xffff, v7  }
0x12a: {  	s8 =	sor.u32 $0x380, s14;
	s14 =	smov.u32 s18;
	v4 =	vld.idx.msk [tilespmem:v4+s5+$0x0], $0xffff  }
0x12b: {  	[tilespmem:s8+$0xF880] =	vst.add.f32.msk $0xffff, v6  }
0x12c: {  	[tilespmem:s12+$0x11C00] =	vst.add.f32.msk $0xffff, v6  }
0x12d: {  	v6 =	vadd.s32 $0x2E83, v2;
	v5 =	vld.idx.msk [tilespmem:v5+s5+$0x0], $0xffff  }
0x12e: {  	[tilespmem:s7+$0x10B00] =	vst.add.f32.msk $0xffff, v3  }
0x12f: {  	[tilespmem:s7+$0x12B00] =	vst.add.f32.msk $0xffff, v3  }
0x130: {  	v3 =	vadd.s32 $0x8B89, v1;
	[tilespmem:s13+$0xF980] =	vst.add.f32.msk $0xffff, v4  }
0x131: {  	[tilespmem:s13+$0x11980] =	vst.add.f32.msk $0xffff, v4  }
0x132: {  	v4 =	vld.idx.msk [tilespmem:v6+s5+$0x0], $0xffff;
	v6 =	vadd.s32 $0xD90E, v0  }
0x133: {  	[tilespmem:s12+$0x10880] =	vst.add.f32.msk $0xffff, v5  }
0x134: {  	[tilespmem:s12+$0x12880] =	vst.add.f32.msk $0xffff, v5  }
0x135: {  	v5 =	vadd.s32 $0x3E04, v2;
	v3 =	vld.idx.msk [tilespmem:v3+s5+$0x0], $0xffff  }
0x136: {  	[tilespmem:s11+$0x12C00] =	vst.add.f32.msk $0xffff, v8;
	s11 =	smov.u32 s7;
	s7 =	smov.u32 s12;
	s12 =	smov.u32 s13  }
0x137: {  	v6 =	vld.idx.msk [tilespmem:v6+s5+$0x0], $0xffff  }
0x138: {  	[tilespmem:s12+$0xFA00] =	vst.add.f32.msk $0xffff, v4  }
0x139: {  	s15 =	sadd.s32 $0x10, s15;
	[tilespmem:s12+$0x11A00] =	vst.add.f32.msk $0xffff, v4;
	v4 =	vadd.s32 $0x9B0A, v1  }
0x13a: {  	v5 =	vld.idx.msk [tilespmem:v5+s5+$0x0], $0xffff  }
0x13b: {  	v9 =	vld [tilespmem:s15+$0x0]  }
0x13c: {  	[tilespmem:s7+$0x10900] =	vst.add.f32.msk $0xffff, v3  }
0x13d: {  	v7 =	vadd.s32 $0x4D85, v2;
	[tilespmem:s7+$0x12900] =	vst.add.f32.msk $0xffff, v3  }
0x13e: {  	v3 =	vld.idx.msk [tilespmem:v4+s5+$0x0], $0xffff  }
0x13f: {  	[tilespmem:s11+$0x10B80] =	vst.add.f32.msk $0xffff, v6  }
0x140: {  	v4 =	vadd.s32 $0x1F02, v9;
	[tilespmem:s12+$0xFA80] =	vst.add.f32.msk $0xffff, v5  }
0x141: {  	[tilespmem:s12+$0x11A80] =	vst.add.f32.msk $0xffff, v5;
	v5 =	vadd.s32 $0xAA8B, v1  }
0x142: {  	v8 =	vld.idx.msk [tilespmem:v7+s5+$0x0], $0xffff  }
0x143: {  	v10 =	vld.idx.msk [tilespmem:v9+s5+$0x0], $0xffff  }
0x144: {  	[tilespmem:s7+$0x10980] =	vst.add.f32.msk $0xffff, v3  }
0x145: {  	s16 =	sadd.s32 $0x80, s16;
	[tilespmem:s7+$0x12980] =	vst.add.f32.msk $0xffff, v3  }
0x146: {  	s18 =	sor.u32 s16, s19;
	v3 =	vld.idx.msk [tilespmem:v5+s5+$0x0], $0xffff  }
0x147: {  	s8 =	sand.u32 $0x70, s19;
	s13 =	sand.u32 $0xC00, s16;
	v7 =	vadd.s32 $0xF81, v9;
	v5 =	vadd.s32 $0x5D06, v2;
	[tilespmem:s11+$0x12B80] =	vst.add.f32.msk $0xffff, v6  }
0x148: {  	s13 =	sor.u32 s8, s13;
	[tilespmem:s12+$0xFB00] =	vst.add.f32.msk $0xffff, v8  }
0x149: {  	[tilespmem:s13+$0xF880] =	vst.add.f32.msk $0xffff, v10  }
0x14a: {  	[tilespmem:s13+$0x11880] =	vst.add.f32.msk $0xffff, v10;
	v10 =	vadd.s32 $0xBA0C, v1  }
.Ltmp0:
0x14b: {  	[tilespmem:s12+$0x11B00] =	vst.add.f32.msk $0xffff, v8;
	v8 =	vadd.s32 $0xE88F, v0;
	v0 =	vmovc v1;
	v1 =	vmov v2;
	v2 =	vmov v9;
	(pc) =	sbr.rel @p1 .LBB2_3-.Ltmp0, $4  }
0x14c: {  	v5 =	vld.idx.msk [tilespmem:v5+s5+$0x0], $0xffff  }
0x14d: {  	[tilespmem:s7+$0x10A00] =	vst.add.f32.msk $0xffff, v3  }
0x14e: {  	[tilespmem:s7+$0x12A00] =	vst.add.f32.msk $0xffff, v3  }
0x14f: {  	v6 =	vadd.s32 $0x6C87, v1;
	v3 =	vld.idx.msk [tilespmem:v10+s5+$0x0], $0xffff  }
0x150: {  	_ =	sdelay $0x3  }
0x151: {  	v7 =	vld.idx.msk [tilespmem:v7+s5+$0x0], $0xffff;
	_ =	sdelay $0x4  }
0x152: {  	[tilespmem:s13+$0xF900] =	vst.add.f32.msk $0xffff, v7  }
0x153: {  	[tilespmem:s13+$0x11900] =	vst.add.f32.msk $0xffff, v7  }
0x154: {  	v4 =	vld.idx.msk [tilespmem:v4+s5+$0x0], $0xffff;
	_ =	sdelay $0x1  }
0x155: {  	v7 =	vadd.s32 $0x2E83, v2;
	_ =	sdelay $0x2  }
0x156: {  	[tilespmem:s13+$0xF980] =	vst.add.f32.msk $0xffff, v4  }
0x157: {  	[tilespmem:s13+$0x11980] =	vst.add.f32.msk $0xffff, v4  }
0x158: {  	v4 =	vld.idx.msk [tilespmem:v7+s5+$0x0], $0xffff;
	_ =	sdelay $0x1  }
0x159: {  	v7 =	vadd.s32 $0x3E04, v2;
	_ =	sdelay $0x2  }
0x15a: {  	[tilespmem:s13+$0xFA00] =	vst.add.f32.msk $0xffff, v4  }
0x15b: {  	[tilespmem:s13+$0x11A00] =	vst.add.f32.msk $0xffff, v4  }
0x15c: {  	v4 =	vld.idx.msk [tilespmem:v7+s5+$0x0], $0xffff;
	_ =	sdelay $0x1  }
0x15d: {  	[tilespmem:s12+$0xFB80] =	vst.add.f32.msk $0xffff, v5;
	v7 =	vadd.s32 $0x4D85, v2  }
0x15e: {  	[tilespmem:s12+$0x11B80] =	vst.add.f32.msk $0xffff, v5  }
0x15f: {  	v6 =	vld.idx.msk [tilespmem:v6+s5+$0x0], $0xffff  }
0x160: {  	[tilespmem:s13+$0xFA80] =	vst.add.f32.msk $0xffff, v4  }
0x161: {  	v5 =	vadd.s32 $0xC98D, v0;
	[tilespmem:s13+$0x11A80] =	vst.add.f32.msk $0xffff, v4  }
0x162: {  	v4 =	vld.idx.msk [tilespmem:v7+s5+$0x0], $0xffff  }
0x163: {  	[tilespmem:s7+$0x10A80] =	vst.add.f32.msk $0xffff, v3  }
0x164: {  	v7 =	vld.idx.msk [tilespmem:v8+s5+$0x0], $0xffff;
	v8 =	vadd.s32 $0x5D06, v2  }
0x165: {  	[tilespmem:s7+$0x12A80] =	vst.add.f32.msk $0xffff, v3  }
0x166: {  	v3 =	vld.idx.msk [tilespmem:v5+s5+$0x0], $0xffff  }
0x167: {  	v5 =	vadd.s32 $0x7C08, v1;
	[tilespmem:s13+$0xFB00] =	vst.add.f32.msk $0xffff, v4  }
0x168: {  	[tilespmem:s13+$0x11B00] =	vst.add.f32.msk $0xffff, v4  }
0x169: {  	s8 =	sor.u32 $0x380, s14;
	v4 =	vld.idx.msk [tilespmem:v8+s5+$0x0], $0xffff  }
0x16a: {  	[tilespmem:s8+$0xF880] =	vst.add.f32.msk $0xffff, v6  }
0x16b: {  	[tilespmem:s12+$0x11C00] =	vst.add.f32.msk $0xffff, v6;
	v8 =	vadd.s32 $0x6C87, v2  }
0x16c: {  	v5 =	vld.idx.msk [tilespmem:v5+s5+$0x0], $0xffff;
	_ =	sdelay $0x1  }
0x16d: {  	v6 =	vadd.s32 $0x8B89, v1;
	[tilespmem:s13+$0xFB80] =	vst.add.f32.msk $0xffff, v4  }
0x16e: {  	[tilespmem:s13+$0x11B80] =	vst.add.f32.msk $0xffff, v4  }
0x16f: {  	v4 =	vld.idx.msk [tilespmem:v8+s5+$0x0], $0xffff  }
0x170: {  	[tilespmem:s12+$0x10880] =	vst.add.f32.msk $0xffff, v5  }
0x171: {  	[tilespmem:s12+$0x12880] =	vst.add.f32.msk $0xffff, v5;
	v8 =	vadd.s32 $0x7C08, v2  }
0x172: {  	v5 =	vld.idx.msk [tilespmem:v6+s5+$0x0], $0xffff  }
0x173: {  	s19 =	sor.u32 $0x380, s18;
	[tilespmem:s7+$0x10B00] =	vst.add.f32.msk $0xffff, v3  }
0x174: {  	v6 =	vadd.s32 $0x9B0A, v1;
	[tilespmem:s19+$0xF880] =	vst.add.f32.msk $0xffff, v4  }
0x175: {  	[tilespmem:s13+$0x11C00] =	vst.add.f32.msk $0xffff, v4  }
0x176: {  	v4 =	vld.idx.msk [tilespmem:v8+s5+$0x0], $0xffff  }
0x177: {  	[tilespmem:s12+$0x10900] =	vst.add.f32.msk $0xffff, v5  }
0x178: {  	[tilespmem:s12+$0x12900] =	vst.add.f32.msk $0xffff, v5;
	v8 =	vadd.s32 $0x8B89, v2  }
0x179: {  	v5 =	vld.idx.msk [tilespmem:v6+s5+$0x0], $0xffff  }
0x17a: {  	[tilespmem:s7+$0x12B00] =	vst.add.f32.msk $0xffff, v3  }
0x17b: {  	v6 =	vadd.s32 $0xAA8B, v1;
	[tilespmem:s13+$0x10880] =	vst.add.f32.msk $0xffff, v4  }
0x17c: {  	[tilespmem:s13+$0x12880] =	vst.add.f32.msk $0xffff, v4  }
0x17d: {  	v4 =	vld.idx.msk [tilespmem:v8+s5+$0x0], $0xffff  }
0x17e: {  	[tilespmem:s12+$0x10980] =	vst.add.f32.msk $0xffff, v5  }
0x17f: {  	v3 =	vadd.s32 $0x9B0A, v2;
	[tilespmem:s12+$0x12980] =	vst.add.f32.msk $0xffff, v5  }
0x180: {  	v5 =	vld.idx.msk [tilespmem:v6+s5+$0x0], $0xffff  }
0x181: {  	[tilespmem:s11+$0x10C00] =	vst.add.f32.msk $0xffff, v7  }
0x182: {  	v6 =	vadd.s32 $0xBA0C, v1;
	[tilespmem:s13+$0x10900] =	vst.add.f32.msk $0xffff, v4  }
0x183: {  	[tilespmem:s13+$0x12900] =	vst.add.f32.msk $0xffff, v4  }
0x184: {  	v3 =	vld.idx.msk [tilespmem:v3+s5+$0x0], $0xffff  }
0x185: {  	[tilespmem:s12+$0x10A00] =	vst.add.f32.msk $0xffff, v5  }
0x186: {  	[tilespmem:s12+$0x12A00] =	vst.add.f32.msk $0xffff, v5;
	v4 =	vadd.s32 $0xAA8B, v2  }
0x187: {  	v5 =	vld.idx.msk [tilespmem:v6+s5+$0x0], $0xffff  }
0x188: {  	[tilespmem:s11+$0x12C00] =	vst.add.f32.msk $0xffff, v7;
	v7 =	vadd.s32 $0xD90E, v0  }
0x189: {  	[tilespmem:s13+$0x10980] =	vst.add.f32.msk $0xffff, v3  }
0x18a: {  	v6 =	vadd.s32 $0xC98D, v1;
	[tilespmem:s13+$0x12980] =	vst.add.f32.msk $0xffff, v3  }
0x18b: {  	v3 =	vld.idx.msk [tilespmem:v4+s5+$0x0], $0xffff  }
0x18c: {  	[tilespmem:s12+$0x10A80] =	vst.add.f32.msk $0xffff, v5  }
0x18d: {  	v4 =	vld.idx.msk [tilespmem:v7+s5+$0x0], $0xffff;
	v7 =	vadd.s32 $0xBA0C, v2  }
0x18e: {  	[tilespmem:s12+$0x12A80] =	vst.add.f32.msk $0xffff, v5  }
0x18f: {  	v5 =	vld.idx.msk [tilespmem:v6+s5+$0x0], $0xffff  }
0x190: {  	[tilespmem:s13+$0x10A00] =	vst.add.f32.msk $0xffff, v3  }
0x191: {  	[tilespmem:s13+$0x12A00] =	vst.add.f32.msk $0xffff, v3  }
0x192: {  	v3 =	vld.idx.msk [tilespmem:v7+s5+$0x0], $0xffff;
	_ =	sdelay $0x1  }
0x193: {  	v7 =	vadd.s32 $0xC98D, v2  }
0x194: {  	[tilespmem:s12+$0x10B00] =	vst.add.f32.msk $0xffff, v5  }
0x195: {  	[tilespmem:s12+$0x12B00] =	vst.add.f32.msk $0xffff, v5  }
0x196: {  	v6 =	vadd.s32 $0xD90E, v1;
	[tilespmem:s13+$0x10A80] =	vst.add.f32.msk $0xffff, v3  }
0x197: {  	[tilespmem:s13+$0x12A80] =	vst.add.f32.msk $0xffff, v3  }
0x198: {  	v3 =	vld.idx.msk [tilespmem:v7+s5+$0x0], $0xffff  }
0x199: {  	[tilespmem:s7+$0x10B80] =	vst.add.f32.msk $0xffff, v4  }
0x19a: {  	[tilespmem:s7+$0x12B80] =	vst.add.f32.msk $0xffff, v4;
	v4 =	vadd.s32 $0xD90E, v2  }
0x19b: {  	v5 =	vld.idx.msk [tilespmem:v6+s5+$0x0], $0xffff;
	_ =	sdelay $0x1  }
0x19c: {  	v1 =	vadd.s32 $0xE88F, v1;
	[tilespmem:s13+$0x10B00] =	vst.add.f32.msk $0xffff, v3  }
0x19d: {  	v0 =	vadd.s32 $0xE88F, v0;
	[tilespmem:s13+$0x12B00] =	vst.add.f32.msk $0xffff, v3  }
0x19e: {  	v3 =	vld.idx.msk [tilespmem:v4+s5+$0x0], $0xffff  }
0x19f: {  	[tilespmem:s12+$0x10B80] =	vst.add.f32.msk $0xffff, v5  }
0x1a0: {  	[tilespmem:s12+$0x12B80] =	vst.add.f32.msk $0xffff, v5;
	v2 =	vadd.s32 $0xE88F, v2  }
0x1a1: {  	v1 =	vld.idx.msk [tilespmem:v1+s5+$0x0], $0xffff  }
0x1a2: {  	v0 =	vld.idx.msk [tilespmem:v0+s5+$0x0], $0xffff  }
0x1a3: {  	[tilespmem:s13+$0x10B80] =	vst.add.f32.msk $0xffff, v3  }
0x1a4: {  	[tilespmem:s13+$0x12B80] =	vst.add.f32.msk $0xffff, v3  }
0x1a5: {  	v2 =	vld.idx.msk [tilespmem:v2+s5+$0x0], $0xffff  }
0x1a6: {  	[tilespmem:s12+$0x10C00] =	vst.add.f32.msk $0xffff, v1  }
0x1a7: {  	[tilespmem:s12+$0x12C00] =	vst.add.f32.msk $0xffff, v1  }
0x1a8: {  	[tilespmem:s7+$0x10C00] =	vst.add.f32.msk $0xffff, v0  }
0x1a9: {  	[tilespmem:s7+$0x12C00] =	vst.add.f32.msk $0xffff, v0  }
0x1aa: {  	[tilespmem:s13+$0x10C00] =	vst.add.f32.msk $0xffff, v2  }
0x1ab: {  	s12 =	simm.s32 $0xF880;
	s7 =	sadd.s32 s4, s3;
	[tilespmem:s13+$0x12C00] =	vst.add.f32.msk $0xffff, v2  }
0x1ac: {  	[hbm4b:s7+s20] =	stream.strided.scatter [tilespmem:s12], [sflag:$0x5], $0x400, s21, s20, $0x38;
	[tilespmem:$0x1FC80] =	vst v63  }
0x1ad: {  	s14 =	simm.s32 $0xFC80;
	s13 =	sadd.s32 $0x80, s7  }
0x1ae: {  	[hbm4b:s13+s20] =	stream.strided.scatter [tilespmem:s14], [sflag:$0x5], $0x400, s21, s20, $0x38;
	[tilespmem:$0x1FC80] =	vst v63  }
0x1af: {  	s16 =	simm.s32 $0x10080;
	s15 =	sadd.s32 $0x100, s7  }
0x1b0: {  	[hbm4b:s15+s20] =	stream.strided.scatter [tilespmem:s16], [sflag:$0x5], $0x400, s21, s20, $0x38;
	[tilespmem:$0x1FC80] =	vst v63  }
0x1b1: {  	s18 =	simm.s32 $0x10480;
	s17 =	sadd.s32 $0x180, s7  }
0x1b2: {  	[hbm4b:s17+s20] =	stream.strided.scatter [tilespmem:s18], [sflag:$0x5], $0x400, s21, s20, $0x38;
	[tilespmem:$0x1FC80] =	vst v63  }
0x1b3: {  	s19 =	sadd.s32 $0x100000, s7;
	s12 =	simm.s32 $0x10880  }
0x1b4: {  	[hbm4b:s19+s20] =	stream.strided.scatter [tilespmem:s12], [sflag:$0x5], $0x400, s21, s20, $0x38;
	[tilespmem:$0x1FC80] =	vst v63  }
0x1b5: {  	s13 =	sadd.s32 $0x80, s19;
	s14 =	simm.s32 $0x10C80  }
0x1b6: {  	[hbm4b:s13+s20] =	stream.strided.scatter [tilespmem:s14], [sflag:$0x5], $0x400, s21, s20, $0x38;
	[tilespmem:$0x1FC80] =	vst v63  }
0x1b7: {  	s15 =	sadd.s32 $0x100, s19;
	s16 =	simm.s32 $0x11080  }
0x1b8: {  	[hbm4b:s15+s20] =	stream.strided.scatter [tilespmem:s16], [sflag:$0x5], $0x400, s21, s20, $0x38;
	[tilespmem:$0x1FC80] =	vst v63  }
0x1b9: {  	s8 =	sadd.s32 $0x180, s19;
	s17 =	simm.s32 $0x11480  }
0x1ba: {  	[hbm4b:s8+s20] =	stream.strided.scatter [tilespmem:s17], [sflag:$0x5], $0x400, s21, s20, $0x38;
	[tilespmem:$0x1FC80] =	vst v63  }
0x1bb: {  	s18 =	sadd.s32 $0x200000, s7;
	s19 =	simm.s32 $0x11880  }
0x1bc: {  	[hbm4b:s18+s20] =	stream.strided.scatter [tilespmem:s19], [sflag:$0x5], $0x400, s21, s20, $0x38;
	[tilespmem:$0x1FC80] =	vst v63  }
0x1bd: {  	s12 =	sadd.s32 $0x80, s18;
	s13 =	simm.s32 $0x11C80  }
0x1be: {  	[hbm4b:s12+s20] =	stream.strided.scatter [tilespmem:s13], [sflag:$0x5], $0x400, s21, s20, $0x38;
	[tilespmem:$0x1FC80] =	vst v63  }
0x1bf: {  	s14 =	sadd.s32 $0x100, s18;
	s15 =	simm.s32 $0x12080  }
0x1c0: {  	[hbm4b:s14+s20] =	stream.strided.scatter [tilespmem:s15], [sflag:$0x5], $0x400, s21, s20, $0x38;
	[tilespmem:$0x1FC80] =	vst v63  }
0x1c1: {  	s16 =	simm.s32 $0x12480;
	s8 =	sadd.s32 $0x180, s18  }
0x1c2: {  	[hbm4b:s8+s20] =	stream.strided.scatter [tilespmem:s16], [sflag:$0x5], $0x400, s21, s20, $0x38;
	[tilespmem:$0x1FC80] =	vst v63  }
0x1c3: {  	s7 =	sadd.s32 $0x300000, s7;
	s17 =	simm.s32 $0x12880  }
0x1c4: {  	[hbm4b:s7+s20] =	stream.strided.scatter [tilespmem:s17], [sflag:$0x5], $0x400, s21, s20, $0x38;
	[tilespmem:$0x1FC80] =	vst v63  }
0x1c5: {  	s18 =	sadd.s32 $0x80, s7;
	s19 =	simm.s32 $0x12C80  }
0x1c6: {  	[hbm4b:s18+s20] =	stream.strided.scatter [tilespmem:s19], [sflag:$0x5], $0x400, s21, s20, $0x38;
	[tilespmem:$0x1FC80] =	vst v63  }
0x1c7: {  	s12 =	sadd.s32 $0x100, s7;
	s13 =	simm.s32 $0x13080  }
0x1c8: {  	[hbm4b:s12+s20] =	stream.strided.scatter [tilespmem:s13], [sflag:$0x5], $0x400, s21, s20, $0x38;
	[tilespmem:$0x1FC80] =	vst v63  }
0x1c9: {  	s14 =	simm.s32 $0x13480;
	s7 =	sadd.s32 $0x180, s7  }
0x1ca: {  	[hbm4b:s7+s20] =	stream.strided.scatter [tilespmem:s14], [sflag:$0x5], $0x400, s21, s20, $0x38;
	[tilespmem:$0x1FC80] =	vst v63  }
0x1cb: {  	s7 =	simm.s32 @!p0 $0x8  }
0x1cc: {  	_ =	swait.ge @!p0 [sflag:s7], $0x4000  }
0x1cd: {  	s3 =	sor.u32 $0x210, s3;
	[sflag:s7] =	ssyncset.done @!p0 $0x0  }
0x1ce: {  	s15 =	simm.s32 $0x1B880;
	[sflag:s7] =	ssyncadd.s32 @!p0 $0xFFFFC000;
	s7 =	sadd.s32 s1, s3  }
0x1cf: {  	[tilespmem:s15], [sflag:$0x4] =	stream.strided.gather [hbm4b:s7+s20], $0x400, s21, s20, $0x38;
	[tilespmem:$0x1FC80] =	vst v63  }
0x1d0: {  	s17 =	simm.s32 $0x1BC80;
	s16 =	sadd.s32 $0x80, s7  }
0x1d1: {  	[tilespmem:s17], [sflag:$0x4] =	stream.strided.gather [hbm4b:s16+s20], $0x400, s21, s20, $0x38;
	[tilespmem:$0x1FC80] =	vst v63  }
0x1d2: {  	s19 =	simm.s32 $0x1C080;
	s18 =	sadd.s32 $0x100, s7  }
0x1d3: {  	[tilespmem:s19], [sflag:$0x4] =	stream.strided.gather [hbm4b:s18+s20], $0x400, s21, s20, $0x38;
	[tilespmem:$0x1FC80] =	vst v63  }
0x1d4: {  	s13 =	simm.s32 $0x1C480;
	s12 =	sadd.s32 $0x180, s7  }
0x1d5: {  	[tilespmem:s13], [sflag:$0x4] =	stream.strided.gather [hbm4b:s12+s20], $0x400, s21, s20, $0x38;
	[tilespmem:$0x1FC80] =	vst v63  }
0x1d6: {  	s14 =	sadd.s32 $0x100000, s7;
	s15 =	simm.s32 $0x1C880  }
0x1d7: {  	[tilespmem:s15], [sflag:$0x4] =	stream.strided.gather [hbm4b:s14+s20], $0x400, s21, s20, $0x38;
	[tilespmem:$0x1FC80] =	vst v63  }
0x1d8: {  	s16 =	sadd.s32 $0x80, s14;
	s17 =	simm.s32 $0x1CC80  }
0x1d9: {  	[tilespmem:s17], [sflag:$0x4] =	stream.strided.gather [hbm4b:s16+s20], $0x400, s21, s20, $0x38;
	[tilespmem:$0x1FC80] =	vst v63  }
0x1da: {  	s18 =	sadd.s32 $0x100, s14;
	s19 =	simm.s32 $0x1D080  }
0x1db: {  	[tilespmem:s19], [sflag:$0x4] =	stream.strided.gather [hbm4b:s18+s20], $0x400, s21, s20, $0x38;
	[tilespmem:$0x1FC80] =	vst v63  }
0x1dc: {  	s8 =	sadd.s32 $0x180, s14;
	s13 =	simm.s32 $0x1D480  }
0x1dd: {  	[tilespmem:s13], [sflag:$0x4] =	stream.strided.gather [hbm4b:s8+s20], $0x400, s21, s20, $0x38;
	[tilespmem:$0x1FC80] =	vst v63  }
0x1de: {  	s14 =	sadd.s32 $0x200000, s7;
	s15 =	simm.s32 $0x1D880  }
0x1df: {  	[tilespmem:s15], [sflag:$0x4] =	stream.strided.gather [hbm4b:s14+s20], $0x400, s21, s20, $0x38;
	[tilespmem:$0x1FC80] =	vst v63  }
0x1e0: {  	s16 =	sadd.s32 $0x80, s14;
	s17 =	simm.s32 $0x1DC80  }
0x1e1: {  	[tilespmem:s17], [sflag:$0x4] =	stream.strided.gather [hbm4b:s16+s20], $0x400, s21, s20, $0x38;
	[tilespmem:$0x1FC80] =	vst v63  }
0x1e2: {  	s18 =	sadd.s32 $0x100, s14;
	s19 =	simm.s32 $0x1E080  }
0x1e3: {  	[tilespmem:s19], [sflag:$0x4] =	stream.strided.gather [hbm4b:s18+s20], $0x400, s21, s20, $0x38;
	[tilespmem:$0x1FC80] =	vst v63  }
0x1e4: {  	s8 =	sadd.s32 $0x180, s14;
	s13 =	simm.s32 $0x1E480  }
0x1e5: {  	[tilespmem:s13], [sflag:$0x4] =	stream.strided.gather [hbm4b:s8+s20], $0x400, s21, s20, $0x38;
	[tilespmem:$0x1FC80] =	vst v63  }
0x1e6: {  	s7 =	sadd.s32 $0x300000, s7;
	s14 =	simm.s32 $0x1E880  }
0x1e7: {  	[tilespmem:s14], [sflag:$0x4] =	stream.strided.gather [hbm4b:s7+s20], $0x400, s21, s20, $0x38;
	[tilespmem:$0x1FC80] =	vst v63  }
0x1e8: {  	s15 =	sadd.s32 $0x80, s7;
	s16 =	simm.s32 $0x1EC80  }
0x1e9: {  	[tilespmem:s16], [sflag:$0x4] =	stream.strided.gather [hbm4b:s15+s20], $0x400, s21, s20, $0x38;
	[tilespmem:$0x1FC80] =	vst v63  }
0x1ea: {  	s17 =	sadd.s32 $0x100, s7;
	s18 =	simm.s32 $0x1F080  }
0x1eb: {  	[tilespmem:s18], [sflag:$0x4] =	stream.strided.gather [hbm4b:s17+s20], $0x400, s21, s20, $0x38;
	[tilespmem:$0x1FC80] =	vst v63  }
0x1ec: {  	s19 =	simm.s32 $0x1F480;
	s7 =	sadd.s32 $0x180, s7  }
0x1ed: {  	[tilespmem:s19], [sflag:$0x4] =	stream.strided.gather [hbm4b:s7+s20], $0x400, s21, s20, $0x38;
	[tilespmem:$0x1FC80] =	vst v63  }
0x1ee: {  	s11 =	sadd.s32 s2, s31;
	s12 =	simm.s32 $0x1F880  }
0x1ef: {  	[tilespmem:s12], [sflag:$0x9] =	stream.strided.gather [hbm4b:s11+s20], $0x200, s0, s20, $0x38;
	[tilespmem:$0x1FC80] =	vst v63  }
0x1f0: {  	_ =	swait.ge [sflag:s10], $0x200  }
0x1f1: {  	[sflag:s10] =	ssyncset.done $0x0  }
0x1f2: {  	[sflag:s10] =	ssyncadd.s32 $0xFFFFFE00  }
0x1f3: {  	_ =	swait.ge [sflag:s22], $0x4000  }
0x1f4: {  	[sflag:s22] =	ssyncset.done $0x0  }
0x1f5: {  	s13 =	simm.s32 $0x1FA80;
	[sflag:s22] =	ssyncadd.s32 $0xFFFFC000  }
0x1f6: {  	v0 =	vld [tilespmem:s13+$0x0];
	_ =	sdelay $0x7  }
0x1f7: {  	v1 =	vld.idx.msk [tilespmem:v0+s5+$0x0], $0xffff;
	_ =	sdelay $0x1  }
0x1f8: {  	s8 =	simm.s32 $0x0;
	v2 =	vadd.s32 $0xF81, v0  }
0x1f9: {  	s14 =	sand.u32 $0x70, s8;
	s15 =	sand.u32 $0xC00, s8  }
0x1fa: {  	s7 =	sor.u32 s14, s15  }
0x1fb: {  	[tilespmem:s7+$0x13880] =	vst.add.f32.msk $0xffff, v1  }
0x1fc: {  	[tilespmem:s7+$0x15880] =	vst.add.f32.msk $0xffff, v1  }
0x1fd: {  	v1 =	vld.idx.msk [tilespmem:v2+s5+$0x0], $0xffff;
	_ =	sdelay $0x1  }
0x1fe: {  	v2 =	vadd.s32 $0x1F02, v0;
	_ =	sdelay $0x1  }
0x1ff: {  	s16 =	sadd.s32 $0x13880, s7  }
0x200: {  	[tilespmem:s16+$0x80] =	vst.add.f32.msk $0xffff, v1  }
0x201: {  	[tilespmem:s7+$0x15900] =	vst.add.f32.msk $0xffff, v1  }
0x202: {  	v1 =	vld.idx.msk [tilespmem:v2+s5+$0x0], $0xffff;
	_ =	sdelay $0x1  }
0x203: {  	v2 =	vadd.s32 $0x2E83, v0;
	_ =	sdelay $0x1  }
0x204: {  	s17 =	sor.u32 $0x100, s16  }
0x205: {  	[tilespmem:s17+$0x0] =	vst.add.f32.msk $0xffff, v1  }
0x206: {  	[tilespmem:s7+$0x15980] =	vst.add.f32.msk $0xffff, v1  }
0x207: {  	v1 =	vld.idx.msk [tilespmem:v2+s5+$0x0], $0xffff;
	_ =	sdelay $0x1  }
0x208: {  	v2 =	vadd.s32 $0x3E04, v0;
	_ =	sdelay $0x2  }
0x209: {  	[tilespmem:s16+$0x180] =	vst.add.f32.msk $0xffff, v1  }
0x20a: {  	[tilespmem:s7+$0x15A00] =	vst.add.f32.msk $0xffff, v1  }
0x20b: {  	v2 =	vld.idx.msk [tilespmem:v2+s5+$0x0], $0xffff;
	_ =	sdelay $0x1  }
0x20c: {  	s18 =	simm.s32 $0x1FA90;
	v3 =	vadd.s32 $0x4D85, v0  }
0x20d: {  	v1 =	vld [tilespmem:s18+$0x0]  }
0x20e: {  	s19 =	sor.u32 $0x200, s16  }
0x20f: {  	[tilespmem:s19+$0x0] =	vst.add.f32.msk $0xffff, v2  }
0x210: {  	[tilespmem:s7+$0x15A80] =	vst.add.f32.msk $0xffff, v2  }
0x211: {  	v2 =	vld.idx.msk [tilespmem:v3+s5+$0x0], $0xffff;
	_ =	sdelay $0x1  }
0x212: {  	v3 =	vadd.s32 $0x5D06, v0;
	_ =	sdelay $0x1  }
0x213: {  	v4 =	vld.idx.msk [tilespmem:v1+s5+$0x0], $0xffff  }
0x214: {  	[tilespmem:s16+$0x280] =	vst.add.f32.msk $0xffff, v2  }
0x215: {  	s17 =	simm.s32 $0x10;
	s18 =	simm.s32 $0x80;
	v5 =	vadd.s32 $0xF81, v1;
	[tilespmem:s7+$0x15B00] =	vst.add.f32.msk $0xffff, v2  }
0x216: {  	s13 =	sand.u32 $0x70, s17;
	s14 =	sand.u32 $0xC00, s18;
	v2 =	vld.idx.msk [tilespmem:v3+s5+$0x0], $0xffff  }
0x217: {  	s11 =	sor.u32 s13, s14  }
0x218: {  	[tilespmem:s11+$0x13880] =	vst.add.f32.msk $0xffff, v4;
	v3 =	vadd.s32 $0x6C87, v0  }
0x219: {  	[tilespmem:s11+$0x15880] =	vst.add.f32.msk $0xffff, v4  }
0x21a: {  	s12 =	sor.u32 $0x300, s16;
	v4 =	vld.idx.msk [tilespmem:v5+s5+$0x0], $0xffff  }
0x21b: {  	[tilespmem:s12+$0x0] =	vst.add.f32.msk $0xffff, v2  }
0x21c: {  	[tilespmem:s7+$0x15B80] =	vst.add.f32.msk $0xffff, v2;
	v2 =	vadd.s32 $0x1F02, v1  }
0x21d: {  	v3 =	vld.idx.msk [tilespmem:v3+s5+$0x0], $0xffff  }
0x21e: {  	s16 =	sadd.s32 $0x13880, s11  }
0x21f: {  	[tilespmem:s16+$0x80] =	vst.add.f32.msk $0xffff, v4  }
0x220: {  	s8 =	sor.u32 s8, s8;
	v5 =	vadd.s32 $0x7C08, v0;
	[tilespmem:s11+$0x15900] =	vst.add.f32.msk $0xffff, v4  }
0x221: {  	s8 =	sor.u32 $0x380, s8;
	v4 =	vld.idx.msk [tilespmem:v2+s5+$0x0], $0xffff  }
0x222: {  	[tilespmem:s8+$0x13880] =	vst.add.f32.msk $0xffff, v3  }
0x223: {  	s14 =	simm.s32 $0x1FAA0;
	[tilespmem:s7+$0x15C00] =	vst.add.f32.msk $0xffff, v3;
	v3 =	vadd.s32 $0x2E83, v1  }
0x224: {  	v2 =	vld [tilespmem:s14+$0x0]  }
0x225: {  	s15 =	sor.u32 $0x100, s16;
	v5 =	vld.idx.msk [tilespmem:v5+s5+$0x0], $0xffff  }
0x226: {  	[tilespmem:s15+$0x0] =	vst.add.f32.msk $0xffff, v4  }
0x227: {  	[tilespmem:s11+$0x15980] =	vst.add.f32.msk $0xffff, v4;
	v4 =	vadd.s32 $0x8B89, v0  }
0x228: {  	v3 =	vld.idx.msk [tilespmem:v3+s5+$0x0], $0xffff;
	_ =	sdelay $0x1  }
0x229: {  	v6 =	vadd.s32 $0x3E04, v1;
	[tilespmem:s7+$0x14880] =	vst.add.f32.msk $0xffff, v5  }
0x22a: {  	[tilespmem:s7+$0x16880] =	vst.add.f32.msk $0xffff, v5  }
0x22b: {  	v4 =	vld.idx.msk [tilespmem:v4+s5+$0x0], $0xffff  }
0x22c: {  	[tilespmem:s16+$0x180] =	vst.add.f32.msk $0xffff, v3  }
0x22d: {  	[tilespmem:s11+$0x15A00] =	vst.add.f32.msk $0xffff, v3;
	v3 =	vadd.s32 $0x9B0A, v0  }
0x22e: {  	v5 =	vld.idx.msk [tilespmem:v6+s5+$0x0], $0xffff  }
0x22f: {  	v6 =	vld.idx.msk [tilespmem:v2+s5+$0x0], $0xffff  }
0x230: {  	[tilespmem:s7+$0x14900] =	vst.add.f32.msk $0xffff, v4  }
0x231: {  	s13 =	simm.s32 $0x20;
	s15 =	simm.s32 $0x100;
	[tilespmem:s7+$0x16900] =	vst.add.f32.msk $0xffff, v4;
	v4 =	vadd.s32 $0x4D85, v1  }
0x232: {  	s19 =	sor.u32 $0x200, s16;
	s8 =	sand.u32 $0x70, s13;
	s12 =	sand.u32 $0xC00, s15;
	v3 =	vld.idx.msk [tilespmem:v3+s5+$0x0], $0xffff  }
0x233: {  	s12 =	sor.u32 s8, s12;
	[tilespmem:s19+$0x0] =	vst.add.f32.msk $0xffff, v5  }
0x234: {  	[tilespmem:s12+$0x13880] =	vst.add.f32.msk $0xffff, v6  }
0x235: {  	v7 =	vadd.s32 $0xAA8B, v0;
	[tilespmem:s11+$0x15A80] =	vst.add.f32.msk $0xffff, v5  }
0x236: {  	v4 =	vld.idx.msk [tilespmem:v4+s5+$0x0], $0xffff  }
0x237: {  	[tilespmem:s7+$0x14980] =	vst.add.f32.msk $0xffff, v3  }
0x238: {  	[tilespmem:s7+$0x16980] =	vst.add.f32.msk $0xffff, v3;
	v3 =	vadd.s32 $0x5D06, v1  }
0x239: {  	[tilespmem:s12+$0x15880] =	vst.add.f32.msk $0xffff, v6;
	v5 =	vadd.s32 $0xF81, v2  }
0x23a: {  	v7 =	vld.idx.msk [tilespmem:v7+s5+$0x0], $0xffff  }
0x23b: {  	[tilespmem:s16+$0x280] =	vst.add.f32.msk $0xffff, v4  }
0x23c: {  	v6 =	vadd.s32 $0xBA0C, v0;
	[tilespmem:s11+$0x15B00] =	vst.add.f32.msk $0xffff, v4  }
0x23d: {  	v3 =	vld.idx.msk [tilespmem:v3+s5+$0x0], $0xffff  }
0x23e: {  	v4 =	vld.idx.msk [tilespmem:v5+s5+$0x0], $0xffff  }
0x23f: {  	[tilespmem:s7+$0x14A00] =	vst.add.f32.msk $0xffff, v7  }
0x240: {  	v5 =	vadd.s32 $0x6C87, v1;
	[tilespmem:s7+$0x16A00] =	vst.add.f32.msk $0xffff, v7  }
0x241: {  	s16 =	sor.u32 $0x300, s16;
	v6 =	vld.idx.msk [tilespmem:v6+s5+$0x0], $0xffff  }
0x242: {  	[tilespmem:s16+$0x0] =	vst.add.f32.msk $0xffff, v3;
	s16 =	sadd.s32 $0x13880, s12  }
0x243: {  	[tilespmem:s16+$0x80] =	vst.add.f32.msk $0xffff, v4  }
0x244: {  	v7 =	vadd.s32 $0xC98D, v0;
	[tilespmem:s11+$0x15B80] =	vst.add.f32.msk $0xffff, v3  }
0x245: {  	v8 =	vadd.s32 $0x1F02, v2;
	v5 =	vld.idx.msk [tilespmem:v5+s5+$0x0], $0xffff  }
0x246: {  	[tilespmem:s7+$0x14A80] =	vst.add.f32.msk $0xffff, v6  }
0x247: {  	[tilespmem:s7+$0x16A80] =	vst.add.f32.msk $0xffff, v6  }
0x248: {  	[tilespmem:s12+$0x15900] =	vst.add.f32.msk $0xffff, v4;
	v6 =	vadd.s32 $0x7C08, v1  }
0x249: {  	s19 =	sor.u32 s18, s17;
	v3 =	vld.idx.msk [tilespmem:v7+s5+$0x0], $0xffff  }
0x24a: {  	s8 =	sor.u32 $0x380, s19;
	v7 =	vld.idx.msk [tilespmem:v8+s5+$0x0], $0xffff  }
0x24b: {  	s18 =	simm.s32 $0x30;
	s17 =	simm.s32 $0x100;
	v4 =	vadd.s32 $0xD90E, v0;
	[tilespmem:s8+$0x13880] =	vst.add.f32.msk $0xffff, v5  }
.LBB2_5:
0x24c: {  	p0 =	sne.s32 s18, $0x1F0;
	[tilespmem:s11+$0x15C00] =	vst.add.f32.msk $0xffff, v5  }
0x24d: {  	v5 =	vld.idx.msk [tilespmem:v6+s5+$0x0], $0xffff  }
0x24e: {  	[tilespmem:s7+$0x14B00] =	vst.add.f32.msk $0xffff, v3  }
0x24f: {  	v6 =	vadd.s32 $0x2E83, v2;
	[tilespmem:s7+$0x16B00] =	vst.add.f32.msk $0xffff, v3  }
0x250: {  	s14 =	sadd.s32 $0x10, s14;
	v3 =	vld.idx.msk [tilespmem:v4+s5+$0x0], $0xffff  }
0x251: {  	s8 =	sor.u32 $0x100, s16;
	v4 =	vld [tilespmem:s14+$0x0]  }
0x252: {  	[tilespmem:s8+$0x0] =	vst.add.f32.msk $0xffff, v7  }
0x253: {  	[tilespmem:s12+$0x15980] =	vst.add.f32.msk $0xffff, v7;
	v7 =	vadd.s32 $0xE88F, v0;
	v0 =	vmov v1;
	v1 =	vmov v2  }
0x254: {  	v6 =	vld.idx.msk [tilespmem:v6+s5+$0x0], $0xffff  }
0x255: {  	v8 =	vadd.s32 $0x8B89, v0;
	[tilespmem:s11+$0x14880] =	vst.add.f32.msk $0xffff, v5  }
0x256: {  	[tilespmem:s7+$0x14B80] =	vst.add.f32.msk $0xffff, v3;
	v2 =	vmov v4  }
0x257: {  	[tilespmem:s7+$0x16B80] =	vst.add.f32.msk $0xffff, v3  }
0x258: {  	v3 =	vld.idx.msk [tilespmem:v7+s5+$0x0], $0xffff  }
0x259: {  	[tilespmem:s11+$0x16880] =	vst.add.f32.msk $0xffff, v5  }
0x25a: {  	v4 =	vadd.s32 $0x3E04, v1;
	v5 =	vld.idx.msk [tilespmem:v8+s5+$0x0], $0xffff  }
0x25b: {  	v7 =	vld.idx.msk [tilespmem:v2+s5+$0x0], $0xffff  }
0x25c: {  	[tilespmem:s16+$0x180] =	vst.add.f32.msk $0xffff, v6  }
0x25d: {  	[tilespmem:s12+$0x15A00] =	vst.add.f32.msk $0xffff, v6;
	v6 =	vadd.s32 $0x9B0A, v0  }
0x25e: {  	[tilespmem:s7+$0x16C00] =	vst.add.f32.msk $0xffff, v3  }
0x25f: {  	v4 =	vld.idx.msk [tilespmem:v4+s5+$0x0], $0xffff  }
0x260: {  	[tilespmem:s11+$0x14900] =	vst.add.f32.msk $0xffff, v5  }
0x261: {  	s15 =	sadd.s32 $0x80, s15;
	[tilespmem:s11+$0x16900] =	vst.add.f32.msk $0xffff, v5  }
0x262: {  	s19 =	sand.u32 $0xC00, s15;
	s8 =	sand.u32 $0x70, s18;
	v5 =	vadd.s32 $0x4D85, v1;
	v6 =	vld.idx.msk [tilespmem:v6+s5+$0x0], $0xffff  }
0x263: {  	[tilespmem:s7+$0x14C00] =	vst.add.f32.msk $0xffff, v3;
	s7 =	smov.u32 s11;
	s11 =	smov.u32 s12;
	s12 =	sor.u32 s8, s19  }
0x264: {  	s8 =	sor.u32 $0x200, s16;
	[tilespmem:s12+$0x13880] =	vst.add.f32.msk $0xffff, v7  }
0x265: {  	v3 =	vadd.s32 $0xAA8B, v0;
	[tilespmem:s8+$0x0] =	vst.add.f32.msk $0xffff, v4  }
0x266: {  	[tilespmem:s11+$0x15A80] =	vst.add.f32.msk $0xffff, v4  }
0x267: {  	v4 =	vadd.s32 $0xF81, v2;
	v5 =	vld.idx.msk [tilespmem:v5+s5+$0x0], $0xffff  }
0x268: {  	[tilespmem:s7+$0x14980] =	vst.add.f32.msk $0xffff, v6  }
0x269: {  	[tilespmem:s7+$0x16980] =	vst.add.f32.msk $0xffff, v6  }
0x26a: {  	v6 =	vadd.s32 $0x5D06, v1;
	v3 =	vld.idx.msk [tilespmem:v3+s5+$0x0], $0xffff  }
0x26b: {  	[tilespmem:s12+$0x15880] =	vst.add.f32.msk $0xffff, v7  }
0x26c: {  	v4 =	vld.idx.msk [tilespmem:v4+s5+$0x0], $0xffff  }
0x26d: {  	v7 =	vadd.s32 $0xBA0C, v0;
	[tilespmem:s16+$0x280] =	vst.add.f32.msk $0xffff, v5  }
0x26e: {  	[tilespmem:s11+$0x15B00] =	vst.add.f32.msk $0xffff, v5  }
0x26f: {  	v5 =	vld.idx.msk [tilespmem:v6+s5+$0x0], $0xffff  }
0x270: {  	[tilespmem:s7+$0x14A00] =	vst.add.f32.msk $0xffff, v3  }
0x271: {  	[tilespmem:s7+$0x16A00] =	vst.add.f32.msk $0xffff, v3  }
0x272: {  	v3 =	vadd.s32 $0x6C87, v1;
	v6 =	vld.idx.msk [tilespmem:v7+s5+$0x0], $0xffff  }
0x273: {  	s8 =	sadd.s32 $0x13880, s12  }
0x274: {  	s19 =	sor.u32 $0x300, s16;
	s16 =	smov.u32 s8;
	[tilespmem:s8+$0x80] =	vst.add.f32.msk $0xffff, v4  }
0x275: {  	v7 =	vadd.s32 $0xC98D, v0;
	[tilespmem:s19+$0x0] =	vst.add.f32.msk $0xffff, v5  }
0x276: {  	[tilespmem:s11+$0x15B80] =	vst.add.f32.msk $0xffff, v5  }
0x277: {  	v8 =	vadd.s32 $0x1F02, v2;
	v5 =	vld.idx.msk [tilespmem:v3+s5+$0x0], $0xffff  }
0x278: {  	[tilespmem:s7+$0x14A80] =	vst.add.f32.msk $0xffff, v6  }
.Ltmp1:
0x279: {  	[tilespmem:s7+$0x16A80] =	vst.add.f32.msk $0xffff, v6;
	(pc) =	sbr.rel @p0 .LBB2_5-.Ltmp1, $4  }
0x27a: {  	v6 =	vadd.s32 $0x7C08, v1;
	v3 =	vld.idx.msk [tilespmem:v7+s5+$0x0], $0xffff  }
0x27b: {  	s8 =	sor.u32 s17, s13;
	s17 =	smov.u32 s15;
	s13 =	smov.u32 s18;
	[tilespmem:s12+$0x15900] =	vst.add.f32.msk $0xffff, v4  }
0x27c: {  	s8 =	sor.u32 $0x380, s8;
	v7 =	vld.idx.msk [tilespmem:v8+s5+$0x0], $0xffff  }
0x27d: {  	s18 =	sadd.s32 $0x10, s18;
	v4 =	vadd.s32 $0xD90E, v0;
	[tilespmem:s8+$0x13880] =	vst.add.f32.msk $0xffff, v5  }
0x27e: {  	v8 =	vadd.s32 $0x2E83, v2;
	_ =	sdelay $0x1  }
0x27f: {  	s8 =	sor.u32 $0x100, s16  }
0x280: {  	[tilespmem:s8+$0x0] =	vst.add.f32.msk $0xffff, v7  }
0x281: {  	[tilespmem:s12+$0x15980] =	vst.add.f32.msk $0xffff, v7  }
0x282: {  	v7 =	vld.idx.msk [tilespmem:v8+s5+$0x0], $0xffff;
	_ =	sdelay $0x1  }
0x283: {  	v8 =	vadd.s32 $0x3E04, v2;
	_ =	sdelay $0x2  }
0x284: {  	[tilespmem:s16+$0x180] =	vst.add.f32.msk $0xffff, v7  }
0x285: {  	[tilespmem:s12+$0x15A00] =	vst.add.f32.msk $0xffff, v7  }
0x286: {  	v7 =	vld.idx.msk [tilespmem:v8+s5+$0x0], $0xffff;
	_ =	sdelay $0x1  }
0x287: {  	v8 =	vadd.s32 $0x4D85, v2;
	_ =	sdelay $0x1  }
0x288: {  	s15 =	sor.u32 $0x200, s16  }
0x289: {  	[tilespmem:s15+$0x0] =	vst.add.f32.msk $0xffff, v7  }
0x28a: {  	[tilespmem:s12+$0x15A80] =	vst.add.f32.msk $0xffff, v7  }
0x28b: {  	v7 =	vld.idx.msk [tilespmem:v8+s5+$0x0], $0xffff;
	_ =	sdelay $0x1  }
0x28c: {  	v8 =	vadd.s32 $0x5D06, v2;
	_ =	sdelay $0x2  }
0x28d: {  	[tilespmem:s16+$0x280] =	vst.add.f32.msk $0xffff, v7  }
0x28e: {  	[tilespmem:s12+$0x15B00] =	vst.add.f32.msk $0xffff, v7  }
0x28f: {  	v7 =	vld.idx.msk [tilespmem:v8+s5+$0x0], $0xffff;
	_ =	sdelay $0x1  }
0x290: {  	v8 =	vadd.s32 $0x6C87, v2;
	_ =	sdelay $0x1  }
0x291: {  	s18 =	sor.u32 $0x300, s16  }
0x292: {  	[tilespmem:s18+$0x0] =	vst.add.f32.msk $0xffff, v7  }
0x293: {  	[tilespmem:s12+$0x15B80] =	vst.add.f32.msk $0xffff, v7  }
0x294: {  	v7 =	vld.idx.msk [tilespmem:v8+s5+$0x0], $0xffff;
	_ =	sdelay $0x1  }
0x295: {  	[tilespmem:s11+$0x15C00] =	vst.add.f32.msk $0xffff, v5;
	v5 =	vadd.s32 $0x7C08, v2  }
0x296: {  	s19 =	sor.u32 s17, s13;
	v6 =	vld.idx.msk [tilespmem:v6+s5+$0x0], $0xffff  }
0x297: {  	s8 =	sor.u32 $0x380, s19  }
0x298: {  	v8 =	vadd.s32 $0x8B89, v1;
	[tilespmem:s8+$0x13880] =	vst.add.f32.msk $0xffff, v7  }
0x299: {  	[tilespmem:s12+$0x15C00] =	vst.add.f32.msk $0xffff, v7  }
0x29a: {  	v5 =	vld.idx.msk [tilespmem:v5+s5+$0x0], $0xffff  }
0x29b: {  	[tilespmem:s11+$0x14880] =	vst.add.f32.msk $0xffff, v6  }
0x29c: {  	[tilespmem:s11+$0x16880] =	vst.add.f32.msk $0xffff, v6;
	v6 =	vadd.s32 $0x8B89, v2  }
0x29d: {  	v7 =	vld.idx.msk [tilespmem:v8+s5+$0x0], $0xffff;
	_ =	sdelay $0x1  }
0x29e: {  	[tilespmem:s12+$0x14880] =	vst.add.f32.msk $0xffff, v5  }
0x29f: {  	[tilespmem:s12+$0x16880] =	vst.add.f32.msk $0xffff, v5;
	v5 =	vadd.s32 $0x9B0A, v1  }
0x2a0: {  	v6 =	vld.idx.msk [tilespmem:v6+s5+$0x0], $0xffff  }
0x2a1: {  	[tilespmem:s11+$0x14900] =	vst.add.f32.msk $0xffff, v7  }
0x2a2: {  	[tilespmem:s11+$0x16900] =	vst.add.f32.msk $0xffff, v7;
	v7 =	vadd.s32 $0x9B0A, v2  }
0x2a3: {  	[tilespmem:s7+$0x14B00] =	vst.add.f32.msk $0xffff, v3  }
0x2a4: {  	v5 =	vld.idx.msk [tilespmem:v5+s5+$0x0], $0xffff  }
0x2a5: {  	[tilespmem:s12+$0x14900] =	vst.add.f32.msk $0xffff, v6  }
0x2a6: {  	[tilespmem:s12+$0x16900] =	vst.add.f32.msk $0xffff, v6;
	v6 =	vadd.s32 $0xAA8B, v1  }
0x2a7: {  	v7 =	vld.idx.msk [tilespmem:v7+s5+$0x0], $0xffff  }
0x2a8: {  	[tilespmem:s7+$0x16B00] =	vst.add.f32.msk $0xffff, v3  }
0x2a9: {  	v3 =	vadd.s32 $0xAA8B, v2;
	[tilespmem:s11+$0x14980] =	vst.add.f32.msk $0xffff, v5  }
0x2aa: {  	[tilespmem:s11+$0x16980] =	vst.add.f32.msk $0xffff, v5  }
0x2ab: {  	v5 =	vld.idx.msk [tilespmem:v6+s5+$0x0], $0xffff  }
0x2ac: {  	[tilespmem:s12+$0x14980] =	vst.add.f32.msk $0xffff, v7  }
0x2ad: {  	v6 =	vadd.s32 $0xBA0C, v1;
	[tilespmem:s12+$0x16980] =	vst.add.f32.msk $0xffff, v7  }
0x2ae: {  	v3 =	vld.idx.msk [tilespmem:v3+s5+$0x0], $0xffff  }
0x2af: {  	v4 =	vld.idx.msk [tilespmem:v4+s5+$0x0], $0xffff  }
0x2b0: {  	v7 =	vadd.s32 $0xBA0C, v2;
	[tilespmem:s11+$0x14A00] =	vst.add.f32.msk $0xffff, v5  }
0x2b1: {  	[tilespmem:s11+$0x16A00] =	vst.add.f32.msk $0xffff, v5  }
0x2b2: {  	v5 =	vld.idx.msk [tilespmem:v6+s5+$0x0], $0xffff  }
0x2b3: {  	[tilespmem:s12+$0x14A00] =	vst.add.f32.msk $0xffff, v3  }
0x2b4: {  	v6 =	vadd.s32 $0xC98D, v1;
	[tilespmem:s12+$0x16A00] =	vst.add.f32.msk $0xffff, v3  }
0x2b5: {  	v3 =	vld.idx.msk [tilespmem:v7+s5+$0x0], $0xffff  }
0x2b6: {  	[tilespmem:s7+$0x14B80] =	vst.add.f32.msk $0xffff, v4  }
0x2b7: {  	v7 =	vadd.s32 $0xC98D, v2;
	[tilespmem:s11+$0x14A80] =	vst.add.f32.msk $0xffff, v5  }
0x2b8: {  	[tilespmem:s11+$0x16A80] =	vst.add.f32.msk $0xffff, v5  }
0x2b9: {  	v5 =	vld.idx.msk [tilespmem:v6+s5+$0x0], $0xffff  }
0x2ba: {  	[tilespmem:s12+$0x14A80] =	vst.add.f32.msk $0xffff, v3  }
0x2bb: {  	v6 =	vadd.s32 $0xD90E, v1;
	[tilespmem:s12+$0x16A80] =	vst.add.f32.msk $0xffff, v3  }
0x2bc: {  	v3 =	vld.idx.msk [tilespmem:v7+s5+$0x0], $0xffff  }
0x2bd: {  	[tilespmem:s7+$0x16B80] =	vst.add.f32.msk $0xffff, v4  }
0x2be: {  	v4 =	vadd.s32 $0xD90E, v2;
	[tilespmem:s11+$0x14B00] =	vst.add.f32.msk $0xffff, v5  }
0x2bf: {  	v0 =	vadd.s32 $0xE88F, v0;
	[tilespmem:s11+$0x16B00] =	vst.add.f32.msk $0xffff, v5  }
0x2c0: {  	v5 =	vld.idx.msk [tilespmem:v6+s5+$0x0], $0xffff  }
0x2c1: {  	[tilespmem:s12+$0x14B00] =	vst.add.f32.msk $0xffff, v3  }
0x2c2: {  	v1 =	vadd.s32 $0xE88F, v1;
	[tilespmem:s12+$0x16B00] =	vst.add.f32.msk $0xffff, v3  }
0x2c3: {  	v3 =	vld.idx.msk [tilespmem:v4+s5+$0x0], $0xffff  }
0x2c4: {  	v0 =	vld.idx.msk [tilespmem:v0+s5+$0x0], $0xffff  }
0x2c5: {  	v2 =	vadd.s32 $0xE88F, v2;
	[tilespmem:s11+$0x14B80] =	vst.add.f32.msk $0xffff, v5  }
0x2c6: {  	[tilespmem:s11+$0x16B80] =	vst.add.f32.msk $0xffff, v5  }
0x2c7: {  	v1 =	vld.idx.msk [tilespmem:v1+s5+$0x0], $0xffff  }
0x2c8: {  	[tilespmem:s12+$0x14B80] =	vst.add.f32.msk $0xffff, v3  }
0x2c9: {  	[tilespmem:s12+$0x16B80] =	vst.add.f32.msk $0xffff, v3  }
0x2ca: {  	v2 =	vld.idx.msk [tilespmem:v2+s5+$0x0], $0xffff  }
0x2cb: {  	[tilespmem:s7+$0x16C00] =	vst.add.f32.msk $0xffff, v0  }
0x2cc: {  	[tilespmem:s7+$0x14C00] =	vst.add.f32.msk $0xffff, v0  }
0x2cd: {  	[tilespmem:s11+$0x16C00] =	vst.add.f32.msk $0xffff, v1  }
0x2ce: {  	[tilespmem:s11+$0x14C00] =	vst.add.f32.msk $0xffff, v1  }
0x2cf: {  	[tilespmem:s12+$0x16C00] =	vst.add.f32.msk $0xffff, v2  }
0x2d0: {  	s7 =	sadd.s32 s4, s9;
	s11 =	simm.s32 $0x13880;
	[tilespmem:s12+$0x14C00] =	vst.add.f32.msk $0xffff, v2  }
0x2d1: {  	[hbm4b:s7+s20] =	stream.strided.scatter [tilespmem:s11], [sflag:$0x6], $0x400, s21, s20, $0x38;
	[tilespmem:$0x1FC80] =	vst v63  }
0x2d2: {  	s13 =	simm.s32 $0x13C80;
	s12 =	sadd.s32 $0x80, s7  }
0x2d3: {  	[hbm4b:s12+s20] =	stream.strided.scatter [tilespmem:s13], [sflag:$0x6], $0x400, s21, s20, $0x38;
	[tilespmem:$0x1FC80] =	vst v63  }
0x2d4: {  	s14 =	sadd.s32 $0x100, s7;
	s15 =	simm.s32 $0x14080  }
0x2d5: {  	[hbm4b:s14+s20] =	stream.strided.scatter [tilespmem:s15], [sflag:$0x6], $0x400, s21, s20, $0x38;
	[tilespmem:$0x1FC80] =	vst v63  }
0x2d6: {  	s17 =	simm.s32 $0x14480;
	s16 =	sadd.s32 $0x180, s7  }
0x2d7: {  	[hbm4b:s16+s20] =	stream.strided.scatter [tilespmem:s17], [sflag:$0x6], $0x400, s21, s20, $0x38;
	[tilespmem:$0x1FC80] =	vst v63  }
0x2d8: {  	s19 =	simm.s32 $0x14880;
	s18 =	sadd.s32 $0x100000, s7  }
0x2d9: {  	[hbm4b:s18+s20] =	stream.strided.scatter [tilespmem:s19], [sflag:$0x6], $0x400, s21, s20, $0x38;
	[tilespmem:$0x1FC80] =	vst v63  }
0x2da: {  	s11 =	sadd.s32 $0x80, s18;
	s12 =	simm.s32 $0x14C80  }
0x2db: {  	[hbm4b:s11+s20] =	stream.strided.scatter [tilespmem:s12], [sflag:$0x6], $0x400, s21, s20, $0x38;
	[tilespmem:$0x1FC80] =	vst v63  }
0x2dc: {  	s13 =	sadd.s32 $0x100, s18;
	s14 =	simm.s32 $0x15080  }
0x2dd: {  	[hbm4b:s13+s20] =	stream.strided.scatter [tilespmem:s14], [sflag:$0x6], $0x400, s21, s20, $0x38;
	[tilespmem:$0x1FC80] =	vst v63  }
0x2de: {  	s8 =	sadd.s32 $0x180, s18;
	s15 =	simm.s32 $0x15480  }
0x2df: {  	[hbm4b:s8+s20] =	stream.strided.scatter [tilespmem:s15], [sflag:$0x6], $0x400, s21, s20, $0x38;
	[tilespmem:$0x1FC80] =	vst v63  }
0x2e0: {  	s16 =	sadd.s32 $0x200000, s7;
	s17 =	simm.s32 $0x15880  }
0x2e1: {  	[hbm4b:s16+s20] =	stream.strided.scatter [tilespmem:s17], [sflag:$0x6], $0x400, s21, s20, $0x38;
	[tilespmem:$0x1FC80] =	vst v63  }
0x2e2: {  	s18 =	sadd.s32 $0x80, s16;
	s19 =	simm.s32 $0x15C80  }
0x2e3: {  	[hbm4b:s18+s20] =	stream.strided.scatter [tilespmem:s19], [sflag:$0x6], $0x400, s21, s20, $0x38;
	[tilespmem:$0x1FC80] =	vst v63  }
0x2e4: {  	s12 =	sadd.s32 $0x100, s16;
	s13 =	simm.s32 $0x16080  }
0x2e5: {  	[hbm4b:s12+s20] =	stream.strided.scatter [tilespmem:s13], [sflag:$0x6], $0x400, s21, s20, $0x38;
	[tilespmem:$0x1FC80] =	vst v63  }
0x2e6: {  	s14 =	simm.s32 $0x16480;
	s8 =	sadd.s32 $0x180, s16  }
0x2e7: {  	[hbm4b:s8+s20] =	stream.strided.scatter [tilespmem:s14], [sflag:$0x6], $0x400, s21, s20, $0x38;
	[tilespmem:$0x1FC80] =	vst v63  }
0x2e8: {  	s7 =	sadd.s32 $0x300000, s7;
	s15 =	simm.s32 $0x16880  }
0x2e9: {  	[hbm4b:s7+s20] =	stream.strided.scatter [tilespmem:s15], [sflag:$0x6], $0x400, s21, s20, $0x38;
	[tilespmem:$0x1FC80] =	vst v63  }
0x2ea: {  	s16 =	sadd.s32 $0x80, s7;
	s17 =	simm.s32 $0x16C80  }
0x2eb: {  	[hbm4b:s16+s20] =	stream.strided.scatter [tilespmem:s17], [sflag:$0x6], $0x400, s21, s20, $0x38;
	[tilespmem:$0x1FC80] =	vst v63  }
0x2ec: {  	p0 =	seq.s32 s30, $0xF;
	s18 =	sadd.s32 $0x100, s7;
	s19 =	simm.s32 $0x17080  }
0x2ed: {  	[hbm4b:s18+s20] =	stream.strided.scatter [tilespmem:s19], [sflag:$0x6], $0x400, s21, s20, $0x38;
	[tilespmem:$0x1FC80] =	vst v63  }
0x2ee: {  	s6 =	sadd.s32 @!p0 $0x2, s6;
	s9 =	simm.s32 $0x17480;
	s7 =	sadd.s32 $0x180, s7  }
0x2ef: {  	[hbm4b:s7+s20] =	stream.strided.scatter [tilespmem:s9], [sflag:$0x6], $0x400, s21, s20, $0x38;
	[tilespmem:$0x1FC80] =	vst v63  }
0x2f0: {  	s11 =	simm.s32 @!p0 $0x100000;
	s12 =	simm.s32 @!p0 $0xF880;
	s7 =	sshll.u32 @!p0 s6, $0x4  }
0x2f1: {  	s8 =	sshll.u32 @!p0 s6, $0x7;
	_ =	swait.ge [sflag:s23], $0x4000;
	s6 =	sand.u32 @!p0 $0x60, s7  }
0x2f2: {  	s9 =	sand.u32 @!p0 $0xFFFFC00, s8;
	[sflag:s23] =	ssyncset.done $0x0;
	s7 =	sadd.s32 @!p0 s1, s6  }
0x2f3: {  	s8 =	simm.s32 @!p0 $0x80;
	[sflag:s23] =	ssyncadd.s32 $0xFFFFC000;
	s7 =	sadd.s32 @!p0 s9, s7  }
0x2f4: {  	[tilespmem:s12], [sflag:$0x1] =	stream.strided.gather @!p0 [hbm4b:s7+s8], $0x400, s11, s8, $0x38;
	[tilespmem:$0x1FC80] =	vst v63  }
0x2f5: {  	s13 =	simm.s32 @!p0 $0xFC80;
	s12 =	sadd.s32 @!p0 $0x80, s7  }
0x2f6: {  	[tilespmem:s13], [sflag:$0x1] =	stream.strided.gather @!p0 [hbm4b:s12+s8], $0x400, s11, s8, $0x38;
	[tilespmem:$0x1FC80] =	vst v63  }
0x2f7: {  	s12 =	sadd.s32 @!p0 $0x100, s7;
	s13 =	simm.s32 @!p0 $0x10080  }
0x2f8: {  	[tilespmem:s13], [sflag:$0x1] =	stream.strided.gather @!p0 [hbm4b:s12+s8], $0x400, s11, s8, $0x38;
	[tilespmem:$0x1FC80] =	vst v63  }
0x2f9: {  	s12 =	sadd.s32 @!p0 $0x180, s7;
	s13 =	simm.s32 @!p0 $0x10480  }
0x2fa: {  	[tilespmem:s13], [sflag:$0x1] =	stream.strided.gather @!p0 [hbm4b:s12+s8], $0x400, s11, s8, $0x38;
	[tilespmem:$0x1FC80] =	vst v63  }
0x2fb: {  	s12 =	sadd.s32 @!p0 $0x100000, s7;
	s13 =	simm.s32 @!p0 $0x10880  }
0x2fc: {  	[tilespmem:s13], [sflag:$0x1] =	stream.strided.gather @!p0 [hbm4b:s12+s8], $0x400, s11, s8, $0x38;
	[tilespmem:$0x1FC80] =	vst v63  }
0x2fd: {  	s14 =	simm.s32 @!p0 $0x10C80;
	s13 =	sadd.s32 @!p0 $0x80, s12  }
0x2fe: {  	[tilespmem:s14], [sflag:$0x1] =	stream.strided.gather @!p0 [hbm4b:s13+s8], $0x400, s11, s8, $0x38;
	[tilespmem:$0x1FC80] =	vst v63  }
0x2ff: {  	s13 =	sadd.s32 @!p0 $0x100, s12;
	s14 =	simm.s32 @!p0 $0x11080  }
0x300: {  	[tilespmem:s14], [sflag:$0x1] =	stream.strided.gather @!p0 [hbm4b:s13+s8], $0x400, s11, s8, $0x38;
	[tilespmem:$0x1FC80] =	vst v63  }
0x301: {  	s12 =	sadd.s32 @!p0 $0x180, s12;
	s13 =	simm.s32 @!p0 $0x11480  }
0x302: {  	[tilespmem:s13], [sflag:$0x1] =	stream.strided.gather @!p0 [hbm4b:s12+s8], $0x400, s11, s8, $0x38;
	[tilespmem:$0x1FC80] =	vst v63  }
0x303: {  	s12 =	sadd.s32 @!p0 $0x200000, s7;
	s13 =	simm.s32 @!p0 $0x11880  }
0x304: {  	[tilespmem:s13], [sflag:$0x1] =	stream.strided.gather @!p0 [hbm4b:s12+s8], $0x400, s11, s8, $0x38;
	[tilespmem:$0x1FC80] =	vst v63  }
0x305: {  	s14 =	simm.s32 @!p0 $0x11C80;
	s13 =	sadd.s32 @!p0 $0x80, s12  }
0x306: {  	[tilespmem:s14], [sflag:$0x1] =	stream.strided.gather @!p0 [hbm4b:s13+s8], $0x400, s11, s8, $0x38;
	[tilespmem:$0x1FC80] =	vst v63  }
0x307: {  	s13 =	sadd.s32 @!p0 $0x100, s12;
	s14 =	simm.s32 @!p0 $0x12080  }
0x308: {  	[tilespmem:s14], [sflag:$0x1] =	stream.strided.gather @!p0 [hbm4b:s13+s8], $0x400, s11, s8, $0x38;
	[tilespmem:$0x1FC80] =	vst v63  }
0x309: {  	s12 =	sadd.s32 @!p0 $0x180, s12;
	s13 =	simm.s32 @!p0 $0x12480  }
0x30a: {  	[tilespmem:s13], [sflag:$0x1] =	stream.strided.gather @!p0 [hbm4b:s12+s8], $0x400, s11, s8, $0x38;
	[tilespmem:$0x1FC80] =	vst v63  }
0x30b: {  	s7 =	sadd.s32 @!p0 $0x300000, s7;
	s12 =	simm.s32 @!p0 $0x12880  }
0x30c: {  	[tilespmem:s12], [sflag:$0x1] =	stream.strided.gather @!p0 [hbm4b:s7+s8], $0x400, s11, s8, $0x38;
	[tilespmem:$0x1FC80] =	vst v63  }
0x30d: {  	s13 =	simm.s32 @!p0 $0x12C80;
	s12 =	sadd.s32 @!p0 $0x80, s7  }
0x30e: {  	[tilespmem:s13], [sflag:$0x1] =	stream.strided.gather @!p0 [hbm4b:s12+s8], $0x400, s11, s8, $0x38;
	[tilespmem:$0x1FC80] =	vst v63  }
0x30f: {  	s12 =	sadd.s32 @!p0 $0x100, s7;
	s13 =	simm.s32 @!p0 $0x13080  }
0x310: {  	[tilespmem:s13], [sflag:$0x1] =	stream.strided.gather @!p0 [hbm4b:s12+s8], $0x400, s11, s8, $0x38;
	[tilespmem:$0x1FC80] =	vst v63  }
0x311: {  	s7 =	sadd.s32 @!p0 $0x180, s7;
	s12 =	simm.s32 @!p0 $0x13480  }
0x312: {  	[tilespmem:s12], [sflag:$0x1] =	stream.strided.gather @!p0 [hbm4b:s7+s8], $0x400, s11, s8, $0x38;
	[tilespmem:$0x1FC80] =	vst v63  }
0x313: {  	s11 =	sadd.s32 s2, s3;
	s12 =	simm.s32 $0x1FA80  }
0x314: {  	[tilespmem:s12], [sflag:$0xA] =	stream.strided.gather [hbm4b:s11+s20], $0x200, s0, s20, $0x38;
	[tilespmem:$0x1FC80] =	vst v63  }
0x315: {  	_ =	swait.ge [sflag:s28], $0x200  }
0x316: {  	[sflag:s28] =	ssyncset.done $0x0  }
0x317: {  	[sflag:s28] =	ssyncadd.s32 $0xFFFFFE00  }
0x318: {  	_ =	swait.ge [sflag:s24], $0x4000  }
0x319: {  	[sflag:s24] =	ssyncset.done $0x0  }
0x31a: {  	s13 =	simm.s32 $0x1F880;
	[sflag:s24] =	ssyncadd.s32 $0xFFFFC000  }
0x31b: {  	v0 =	vld [tilespmem:s13+$0x0];
	_ =	sdelay $0x7  }
0x31c: {  	v1 =	vld.idx.msk [tilespmem:v0+s5+$0x0], $0xffff;
	_ =	sdelay $0x1  }
0x31d: {  	s8 =	simm.s32 $0x0;
	v2 =	vadd.s32 $0xF81, v0  }
0x31e: {  	s14 =	sand.u32 $0x70, s8;
	s15 =	sand.u32 $0xC00, s8  }
0x31f: {  	s7 =	sor.u32 s14, s15  }
0x320: {  	[tilespmem:s7+$0x17880] =	vst.add.f32.msk $0xffff, v1  }
0x321: {  	[tilespmem:s7+$0x19880] =	vst.add.f32.msk $0xffff, v1  }
0x322: {  	v1 =	vld.idx.msk [tilespmem:v2+s5+$0x0], $0xffff;
	_ =	sdelay $0x1  }
0x323: {  	v2 =	vadd.s32 $0x1F02, v0;
	_ =	sdelay $0x1  }
0x324: {  	s16 =	sadd.s32 $0x17880, s7  }
0x325: {  	[tilespmem:s16+$0x80] =	vst.add.f32.msk $0xffff, v1  }
0x326: {  	[tilespmem:s7+$0x19900] =	vst.add.f32.msk $0xffff, v1  }
0x327: {  	v1 =	vld.idx.msk [tilespmem:v2+s5+$0x0], $0xffff;
	_ =	sdelay $0x1  }
0x328: {  	v2 =	vadd.s32 $0x2E83, v0;
	_ =	sdelay $0x1  }
0x329: {  	s17 =	sor.u32 $0x100, s16  }
0x32a: {  	[tilespmem:s17+$0x0] =	vst.add.f32.msk $0xffff, v1  }
0x32b: {  	[tilespmem:s7+$0x19980] =	vst.add.f32.msk $0xffff, v1  }
0x32c: {  	v1 =	vld.idx.msk [tilespmem:v2+s5+$0x0], $0xffff;
	_ =	sdelay $0x1  }
0x32d: {  	v2 =	vadd.s32 $0x3E04, v0;
	_ =	sdelay $0x2  }
0x32e: {  	[tilespmem:s16+$0x180] =	vst.add.f32.msk $0xffff, v1  }
0x32f: {  	[tilespmem:s7+$0x19A00] =	vst.add.f32.msk $0xffff, v1  }
0x330: {  	v2 =	vld.idx.msk [tilespmem:v2+s5+$0x0], $0xffff;
	_ =	sdelay $0x1  }
0x331: {  	s18 =	simm.s32 $0x1F890;
	v3 =	vadd.s32 $0x4D85, v0  }
0x332: {  	v1 =	vld [tilespmem:s18+$0x0]  }
0x333: {  	s19 =	sor.u32 $0x200, s16  }
0x334: {  	[tilespmem:s19+$0x0] =	vst.add.f32.msk $0xffff, v2  }
0x335: {  	[tilespmem:s7+$0x19A80] =	vst.add.f32.msk $0xffff, v2  }
0x336: {  	v2 =	vld.idx.msk [tilespmem:v3+s5+$0x0], $0xffff;
	_ =	sdelay $0x1  }
0x337: {  	v3 =	vadd.s32 $0x5D06, v0;
	_ =	sdelay $0x1  }
0x338: {  	v4 =	vld.idx.msk [tilespmem:v1+s5+$0x0], $0xffff  }
0x339: {  	[tilespmem:s16+$0x280] =	vst.add.f32.msk $0xffff, v2  }
0x33a: {  	s17 =	simm.s32 $0x10;
	s18 =	simm.s32 $0x80;
	v5 =	vadd.s32 $0xF81, v1;
	[tilespmem:s7+$0x19B00] =	vst.add.f32.msk $0xffff, v2  }
0x33b: {  	s13 =	sand.u32 $0x70, s17;
	s14 =	sand.u32 $0xC00, s18;
	v2 =	vld.idx.msk [tilespmem:v3+s5+$0x0], $0xffff  }
0x33c: {  	s11 =	sor.u32 s13, s14  }
0x33d: {  	[tilespmem:s11+$0x17880] =	vst.add.f32.msk $0xffff, v4;
	v3 =	vadd.s32 $0x6C87, v0  }
0x33e: {  	[tilespmem:s11+$0x19880] =	vst.add.f32.msk $0xffff, v4  }
0x33f: {  	s12 =	sor.u32 $0x300, s16;
	v4 =	vld.idx.msk [tilespmem:v5+s5+$0x0], $0xffff  }
0x340: {  	[tilespmem:s12+$0x0] =	vst.add.f32.msk $0xffff, v2  }
0x341: {  	[tilespmem:s7+$0x19B80] =	vst.add.f32.msk $0xffff, v2;
	v2 =	vadd.s32 $0x1F02, v1  }
0x342: {  	v3 =	vld.idx.msk [tilespmem:v3+s5+$0x0], $0xffff  }
0x343: {  	s16 =	sadd.s32 $0x17880, s11  }
0x344: {  	[tilespmem:s16+$0x80] =	vst.add.f32.msk $0xffff, v4  }
0x345: {  	s8 =	sor.u32 s8, s8;
	v5 =	vadd.s32 $0x7C08, v0;
	[tilespmem:s11+$0x19900] =	vst.add.f32.msk $0xffff, v4  }
0x346: {  	s8 =	sor.u32 $0x380, s8;
	v4 =	vld.idx.msk [tilespmem:v2+s5+$0x0], $0xffff  }
0x347: {  	[tilespmem:s8+$0x17880] =	vst.add.f32.msk $0xffff, v3  }
0x348: {  	s14 =	simm.s32 $0x1F8A0;
	[tilespmem:s7+$0x19C00] =	vst.add.f32.msk $0xffff, v3;
	v3 =	vadd.s32 $0x2E83, v1  }
0x349: {  	v2 =	vld [tilespmem:s14+$0x0]  }
0x34a: {  	s15 =	sor.u32 $0x100, s16;
	v5 =	vld.idx.msk [tilespmem:v5+s5+$0x0], $0xffff  }
0x34b: {  	[tilespmem:s15+$0x0] =	vst.add.f32.msk $0xffff, v4  }
0x34c: {  	[tilespmem:s11+$0x19980] =	vst.add.f32.msk $0xffff, v4;
	v4 =	vadd.s32 $0x8B89, v0  }
0x34d: {  	v3 =	vld.idx.msk [tilespmem:v3+s5+$0x0], $0xffff;
	_ =	sdelay $0x1  }
0x34e: {  	v6 =	vadd.s32 $0x3E04, v1;
	[tilespmem:s7+$0x18880] =	vst.add.f32.msk $0xffff, v5  }
0x34f: {  	[tilespmem:s7+$0x1A880] =	vst.add.f32.msk $0xffff, v5  }
0x350: {  	v4 =	vld.idx.msk [tilespmem:v4+s5+$0x0], $0xffff  }
0x351: {  	[tilespmem:s16+$0x180] =	vst.add.f32.msk $0xffff, v3  }
0x352: {  	[tilespmem:s11+$0x19A00] =	vst.add.f32.msk $0xffff, v3;
	v3 =	vadd.s32 $0x9B0A, v0  }
0x353: {  	v5 =	vld.idx.msk [tilespmem:v6+s5+$0x0], $0xffff  }
0x354: {  	v6 =	vld.idx.msk [tilespmem:v2+s5+$0x0], $0xffff  }
0x355: {  	[tilespmem:s7+$0x18900] =	vst.add.f32.msk $0xffff, v4  }
0x356: {  	s13 =	simm.s32 $0x20;
	s15 =	simm.s32 $0x100;
	[tilespmem:s7+$0x1A900] =	vst.add.f32.msk $0xffff, v4;
	v4 =	vadd.s32 $0x4D85, v1  }
0x357: {  	s19 =	sor.u32 $0x200, s16;
	s8 =	sand.u32 $0x70, s13;
	s12 =	sand.u32 $0xC00, s15;
	v3 =	vld.idx.msk [tilespmem:v3+s5+$0x0], $0xffff  }
0x358: {  	s12 =	sor.u32 s8, s12;
	[tilespmem:s19+$0x0] =	vst.add.f32.msk $0xffff, v5  }
0x359: {  	[tilespmem:s12+$0x17880] =	vst.add.f32.msk $0xffff, v6  }
0x35a: {  	v7 =	vadd.s32 $0xAA8B, v0;
	[tilespmem:s11+$0x19A80] =	vst.add.f32.msk $0xffff, v5  }
0x35b: {  	v4 =	vld.idx.msk [tilespmem:v4+s5+$0x0], $0xffff  }
0x35c: {  	[tilespmem:s7+$0x18980] =	vst.add.f32.msk $0xffff, v3  }
0x35d: {  	[tilespmem:s7+$0x1A980] =	vst.add.f32.msk $0xffff, v3;
	v3 =	vadd.s32 $0x5D06, v1  }
0x35e: {  	[tilespmem:s12+$0x19880] =	vst.add.f32.msk $0xffff, v6;
	v5 =	vadd.s32 $0xF81, v2  }
0x35f: {  	v7 =	vld.idx.msk [tilespmem:v7+s5+$0x0], $0xffff  }
0x360: {  	[tilespmem:s16+$0x280] =	vst.add.f32.msk $0xffff, v4  }
0x361: {  	v6 =	vadd.s32 $0xBA0C, v0;
	[tilespmem:s11+$0x19B00] =	vst.add.f32.msk $0xffff, v4  }
0x362: {  	v3 =	vld.idx.msk [tilespmem:v3+s5+$0x0], $0xffff  }
0x363: {  	v4 =	vld.idx.msk [tilespmem:v5+s5+$0x0], $0xffff  }
0x364: {  	[tilespmem:s7+$0x18A00] =	vst.add.f32.msk $0xffff, v7  }
0x365: {  	v5 =	vadd.s32 $0x6C87, v1;
	[tilespmem:s7+$0x1AA00] =	vst.add.f32.msk $0xffff, v7  }
0x366: {  	s16 =	sor.u32 $0x300, s16;
	v6 =	vld.idx.msk [tilespmem:v6+s5+$0x0], $0xffff  }
0x367: {  	[tilespmem:s16+$0x0] =	vst.add.f32.msk $0xffff, v3;
	s16 =	sadd.s32 $0x17880, s12  }
0x368: {  	[tilespmem:s16+$0x80] =	vst.add.f32.msk $0xffff, v4  }
0x369: {  	v7 =	vadd.s32 $0xC98D, v0;
	[tilespmem:s11+$0x19B80] =	vst.add.f32.msk $0xffff, v3  }
0x36a: {  	v8 =	vadd.s32 $0x1F02, v2;
	v5 =	vld.idx.msk [tilespmem:v5+s5+$0x0], $0xffff  }
0x36b: {  	[tilespmem:s7+$0x18A80] =	vst.add.f32.msk $0xffff, v6  }
0x36c: {  	[tilespmem:s7+$0x1AA80] =	vst.add.f32.msk $0xffff, v6  }
0x36d: {  	[tilespmem:s12+$0x19900] =	vst.add.f32.msk $0xffff, v4;
	v6 =	vadd.s32 $0x7C08, v1  }
0x36e: {  	s19 =	sor.u32 s18, s17;
	v3 =	vld.idx.msk [tilespmem:v7+s5+$0x0], $0xffff  }
0x36f: {  	s8 =	sor.u32 $0x380, s19;
	v7 =	vld.idx.msk [tilespmem:v8+s5+$0x0], $0xffff  }
0x370: {  	s18 =	simm.s32 $0x30;
	s17 =	simm.s32 $0x100;
	v4 =	vadd.s32 $0xD90E, v0;
	[tilespmem:s8+$0x17880] =	vst.add.f32.msk $0xffff, v5  }
.LBB2_7:
0x371: {  	p1 =	sne.s32 s18, $0x1F0;
	[tilespmem:s11+$0x19C00] =	vst.add.f32.msk $0xffff, v5  }
0x372: {  	v5 =	vld.idx.msk [tilespmem:v6+s5+$0x0], $0xffff  }
0x373: {  	[tilespmem:s7+$0x18B00] =	vst.add.f32.msk $0xffff, v3  }
0x374: {  	v6 =	vadd.s32 $0x2E83, v2;
	[tilespmem:s7+$0x1AB00] =	vst.add.f32.msk $0xffff, v3  }
0x375: {  	s14 =	sadd.s32 $0x10, s14;
	v3 =	vld.idx.msk [tilespmem:v4+s5+$0x0], $0xffff  }
0x376: {  	s8 =	sor.u32 $0x100, s16;
	v4 =	vld [tilespmem:s14+$0x0]  }
0x377: {  	[tilespmem:s8+$0x0] =	vst.add.f32.msk $0xffff, v7  }
0x378: {  	[tilespmem:s12+$0x19980] =	vst.add.f32.msk $0xffff, v7;
	v7 =	vadd.s32 $0xE88F, v0;
	v0 =	vmov v1;
	v1 =	vmov v2  }
0x379: {  	v6 =	vld.idx.msk [tilespmem:v6+s5+$0x0], $0xffff  }
0x37a: {  	v8 =	vadd.s32 $0x8B89, v0;
	[tilespmem:s11+$0x18880] =	vst.add.f32.msk $0xffff, v5  }
0x37b: {  	[tilespmem:s7+$0x18B80] =	vst.add.f32.msk $0xffff, v3;
	v2 =	vmov v4  }
0x37c: {  	[tilespmem:s7+$0x1AB80] =	vst.add.f32.msk $0xffff, v3  }
0x37d: {  	v3 =	vld.idx.msk [tilespmem:v7+s5+$0x0], $0xffff  }
0x37e: {  	[tilespmem:s11+$0x1A880] =	vst.add.f32.msk $0xffff, v5  }
0x37f: {  	v4 =	vadd.s32 $0x3E04, v1;
	v5 =	vld.idx.msk [tilespmem:v8+s5+$0x0], $0xffff  }
0x380: {  	v7 =	vld.idx.msk [tilespmem:v2+s5+$0x0], $0xffff  }
0x381: {  	[tilespmem:s16+$0x180] =	vst.add.f32.msk $0xffff, v6  }
0x382: {  	[tilespmem:s12+$0x19A00] =	vst.add.f32.msk $0xffff, v6;
	v6 =	vadd.s32 $0x9B0A, v0  }
0x383: {  	[tilespmem:s7+$0x1AC00] =	vst.add.f32.msk $0xffff, v3  }
0x384: {  	v4 =	vld.idx.msk [tilespmem:v4+s5+$0x0], $0xffff  }
0x385: {  	[tilespmem:s11+$0x18900] =	vst.add.f32.msk $0xffff, v5  }
0x386: {  	s15 =	sadd.s32 $0x80, s15;
	[tilespmem:s11+$0x1A900] =	vst.add.f32.msk $0xffff, v5  }
0x387: {  	s19 =	sand.u32 $0xC00, s15;
	s8 =	sand.u32 $0x70, s18;
	v5 =	vadd.s32 $0x4D85, v1;
	v6 =	vld.idx.msk [tilespmem:v6+s5+$0x0], $0xffff  }
0x388: {  	[tilespmem:s7+$0x18C00] =	vst.add.f32.msk $0xffff, v3;
	s7 =	smov.u32 s11;
	s11 =	smov.u32 s12;
	s12 =	sor.u32 s8, s19  }
0x389: {  	s8 =	sor.u32 $0x200, s16;
	[tilespmem:s12+$0x17880] =	vst.add.f32.msk $0xffff, v7  }
0x38a: {  	v3 =	vadd.s32 $0xAA8B, v0;
	[tilespmem:s8+$0x0] =	vst.add.f32.msk $0xffff, v4  }
0x38b: {  	[tilespmem:s11+$0x19A80] =	vst.add.f32.msk $0xffff, v4  }
0x38c: {  	v4 =	vadd.s32 $0xF81, v2;
	v5 =	vld.idx.msk [tilespmem:v5+s5+$0x0], $0xffff  }
0x38d: {  	[tilespmem:s7+$0x18980] =	vst.add.f32.msk $0xffff, v6  }
0x38e: {  	[tilespmem:s7+$0x1A980] =	vst.add.f32.msk $0xffff, v6  }
0x38f: {  	v6 =	vadd.s32 $0x5D06, v1;
	v3 =	vld.idx.msk [tilespmem:v3+s5+$0x0], $0xffff  }
0x390: {  	[tilespmem:s12+$0x19880] =	vst.add.f32.msk $0xffff, v7  }
0x391: {  	v4 =	vld.idx.msk [tilespmem:v4+s5+$0x0], $0xffff  }
0x392: {  	v7 =	vadd.s32 $0xBA0C, v0;
	[tilespmem:s16+$0x280] =	vst.add.f32.msk $0xffff, v5  }
0x393: {  	[tilespmem:s11+$0x19B00] =	vst.add.f32.msk $0xffff, v5  }
0x394: {  	v5 =	vld.idx.msk [tilespmem:v6+s5+$0x0], $0xffff  }
0x395: {  	[tilespmem:s7+$0x18A00] =	vst.add.f32.msk $0xffff, v3  }
0x396: {  	[tilespmem:s7+$0x1AA00] =	vst.add.f32.msk $0xffff, v3  }
0x397: {  	v3 =	vadd.s32 $0x6C87, v1;
	v6 =	vld.idx.msk [tilespmem:v7+s5+$0x0], $0xffff  }
0x398: {  	s8 =	sadd.s32 $0x17880, s12  }
0x399: {  	s19 =	sor.u32 $0x300, s16;
	s16 =	smov.u32 s8;
	[tilespmem:s8+$0x80] =	vst.add.f32.msk $0xffff, v4  }
0x39a: {  	v7 =	vadd.s32 $0xC98D, v0;
	[tilespmem:s19+$0x0] =	vst.add.f32.msk $0xffff, v5  }
0x39b: {  	[tilespmem:s11+$0x19B80] =	vst.add.f32.msk $0xffff, v5  }
0x39c: {  	v8 =	vadd.s32 $0x1F02, v2;
	v5 =	vld.idx.msk [tilespmem:v3+s5+$0x0], $0xffff  }
0x39d: {  	[tilespmem:s7+$0x18A80] =	vst.add.f32.msk $0xffff, v6  }
.Ltmp2:
0x39e: {  	[tilespmem:s7+$0x1AA80] =	vst.add.f32.msk $0xffff, v6;
	(pc) =	sbr.rel @p1 .LBB2_7-.Ltmp2, $4  }
0x39f: {  	v6 =	vadd.s32 $0x7C08, v1;
	v3 =	vld.idx.msk [tilespmem:v7+s5+$0x0], $0xffff  }
0x3a0: {  	s8 =	sor.u32 s17, s13;
	s17 =	smov.u32 s15;
	s13 =	smov.u32 s18;
	[tilespmem:s12+$0x19900] =	vst.add.f32.msk $0xffff, v4  }
0x3a1: {  	s8 =	sor.u32 $0x380, s8;
	v7 =	vld.idx.msk [tilespmem:v8+s5+$0x0], $0xffff  }
0x3a2: {  	s18 =	sadd.s32 $0x10, s18;
	v4 =	vadd.s32 $0xD90E, v0;
	[tilespmem:s8+$0x17880] =	vst.add.f32.msk $0xffff, v5  }
0x3a3: {  	v8 =	vadd.s32 $0x2E83, v2;
	_ =	sdelay $0x1  }
0x3a4: {  	s8 =	sor.u32 $0x100, s16  }
0x3a5: {  	[tilespmem:s8+$0x0] =	vst.add.f32.msk $0xffff, v7  }
0x3a6: {  	[tilespmem:s12+$0x19980] =	vst.add.f32.msk $0xffff, v7  }
0x3a7: {  	v7 =	vld.idx.msk [tilespmem:v8+s5+$0x0], $0xffff;
	_ =	sdelay $0x1  }
0x3a8: {  	v8 =	vadd.s32 $0x3E04, v2;
	_ =	sdelay $0x2  }
0x3a9: {  	[tilespmem:s16+$0x180] =	vst.add.f32.msk $0xffff, v7  }
0x3aa: {  	[tilespmem:s12+$0x19A00] =	vst.add.f32.msk $0xffff, v7  }
0x3ab: {  	v7 =	vld.idx.msk [tilespmem:v8+s5+$0x0], $0xffff;
	_ =	sdelay $0x1  }
0x3ac: {  	v8 =	vadd.s32 $0x4D85, v2;
	_ =	sdelay $0x1  }
0x3ad: {  	s15 =	sor.u32 $0x200, s16  }
0x3ae: {  	[tilespmem:s15+$0x0] =	vst.add.f32.msk $0xffff, v7  }
0x3af: {  	[tilespmem:s12+$0x19A80] =	vst.add.f32.msk $0xffff, v7  }
0x3b0: {  	v7 =	vld.idx.msk [tilespmem:v8+s5+$0x0], $0xffff;
	_ =	sdelay $0x1  }
0x3b1: {  	v8 =	vadd.s32 $0x5D06, v2;
	_ =	sdelay $0x2  }
0x3b2: {  	[tilespmem:s16+$0x280] =	vst.add.f32.msk $0xffff, v7  }
0x3b3: {  	[tilespmem:s12+$0x19B00] =	vst.add.f32.msk $0xffff, v7  }
0x3b4: {  	v7 =	vld.idx.msk [tilespmem:v8+s5+$0x0], $0xffff;
	_ =	sdelay $0x1  }
0x3b5: {  	v8 =	vadd.s32 $0x6C87, v2;
	_ =	sdelay $0x1  }
0x3b6: {  	s18 =	sor.u32 $0x300, s16  }
0x3b7: {  	[tilespmem:s18+$0x0] =	vst.add.f32.msk $0xffff, v7  }
0x3b8: {  	[tilespmem:s12+$0x19B80] =	vst.add.f32.msk $0xffff, v7  }
0x3b9: {  	v7 =	vld.idx.msk [tilespmem:v8+s5+$0x0], $0xffff;
	_ =	sdelay $0x1  }
0x3ba: {  	[tilespmem:s11+$0x19C00] =	vst.add.f32.msk $0xffff, v5;
	v5 =	vadd.s32 $0x7C08, v2  }
0x3bb: {  	s19 =	sor.u32 s17, s13;
	v6 =	vld.idx.msk [tilespmem:v6+s5+$0x0], $0xffff  }
0x3bc: {  	s8 =	sor.u32 $0x380, s19  }
0x3bd: {  	v8 =	vadd.s32 $0x8B89, v1;
	[tilespmem:s8+$0x17880] =	vst.add.f32.msk $0xffff, v7  }
0x3be: {  	[tilespmem:s12+$0x19C00] =	vst.add.f32.msk $0xffff, v7  }
0x3bf: {  	v5 =	vld.idx.msk [tilespmem:v5+s5+$0x0], $0xffff  }
0x3c0: {  	[tilespmem:s11+$0x18880] =	vst.add.f32.msk $0xffff, v6  }
0x3c1: {  	[tilespmem:s11+$0x1A880] =	vst.add.f32.msk $0xffff, v6;
	v6 =	vadd.s32 $0x8B89, v2  }
0x3c2: {  	v7 =	vld.idx.msk [tilespmem:v8+s5+$0x0], $0xffff;
	_ =	sdelay $0x1  }
0x3c3: {  	[tilespmem:s12+$0x18880] =	vst.add.f32.msk $0xffff, v5  }
0x3c4: {  	[tilespmem:s12+$0x1A880] =	vst.add.f32.msk $0xffff, v5;
	v5 =	vadd.s32 $0x9B0A, v1  }
0x3c5: {  	v6 =	vld.idx.msk [tilespmem:v6+s5+$0x0], $0xffff  }
0x3c6: {  	[tilespmem:s11+$0x18900] =	vst.add.f32.msk $0xffff, v7  }
0x3c7: {  	[tilespmem:s11+$0x1A900] =	vst.add.f32.msk $0xffff, v7;
	v7 =	vadd.s32 $0x9B0A, v2  }
0x3c8: {  	[tilespmem:s7+$0x18B00] =	vst.add.f32.msk $0xffff, v3  }
0x3c9: {  	v5 =	vld.idx.msk [tilespmem:v5+s5+$0x0], $0xffff  }
0x3ca: {  	[tilespmem:s12+$0x18900] =	vst.add.f32.msk $0xffff, v6  }
0x3cb: {  	[tilespmem:s12+$0x1A900] =	vst.add.f32.msk $0xffff, v6;
	v6 =	vadd.s32 $0xAA8B, v1  }
0x3cc: {  	v7 =	vld.idx.msk [tilespmem:v7+s5+$0x0], $0xffff  }
0x3cd: {  	[tilespmem:s7+$0x1AB00] =	vst.add.f32.msk $0xffff, v3  }
0x3ce: {  	v3 =	vadd.s32 $0xAA8B, v2;
	[tilespmem:s11+$0x18980] =	vst.add.f32.msk $0xffff, v5  }
0x3cf: {  	[tilespmem:s11+$0x1A980] =	vst.add.f32.msk $0xffff, v5  }
0x3d0: {  	v5 =	vld.idx.msk [tilespmem:v6+s5+$0x0], $0xffff  }
0x3d1: {  	[tilespmem:s12+$0x18980] =	vst.add.f32.msk $0xffff, v7  }
0x3d2: {  	v6 =	vadd.s32 $0xBA0C, v1;
	[tilespmem:s12+$0x1A980] =	vst.add.f32.msk $0xffff, v7  }
0x3d3: {  	v3 =	vld.idx.msk [tilespmem:v3+s5+$0x0], $0xffff  }
0x3d4: {  	v4 =	vld.idx.msk [tilespmem:v4+s5+$0x0], $0xffff  }
0x3d5: {  	v7 =	vadd.s32 $0xBA0C, v2;
	[tilespmem:s11+$0x18A00] =	vst.add.f32.msk $0xffff, v5  }
0x3d6: {  	[tilespmem:s11+$0x1AA00] =	vst.add.f32.msk $0xffff, v5  }
0x3d7: {  	v5 =	vld.idx.msk [tilespmem:v6+s5+$0x0], $0xffff  }
0x3d8: {  	[tilespmem:s12+$0x18A00] =	vst.add.f32.msk $0xffff, v3  }
0x3d9: {  	v6 =	vadd.s32 $0xC98D, v1;
	[tilespmem:s12+$0x1AA00] =	vst.add.f32.msk $0xffff, v3  }
0x3da: {  	v3 =	vld.idx.msk [tilespmem:v7+s5+$0x0], $0xffff  }
0x3db: {  	[tilespmem:s7+$0x18B80] =	vst.add.f32.msk $0xffff, v4  }
0x3dc: {  	v7 =	vadd.s32 $0xC98D, v2;
	[tilespmem:s11+$0x18A80] =	vst.add.f32.msk $0xffff, v5  }
0x3dd: {  	[tilespmem:s11+$0x1AA80] =	vst.add.f32.msk $0xffff, v5  }
0x3de: {  	v5 =	vld.idx.msk [tilespmem:v6+s5+$0x0], $0xffff  }
0x3df: {  	[tilespmem:s12+$0x18A80] =	vst.add.f32.msk $0xffff, v3  }
0x3e0: {  	v6 =	vadd.s32 $0xD90E, v1;
	[tilespmem:s12+$0x1AA80] =	vst.add.f32.msk $0xffff, v3  }
0x3e1: {  	v3 =	vld.idx.msk [tilespmem:v7+s5+$0x0], $0xffff  }
0x3e2: {  	[tilespmem:s7+$0x1AB80] =	vst.add.f32.msk $0xffff, v4  }
0x3e3: {  	v4 =	vadd.s32 $0xD90E, v2;
	[tilespmem:s11+$0x18B00] =	vst.add.f32.msk $0xffff, v5  }
0x3e4: {  	v0 =	vadd.s32 $0xE88F, v0;
	[tilespmem:s11+$0x1AB00] =	vst.add.f32.msk $0xffff, v5  }
0x3e5: {  	v5 =	vld.idx.msk [tilespmem:v6+s5+$0x0], $0xffff  }
0x3e6: {  	[tilespmem:s12+$0x18B00] =	vst.add.f32.msk $0xffff, v3  }
0x3e7: {  	v1 =	vadd.s32 $0xE88F, v1;
	[tilespmem:s12+$0x1AB00] =	vst.add.f32.msk $0xffff, v3  }
0x3e8: {  	v3 =	vld.idx.msk [tilespmem:v4+s5+$0x0], $0xffff  }
0x3e9: {  	v0 =	vld.idx.msk [tilespmem:v0+s5+$0x0], $0xffff  }
0x3ea: {  	v2 =	vadd.s32 $0xE88F, v2;
	[tilespmem:s11+$0x18B80] =	vst.add.f32.msk $0xffff, v5  }
0x3eb: {  	[tilespmem:s11+$0x1AB80] =	vst.add.f32.msk $0xffff, v5  }
0x3ec: {  	v1 =	vld.idx.msk [tilespmem:v1+s5+$0x0], $0xffff  }
0x3ed: {  	[tilespmem:s12+$0x18B80] =	vst.add.f32.msk $0xffff, v3  }
0x3ee: {  	[tilespmem:s12+$0x1AB80] =	vst.add.f32.msk $0xffff, v3  }
0x3ef: {  	v2 =	vld.idx.msk [tilespmem:v2+s5+$0x0], $0xffff  }
0x3f0: {  	[tilespmem:s7+$0x1AC00] =	vst.add.f32.msk $0xffff, v0  }
0x3f1: {  	[tilespmem:s7+$0x18C00] =	vst.add.f32.msk $0xffff, v0  }
0x3f2: {  	[tilespmem:s11+$0x1AC00] =	vst.add.f32.msk $0xffff, v1  }
0x3f3: {  	[tilespmem:s11+$0x18C00] =	vst.add.f32.msk $0xffff, v1  }
0x3f4: {  	[tilespmem:s12+$0x1AC00] =	vst.add.f32.msk $0xffff, v2  }
0x3f5: {  	s7 =	sadd.s32 s4, s31;
	s18 =	simm.s32 $0x17880;
	[tilespmem:s12+$0x18C00] =	vst.add.f32.msk $0xffff, v2  }
0x3f6: {  	[hbm4b:s7+s20] =	stream.strided.scatter [tilespmem:s18], [sflag:$0x7], $0x400, s21, s20, $0x38;
	[tilespmem:$0x1FC80] =	vst v63  }
0x3f7: {  	s19 =	simm.s32 $0x17C80;
	s31 =	sadd.s32 $0x80, s7  }
0x3f8: {  	[hbm4b:s31+s20] =	stream.strided.scatter [tilespmem:s19], [sflag:$0x7], $0x400, s21, s20, $0x38;
	[tilespmem:$0x1FC80] =	vst v63  }
0x3f9: {  	s11 =	sadd.s32 $0x100, s7;
	s12 =	simm.s32 $0x18080  }
0x3fa: {  	[hbm4b:s11+s20] =	stream.strided.scatter [tilespmem:s12], [sflag:$0x7], $0x400, s21, s20, $0x38;
	[tilespmem:$0x1FC80] =	vst v63  }
0x3fb: {  	s14 =	simm.s32 $0x18480;
	s13 =	sadd.s32 $0x180, s7  }
0x3fc: {  	[hbm4b:s13+s20] =	stream.strided.scatter [tilespmem:s14], [sflag:$0x7], $0x400, s21, s20, $0x38;
	[tilespmem:$0x1FC80] =	vst v63  }
0x3fd: {  	s15 =	sadd.s32 $0x100000, s7;
	s16 =	simm.s32 $0x18880  }
0x3fe: {  	[hbm4b:s15+s20] =	stream.strided.scatter [tilespmem:s16], [sflag:$0x7], $0x400, s21, s20, $0x38;
	[tilespmem:$0x1FC80] =	vst v63  }
0x3ff: {  	s17 =	sadd.s32 $0x80, s15;
	s31 =	simm.s32 $0x18C80  }
0x400: {  	[hbm4b:s17+s20] =	stream.strided.scatter [tilespmem:s31], [sflag:$0x7], $0x400, s21, s20, $0x38;
	[tilespmem:$0x1FC80] =	vst v63  }
0x401: {  	s12 =	sadd.s32 $0x100, s15;
	s13 =	simm.s32 $0x19080  }
0x402: {  	[hbm4b:s12+s20] =	stream.strided.scatter [tilespmem:s13], [sflag:$0x7], $0x400, s21, s20, $0x38;
	[tilespmem:$0x1FC80] =	vst v63  }
0x403: {  	s8 =	sadd.s32 $0x180, s15;
	s14 =	simm.s32 $0x19480  }
0x404: {  	[hbm4b:s8+s20] =	stream.strided.scatter [tilespmem:s14], [sflag:$0x7], $0x400, s21, s20, $0x38;
	[tilespmem:$0x1FC80] =	vst v63  }
0x405: {  	s15 =	sadd.s32 $0x200000, s7;
	s16 =	simm.s32 $0x19880  }
0x406: {  	[hbm4b:s15+s20] =	stream.strided.scatter [tilespmem:s16], [sflag:$0x7], $0x400, s21, s20, $0x38;
	[tilespmem:$0x1FC80] =	vst v63  }
0x407: {  	s17 =	sadd.s32 $0x80, s15;
	s31 =	simm.s32 $0x19C80  }
0x408: {  	[hbm4b:s17+s20] =	stream.strided.scatter [tilespmem:s31], [sflag:$0x7], $0x400, s21, s20, $0x38;
	[tilespmem:$0x1FC80] =	vst v63  }
0x409: {  	s13 =	sadd.s32 $0x100, s15;
	s14 =	simm.s32 $0x1A080  }
0x40a: {  	[hbm4b:s13+s20] =	stream.strided.scatter [tilespmem:s14], [sflag:$0x7], $0x400, s21, s20, $0x38;
	[tilespmem:$0x1FC80] =	vst v63  }
0x40b: {  	s8 =	sadd.s32 $0x180, s15;
	s15 =	simm.s32 $0x1A480  }
0x40c: {  	[hbm4b:s8+s20] =	stream.strided.scatter [tilespmem:s15], [sflag:$0x7], $0x400, s21, s20, $0x38;
	[tilespmem:$0x1FC80] =	vst v63  }
0x40d: {  	s7 =	sadd.s32 $0x300000, s7;
	s16 =	simm.s32 $0x1A880  }
0x40e: {  	[hbm4b:s7+s20] =	stream.strided.scatter [tilespmem:s16], [sflag:$0x7], $0x400, s21, s20, $0x38;
	[tilespmem:$0x1FC80] =	vst v63  }
0x40f: {  	s17 =	sadd.s32 $0x80, s7;
	s31 =	simm.s32 $0x1AC80  }
0x410: {  	[hbm4b:s17+s20] =	stream.strided.scatter [tilespmem:s31], [sflag:$0x7], $0x400, s21, s20, $0x38;
	[tilespmem:$0x1FC80] =	vst v63  }
0x411: {  	s12 =	sadd.s32 $0x100, s7;
	s13 =	simm.s32 $0x1B080  }
0x412: {  	[hbm4b:s12+s20] =	stream.strided.scatter [tilespmem:s13], [sflag:$0x7], $0x400, s21, s20, $0x38;
	[tilespmem:$0x1FC80] =	vst v63  }
0x413: {  	s14 =	simm.s32 $0x1B480;
	s7 =	sadd.s32 $0x180, s7  }
0x414: {  	[hbm4b:s7+s20] =	stream.strided.scatter [tilespmem:s14], [sflag:$0x7], $0x400, s21, s20, $0x38;
	[tilespmem:$0x1FC80] =	vst v63  }
0x415: {  	s6 =	sor.u32 @!p0 s6, s9;
	s9 =	simm.s32 @!p0 $0x100000;
	_ =	swait.ge [sflag:s25], $0x4000  }
0x416: {  	s11 =	simm.s32 @!p0 $0x13880;
	[sflag:s25] =	ssyncset.done $0x0;
	s7 =	rddreg [dreg:$0x8]  }
0x417: {  	s8 =	simm.s32 @!p0 $0x80;
	[sflag:s25] =	ssyncadd.s32 $0xFFFFC000;
	s7 =	sadd.s32 @!p0 s6, s7  }
0x418: {  	[tilespmem:s11], [sflag:$0x2] =	stream.strided.gather @!p0 [hbm4b:s7+s8], $0x400, s9, s8, $0x38;
	[tilespmem:$0x1FC80] =	vst v63  }
0x419: {  	s12 =	simm.s32 @!p0 $0x13C80;
	s11 =	sadd.s32 @!p0 $0x80, s7  }
0x41a: {  	[tilespmem:s12], [sflag:$0x2] =	stream.strided.gather @!p0 [hbm4b:s11+s8], $0x400, s9, s8, $0x38;
	[tilespmem:$0x1FC80] =	vst v63  }
0x41b: {  	s11 =	sadd.s32 @!p0 $0x100, s7;
	s12 =	simm.s32 @!p0 $0x14080  }
0x41c: {  	[tilespmem:s12], [sflag:$0x2] =	stream.strided.gather @!p0 [hbm4b:s11+s8], $0x400, s9, s8, $0x38;
	[tilespmem:$0x1FC80] =	vst v63  }
0x41d: {  	s11 =	sadd.s32 @!p0 $0x180, s7;
	s12 =	simm.s32 @!p0 $0x14480  }
0x41e: {  	[tilespmem:s12], [sflag:$0x2] =	stream.strided.gather @!p0 [hbm4b:s11+s8], $0x400, s9, s8, $0x38;
	[tilespmem:$0x1FC80] =	vst v63  }
0x41f: {  	s11 =	sadd.s32 @!p0 $0x100000, s7;
	s12 =	simm.s32 @!p0 $0x14880  }
0x420: {  	[tilespmem:s12], [sflag:$0x2] =	stream.strided.gather @!p0 [hbm4b:s11+s8], $0x400, s9, s8, $0x38;
	[tilespmem:$0x1FC80] =	vst v63  }
0x421: {  	s13 =	simm.s32 @!p0 $0x14C80;
	s12 =	sadd.s32 @!p0 $0x80, s11  }
0x422: {  	[tilespmem:s13], [sflag:$0x2] =	stream.strided.gather @!p0 [hbm4b:s12+s8], $0x400, s9, s8, $0x38;
	[tilespmem:$0x1FC80] =	vst v63  }
0x423: {  	s12 =	sadd.s32 @!p0 $0x100, s11;
	s13 =	simm.s32 @!p0 $0x15080  }
0x424: {  	[tilespmem:s13], [sflag:$0x2] =	stream.strided.gather @!p0 [hbm4b:s12+s8], $0x400, s9, s8, $0x38;
	[tilespmem:$0x1FC80] =	vst v63  }
0x425: {  	s11 =	sadd.s32 @!p0 $0x180, s11;
	s12 =	simm.s32 @!p0 $0x15480  }
0x426: {  	[tilespmem:s12], [sflag:$0x2] =	stream.strided.gather @!p0 [hbm4b:s11+s8], $0x400, s9, s8, $0x38;
	[tilespmem:$0x1FC80] =	vst v63  }
0x427: {  	s11 =	sadd.s32 @!p0 $0x200000, s7;
	s12 =	simm.s32 @!p0 $0x15880  }
0x428: {  	[tilespmem:s12], [sflag:$0x2] =	stream.strided.gather @!p0 [hbm4b:s11+s8], $0x400, s9, s8, $0x38;
	[tilespmem:$0x1FC80] =	vst v63  }
0x429: {  	s13 =	simm.s32 @!p0 $0x15C80;
	s12 =	sadd.s32 @!p0 $0x80, s11  }
0x42a: {  	[tilespmem:s13], [sflag:$0x2] =	stream.strided.gather @!p0 [hbm4b:s12+s8], $0x400, s9, s8, $0x38;
	[tilespmem:$0x1FC80] =	vst v63  }
0x42b: {  	s12 =	sadd.s32 @!p0 $0x100, s11;
	s13 =	simm.s32 @!p0 $0x16080  }
0x42c: {  	[tilespmem:s13], [sflag:$0x2] =	stream.strided.gather @!p0 [hbm4b:s12+s8], $0x400, s9, s8, $0x38;
	[tilespmem:$0x1FC80] =	vst v63  }
0x42d: {  	s11 =	sadd.s32 @!p0 $0x180, s11;
	s12 =	simm.s32 @!p0 $0x16480  }
0x42e: {  	[tilespmem:s12], [sflag:$0x2] =	stream.strided.gather @!p0 [hbm4b:s11+s8], $0x400, s9, s8, $0x38;
	[tilespmem:$0x1FC80] =	vst v63  }
0x42f: {  	s7 =	sadd.s32 @!p0 $0x300000, s7;
	s11 =	simm.s32 @!p0 $0x16880  }
0x430: {  	[tilespmem:s11], [sflag:$0x2] =	stream.strided.gather @!p0 [hbm4b:s7+s8], $0x400, s9, s8, $0x38;
	[tilespmem:$0x1FC80] =	vst v63  }
0x431: {  	s12 =	simm.s32 @!p0 $0x16C80;
	s11 =	sadd.s32 @!p0 $0x80, s7  }
0x432: {  	[tilespmem:s12], [sflag:$0x2] =	stream.strided.gather @!p0 [hbm4b:s11+s8], $0x400, s9, s8, $0x38;
	[tilespmem:$0x1FC80] =	vst v63  }
0x433: {  	s11 =	sadd.s32 @!p0 $0x100, s7;
	s12 =	simm.s32 @!p0 $0x17080  }
0x434: {  	[tilespmem:s12], [sflag:$0x2] =	stream.strided.gather @!p0 [hbm4b:s11+s8], $0x400, s9, s8, $0x38;
	[tilespmem:$0x1FC80] =	vst v63  }
0x435: {  	s7 =	sadd.s32 @!p0 $0x180, s7;
	s11 =	simm.s32 @!p0 $0x17480  }
0x436: {  	[tilespmem:s11], [sflag:$0x2] =	stream.strided.gather @!p0 [hbm4b:s7+s8], $0x400, s9, s8, $0x38;
	[tilespmem:$0x1FC80] =	vst v63  }
0x437: {  	s6 =	sadd.s32 @!p0 s2, s6;
	s7 =	simm.s32 @!p0 $0x400;
	s9 =	simm.s32 @!p0 $0x1F880  }
0x438: {  	[tilespmem:s9], [sflag:$0x9] =	stream.strided.gather @!p0 [hbm4b:s6+s8], $0x200, s7, s8, $0x38;
	[tilespmem:$0x1FC80] =	vst v63  }
0x439: {  	_ =	swait.ge [sflag:s10], $0x200  }
0x43a: {  	[sflag:s10] =	ssyncset.done $0x0  }
0x43b: {  	[sflag:s10] =	ssyncadd.s32 $0xFFFFFE00  }
0x43c: {  	_ =	swait.ge [sflag:s26], $0x4000  }
0x43d: {  	[sflag:s26] =	ssyncset.done $0x0  }
0x43e: {  	s15 =	simm.s32 $0x1FA80;
	[sflag:s26] =	ssyncadd.s32 $0xFFFFC000  }
0x43f: {  	v0 =	vld [tilespmem:s15+$0x0];
	_ =	sdelay $0x7  }
0x440: {  	v1 =	vld.idx.msk [tilespmem:v0+s5+$0x0], $0xffff;
	_ =	sdelay $0x1  }
0x441: {  	s8 =	simm.s32 $0x0;
	v2 =	vadd.s32 $0xF81, v0  }
0x442: {  	s16 =	sand.u32 $0x70, s8;
	s17 =	sand.u32 $0xC00, s8  }
0x443: {  	s6 =	sor.u32 s16, s17  }
0x444: {  	[tilespmem:s6+$0x1B880] =	vst.add.f32.msk $0xffff, v1  }
0x445: {  	[tilespmem:s6+$0x1D880] =	vst.add.f32.msk $0xffff, v1  }
0x446: {  	v1 =	vld.idx.msk [tilespmem:v2+s5+$0x0], $0xffff;
	_ =	sdelay $0x1  }
0x447: {  	v2 =	vadd.s32 $0x1F02, v0;
	_ =	sdelay $0x1  }
0x448: {  	s31 =	sadd.s32 $0x1B880, s6  }
0x449: {  	[tilespmem:s31+$0x80] =	vst.add.f32.msk $0xffff, v1  }
0x44a: {  	[tilespmem:s6+$0x1D900] =	vst.add.f32.msk $0xffff, v1  }
0x44b: {  	v1 =	vld.idx.msk [tilespmem:v2+s5+$0x0], $0xffff;
	_ =	sdelay $0x1  }
0x44c: {  	v2 =	vadd.s32 $0x2E83, v0;
	_ =	sdelay $0x1  }
0x44d: {  	s11 =	sor.u32 $0x100, s31  }
0x44e: {  	[tilespmem:s11+$0x0] =	vst.add.f32.msk $0xffff, v1  }
0x44f: {  	[tilespmem:s6+$0x1D980] =	vst.add.f32.msk $0xffff, v1  }
0x450: {  	v1 =	vld.idx.msk [tilespmem:v2+s5+$0x0], $0xffff;
	_ =	sdelay $0x1  }
0x451: {  	v2 =	vadd.s32 $0x3E04, v0;
	_ =	sdelay $0x2  }
0x452: {  	[tilespmem:s31+$0x180] =	vst.add.f32.msk $0xffff, v1  }
0x453: {  	[tilespmem:s6+$0x1DA00] =	vst.add.f32.msk $0xffff, v1  }
0x454: {  	v2 =	vld.idx.msk [tilespmem:v2+s5+$0x0], $0xffff;
	_ =	sdelay $0x1  }
0x455: {  	s12 =	simm.s32 $0x1FA90;
	v3 =	vadd.s32 $0x4D85, v0  }
0x456: {  	v1 =	vld [tilespmem:s12+$0x0]  }
0x457: {  	s13 =	sor.u32 $0x200, s31  }
0x458: {  	[tilespmem:s13+$0x0] =	vst.add.f32.msk $0xffff, v2  }
0x459: {  	[tilespmem:s6+$0x1DA80] =	vst.add.f32.msk $0xffff, v2  }
0x45a: {  	v2 =	vld.idx.msk [tilespmem:v3+s5+$0x0], $0xffff;
	_ =	sdelay $0x1  }
0x45b: {  	v3 =	vadd.s32 $0x5D06, v0;
	_ =	sdelay $0x1  }
0x45c: {  	v4 =	vld.idx.msk [tilespmem:v1+s5+$0x0], $0xffff  }
0x45d: {  	[tilespmem:s31+$0x280] =	vst.add.f32.msk $0xffff, v2  }
0x45e: {  	s16 =	simm.s32 $0x80;
	s15 =	simm.s32 $0x10;
	v5 =	vadd.s32 $0xF81, v1;
	[tilespmem:s6+$0x1DB00] =	vst.add.f32.msk $0xffff, v2  }
0x45f: {  	s17 =	sand.u32 $0xC00, s16;
	s14 =	sand.u32 $0x70, s15;
	v2 =	vld.idx.msk [tilespmem:v3+s5+$0x0], $0xffff  }
0x460: {  	s7 =	sor.u32 s14, s17  }
0x461: {  	[tilespmem:s7+$0x1B880] =	vst.add.f32.msk $0xffff, v4;
	v3 =	vadd.s32 $0x6C87, v0  }
0x462: {  	[tilespmem:s7+$0x1D880] =	vst.add.f32.msk $0xffff, v4  }
0x463: {  	s9 =	sor.u32 $0x300, s31;
	v4 =	vld.idx.msk [tilespmem:v5+s5+$0x0], $0xffff  }
0x464: {  	[tilespmem:s9+$0x0] =	vst.add.f32.msk $0xffff, v2  }
0x465: {  	[tilespmem:s6+$0x1DB80] =	vst.add.f32.msk $0xffff, v2;
	v2 =	vadd.s32 $0x1F02, v1  }
0x466: {  	v3 =	vld.idx.msk [tilespmem:v3+s5+$0x0], $0xffff  }
0x467: {  	s14 =	sadd.s32 $0x1B880, s7  }
0x468: {  	[tilespmem:s14+$0x80] =	vst.add.f32.msk $0xffff, v4  }
0x469: {  	s8 =	sor.u32 s8, s8;
	v5 =	vadd.s32 $0x7C08, v0;
	[tilespmem:s7+$0x1D900] =	vst.add.f32.msk $0xffff, v4  }
0x46a: {  	s8 =	sor.u32 $0x380, s8;
	v4 =	vld.idx.msk [tilespmem:v2+s5+$0x0], $0xffff  }
0x46b: {  	[tilespmem:s8+$0x1B880] =	vst.add.f32.msk $0xffff, v3  }
0x46c: {  	s12 =	simm.s32 $0x1FAA0;
	[tilespmem:s6+$0x1DC00] =	vst.add.f32.msk $0xffff, v3;
	v3 =	vadd.s32 $0x2E83, v1  }
0x46d: {  	v2 =	vld [tilespmem:s12+$0x0]  }
0x46e: {  	s31 =	sor.u32 $0x100, s14;
	v5 =	vld.idx.msk [tilespmem:v5+s5+$0x0], $0xffff  }
0x46f: {  	[tilespmem:s31+$0x0] =	vst.add.f32.msk $0xffff, v4  }
0x470: {  	[tilespmem:s7+$0x1D980] =	vst.add.f32.msk $0xffff, v4;
	v4 =	vadd.s32 $0x8B89, v0  }
0x471: {  	v3 =	vld.idx.msk [tilespmem:v3+s5+$0x0], $0xffff;
	_ =	sdelay $0x1  }
0x472: {  	v6 =	vadd.s32 $0x3E04, v1;
	[tilespmem:s6+$0x1C880] =	vst.add.f32.msk $0xffff, v5  }
0x473: {  	[tilespmem:s6+$0x1E880] =	vst.add.f32.msk $0xffff, v5  }
0x474: {  	v4 =	vld.idx.msk [tilespmem:v4+s5+$0x0], $0xffff  }
0x475: {  	[tilespmem:s14+$0x180] =	vst.add.f32.msk $0xffff, v3  }
0x476: {  	[tilespmem:s7+$0x1DA00] =	vst.add.f32.msk $0xffff, v3;
	v3 =	vadd.s32 $0x9B0A, v0  }
0x477: {  	v5 =	vld.idx.msk [tilespmem:v6+s5+$0x0], $0xffff  }
0x478: {  	v6 =	vld.idx.msk [tilespmem:v2+s5+$0x0], $0xffff  }
0x479: {  	[tilespmem:s6+$0x1C900] =	vst.add.f32.msk $0xffff, v4  }
0x47a: {  	s11 =	simm.s32 $0x20;
	s13 =	simm.s32 $0x100;
	[tilespmem:s6+$0x1E900] =	vst.add.f32.msk $0xffff, v4;
	v4 =	vadd.s32 $0x4D85, v1  }
0x47b: {  	s17 =	sand.u32 $0xC00, s13;
	s9 =	sand.u32 $0x70, s11;
	s31 =	sor.u32 $0x200, s14;
	v3 =	vld.idx.msk [tilespmem:v3+s5+$0x0], $0xffff  }
0x47c: {  	s9 =	sor.u32 s9, s17;
	[tilespmem:s31+$0x0] =	vst.add.f32.msk $0xffff, v5  }
0x47d: {  	[tilespmem:s9+$0x1B880] =	vst.add.f32.msk $0xffff, v6  }
0x47e: {  	v7 =	vadd.s32 $0xAA8B, v0;
	[tilespmem:s7+$0x1DA80] =	vst.add.f32.msk $0xffff, v5  }
0x47f: {  	v4 =	vld.idx.msk [tilespmem:v4+s5+$0x0], $0xffff  }
0x480: {  	[tilespmem:s9+$0x1D880] =	vst.add.f32.msk $0xffff, v6  }
0x481: {  	v5 =	vadd.s32 $0xF81, v2;
	[tilespmem:s6+$0x1C980] =	vst.add.f32.msk $0xffff, v3  }
0x482: {  	[tilespmem:s6+$0x1E980] =	vst.add.f32.msk $0xffff, v3;
	v3 =	vadd.s32 $0x5D06, v1  }
0x483: {  	v7 =	vld.idx.msk [tilespmem:v7+s5+$0x0], $0xffff  }
0x484: {  	[tilespmem:s14+$0x280] =	vst.add.f32.msk $0xffff, v4  }
0x485: {  	v6 =	vadd.s32 $0xBA0C, v0;
	[tilespmem:s7+$0x1DB00] =	vst.add.f32.msk $0xffff, v4  }
0x486: {  	v4 =	vld.idx.msk [tilespmem:v5+s5+$0x0], $0xffff  }
0x487: {  	v3 =	vld.idx.msk [tilespmem:v3+s5+$0x0], $0xffff  }
0x488: {  	[tilespmem:s6+$0x1CA00] =	vst.add.f32.msk $0xffff, v7  }
0x489: {  	[tilespmem:s6+$0x1EA00] =	vst.add.f32.msk $0xffff, v7  }
0x48a: {  	s17 =	sor.u32 $0x300, s14;
	s14 =	sadd.s32 $0x1B880, s9;
	v5 =	vadd.s32 $0x6C87, v1;
	v6 =	vld.idx.msk [tilespmem:v6+s5+$0x0], $0xffff  }
0x48b: {  	[tilespmem:s14+$0x80] =	vst.add.f32.msk $0xffff, v4  }
0x48c: {  	[tilespmem:s17+$0x0] =	vst.add.f32.msk $0xffff, v3  }
0x48d: {  	v7 =	vadd.s32 $0xC98D, v0;
	[tilespmem:s9+$0x1D900] =	vst.add.f32.msk $0xffff, v4  }
0x48e: {  	v8 =	vadd.s32 $0x1F02, v2;
	[tilespmem:s7+$0x1DB80] =	vst.add.f32.msk $0xffff, v3  }
0x48f: {  	v5 =	vld.idx.msk [tilespmem:v5+s5+$0x0], $0xffff  }
0x490: {  	[tilespmem:s6+$0x1CA80] =	vst.add.f32.msk $0xffff, v6  }
0x491: {  	[tilespmem:s6+$0x1EA80] =	vst.add.f32.msk $0xffff, v6;
	v6 =	vadd.s32 $0x7C08, v1  }
0x492: {  	s31 =	sor.u32 s16, s15;
	v3 =	vld.idx.msk [tilespmem:v7+s5+$0x0], $0xffff  }
0x493: {  	s8 =	sor.u32 $0x380, s31;
	v7 =	vld.idx.msk [tilespmem:v8+s5+$0x0], $0xffff  }
0x494: {  	s16 =	simm.s32 $0x30;
	s15 =	simm.s32 $0x100;
	v4 =	vadd.s32 $0xD90E, v0;
	[tilespmem:s8+$0x1B880] =	vst.add.f32.msk $0xffff, v5  }
.LBB2_9:
0x495: {  	p0 =	sne.s32 s16, $0x1F0;
	[tilespmem:s7+$0x1DC00] =	vst.add.f32.msk $0xffff, v5  }
0x496: {  	v5 =	vld.idx.msk [tilespmem:v6+s5+$0x0], $0xffff  }
0x497: {  	[tilespmem:s6+$0x1CB00] =	vst.add.f32.msk $0xffff, v3  }
0x498: {  	v6 =	vadd.s32 $0x2E83, v2;
	[tilespmem:s6+$0x1EB00] =	vst.add.f32.msk $0xffff, v3  }
0x499: {  	s12 =	sadd.s32 $0x10, s12;
	v3 =	vld.idx.msk [tilespmem:v4+s5+$0x0], $0xffff  }
0x49a: {  	s8 =	sor.u32 $0x100, s14;
	v4 =	vld [tilespmem:s12+$0x0]  }
0x49b: {  	[tilespmem:s8+$0x0] =	vst.add.f32.msk $0xffff, v7  }
0x49c: {  	[tilespmem:s9+$0x1D980] =	vst.add.f32.msk $0xffff, v7;
	v7 =	vadd.s32 $0xE88F, v0;
	v0 =	vmov v1;
	v1 =	vmov v2  }
0x49d: {  	v6 =	vld.idx.msk [tilespmem:v6+s5+$0x0], $0xffff  }
0x49e: {  	v8 =	vadd.s32 $0x8B89, v0;
	[tilespmem:s7+$0x1C880] =	vst.add.f32.msk $0xffff, v5  }
0x49f: {  	[tilespmem:s6+$0x1CB80] =	vst.add.f32.msk $0xffff, v3;
	v2 =	vmov v4  }
0x4a0: {  	[tilespmem:s6+$0x1EB80] =	vst.add.f32.msk $0xffff, v3  }
0x4a1: {  	v3 =	vld.idx.msk [tilespmem:v7+s5+$0x0], $0xffff  }
0x4a2: {  	[tilespmem:s7+$0x1E880] =	vst.add.f32.msk $0xffff, v5  }
0x4a3: {  	v4 =	vadd.s32 $0x3E04, v1;
	v5 =	vld.idx.msk [tilespmem:v8+s5+$0x0], $0xffff  }
0x4a4: {  	v7 =	vld.idx.msk [tilespmem:v2+s5+$0x0], $0xffff  }
0x4a5: {  	[tilespmem:s14+$0x180] =	vst.add.f32.msk $0xffff, v6  }
0x4a6: {  	[tilespmem:s9+$0x1DA00] =	vst.add.f32.msk $0xffff, v6;
	v6 =	vadd.s32 $0x9B0A, v0  }
0x4a7: {  	[tilespmem:s6+$0x1EC00] =	vst.add.f32.msk $0xffff, v3  }
0x4a8: {  	v4 =	vld.idx.msk [tilespmem:v4+s5+$0x0], $0xffff  }
0x4a9: {  	[tilespmem:s7+$0x1C900] =	vst.add.f32.msk $0xffff, v5  }
0x4aa: {  	s13 =	sadd.s32 $0x80, s13;
	[tilespmem:s7+$0x1E900] =	vst.add.f32.msk $0xffff, v5  }
0x4ab: {  	s17 =	sand.u32 $0xC00, s13;
	s8 =	sand.u32 $0x70, s16;
	v5 =	vadd.s32 $0x4D85, v1;
	v6 =	vld.idx.msk [tilespmem:v6+s5+$0x0], $0xffff  }
0x4ac: {  	[tilespmem:s6+$0x1CC00] =	vst.add.f32.msk $0xffff, v3;
	s6 =	smov.u32 s7;
	s7 =	smov.u32 s9;
	s9 =	sor.u32 s8, s17  }
0x4ad: {  	s8 =	sor.u32 $0x200, s14;
	[tilespmem:s9+$0x1B880] =	vst.add.f32.msk $0xffff, v7  }
0x4ae: {  	v3 =	vadd.s32 $0xAA8B, v0;
	[tilespmem:s8+$0x0] =	vst.add.f32.msk $0xffff, v4  }
0x4af: {  	[tilespmem:s7+$0x1DA80] =	vst.add.f32.msk $0xffff, v4  }
0x4b0: {  	v4 =	vadd.s32 $0xF81, v2;
	v5 =	vld.idx.msk [tilespmem:v5+s5+$0x0], $0xffff  }
0x4b1: {  	[tilespmem:s6+$0x1C980] =	vst.add.f32.msk $0xffff, v6  }
0x4b2: {  	[tilespmem:s6+$0x1E980] =	vst.add.f32.msk $0xffff, v6  }
0x4b3: {  	v6 =	vadd.s32 $0x5D06, v1;
	v3 =	vld.idx.msk [tilespmem:v3+s5+$0x0], $0xffff  }
0x4b4: {  	[tilespmem:s9+$0x1D880] =	vst.add.f32.msk $0xffff, v7  }
0x4b5: {  	v4 =	vld.idx.msk [tilespmem:v4+s5+$0x0], $0xffff  }
0x4b6: {  	v7 =	vadd.s32 $0xBA0C, v0;
	[tilespmem:s14+$0x280] =	vst.add.f32.msk $0xffff, v5  }
0x4b7: {  	[tilespmem:s7+$0x1DB00] =	vst.add.f32.msk $0xffff, v5  }
0x4b8: {  	v5 =	vld.idx.msk [tilespmem:v6+s5+$0x0], $0xffff  }
0x4b9: {  	[tilespmem:s6+$0x1CA00] =	vst.add.f32.msk $0xffff, v3  }
0x4ba: {  	[tilespmem:s6+$0x1EA00] =	vst.add.f32.msk $0xffff, v3  }
0x4bb: {  	v3 =	vadd.s32 $0x6C87, v1;
	v6 =	vld.idx.msk [tilespmem:v7+s5+$0x0], $0xffff  }
0x4bc: {  	s8 =	sadd.s32 $0x1B880, s9  }
0x4bd: {  	s17 =	sor.u32 $0x300, s14;
	s14 =	smov.u32 s8;
	[tilespmem:s8+$0x80] =	vst.add.f32.msk $0xffff, v4  }
0x4be: {  	v7 =	vadd.s32 $0xC98D, v0;
	[tilespmem:s17+$0x0] =	vst.add.f32.msk $0xffff, v5  }
0x4bf: {  	[tilespmem:s7+$0x1DB80] =	vst.add.f32.msk $0xffff, v5  }
0x4c0: {  	v8 =	vadd.s32 $0x1F02, v2;
	v5 =	vld.idx.msk [tilespmem:v3+s5+$0x0], $0xffff  }
0x4c1: {  	[tilespmem:s6+$0x1CA80] =	vst.add.f32.msk $0xffff, v6  }
.Ltmp3:
0x4c2: {  	[tilespmem:s6+$0x1EA80] =	vst.add.f32.msk $0xffff, v6;
	(pc) =	sbr.rel @p0 .LBB2_9-.Ltmp3, $4  }
0x4c3: {  	v6 =	vadd.s32 $0x7C08, v1;
	v3 =	vld.idx.msk [tilespmem:v7+s5+$0x0], $0xffff  }
0x4c4: {  	s8 =	sor.u32 s15, s11;
	s15 =	smov.u32 s13;
	s11 =	smov.u32 s16;
	[tilespmem:s9+$0x1D900] =	vst.add.f32.msk $0xffff, v4  }
0x4c5: {  	s8 =	sor.u32 $0x380, s8;
	v7 =	vld.idx.msk [tilespmem:v8+s5+$0x0], $0xffff  }
0x4c6: {  	s16 =	sadd.s32 $0x10, s16;
	v4 =	vadd.s32 $0xD90E, v0;
	[tilespmem:s8+$0x1B880] =	vst.add.f32.msk $0xffff, v5  }
0x4c7: {  	v8 =	vadd.s32 $0x2E83, v2;
	_ =	sdelay $0x1  }
0x4c8: {  	s8 =	sor.u32 $0x100, s14  }
0x4c9: {  	[tilespmem:s8+$0x0] =	vst.add.f32.msk $0xffff, v7  }
0x4ca: {  	[tilespmem:s9+$0x1D980] =	vst.add.f32.msk $0xffff, v7  }
0x4cb: {  	v7 =	vld.idx.msk [tilespmem:v8+s5+$0x0], $0xffff;
	_ =	sdelay $0x1  }
0x4cc: {  	v44 =	vadd.s32 $0x3E04, v2;
	_ =	sdelay $0x2  }
0x4cd: {  	[tilespmem:s14+$0x180] =	vst.add.f32.msk $0xffff, v7  }
0x4ce: {  	[tilespmem:s9+$0x1DA00] =	vst.add.f32.msk $0xffff, v7  }
0x4cf: {  	v7 =	vld.idx.msk [tilespmem:v44+s5+$0x0], $0xffff;
	_ =	sdelay $0x1  }
0x4d0: {  	v45 =	vadd.s32 $0x4D85, v2;
	_ =	sdelay $0x1  }
0x4d1: {  	s16 =	sor.u32 $0x200, s14  }
0x4d2: {  	[tilespmem:s16+$0x0] =	vst.add.f32.msk $0xffff, v7  }
0x4d3: {  	[tilespmem:s9+$0x1DA80] =	vst.add.f32.msk $0xffff, v7  }
0x4d4: {  	v7 =	vld.idx.msk [tilespmem:v45+s5+$0x0], $0xffff;
	_ =	sdelay $0x1  }
0x4d5: {  	v46 =	vadd.s32 $0x5D06, v2;
	_ =	sdelay $0x2  }
0x4d6: {  	[tilespmem:s14+$0x280] =	vst.add.f32.msk $0xffff, v7  }
0x4d7: {  	[tilespmem:s9+$0x1DB00] =	vst.add.f32.msk $0xffff, v7  }
0x4d8: {  	v7 =	vld.idx.msk [tilespmem:v46+s5+$0x0], $0xffff;
	_ =	sdelay $0x1  }
0x4d9: {  	v47 =	vadd.s32 $0x6C87, v2;
	_ =	sdelay $0x1  }
0x4da: {  	s17 =	sor.u32 $0x300, s14  }
0x4db: {  	[tilespmem:s17+$0x0] =	vst.add.f32.msk $0xffff, v7  }
0x4dc: {  	[tilespmem:s9+$0x1DB80] =	vst.add.f32.msk $0xffff, v7  }
0x4dd: {  	v7 =	vld.idx.msk [tilespmem:v47+s5+$0x0], $0xffff;
	_ =	sdelay $0x1  }
0x4de: {  	v48 =	vadd.s32 $0x7C08, v2  }
0x4df: {  	[tilespmem:s7+$0x1DC00] =	vst.add.f32.msk $0xffff, v5;
	s31 =	sor.u32 s15, s11  }
0x4e0: {  	v6 =	vld.idx.msk [tilespmem:v6+s5+$0x0], $0xffff;
	s8 =	sor.u32 $0x380, s31  }
0x4e1: {  	[tilespmem:s8+$0x1B880] =	vst.add.f32.msk $0xffff, v7  }
0x4e2: {  	v49 =	vadd.s32 $0x8B89, v1;
	[tilespmem:s9+$0x1DC00] =	vst.add.f32.msk $0xffff, v7  }
0x4e3: {  	v5 =	vld.idx.msk [tilespmem:v48+s5+$0x0], $0xffff;
	_ =	sdelay $0x1  }
0x4e4: {  	v50 =	vadd.s32 $0x8B89, v2;
	[tilespmem:s7+$0x1C880] =	vst.add.f32.msk $0xffff, v6  }
0x4e5: {  	[tilespmem:s7+$0x1E880] =	vst.add.f32.msk $0xffff, v6  }
0x4e6: {  	v51 =	vld.idx.msk [tilespmem:v49+s5+$0x0], $0xffff  }
0x4e7: {  	[tilespmem:s9+$0x1C880] =	vst.add.f32.msk $0xffff, v5  }
0x4e8: {  	v52 =	vadd.s32 $0x9B0A, v1;
	[tilespmem:s9+$0x1E880] =	vst.add.f32.msk $0xffff, v5  }
0x4e9: {  	v6 =	vld.idx.msk [tilespmem:v50+s5+$0x0], $0xffff  }
0x4ea: {  	[tilespmem:s6+$0x1CB00] =	vst.add.f32.msk $0xffff, v3  }
0x4eb: {  	v53 =	vadd.s32 $0x9B0A, v2;
	[tilespmem:s7+$0x1C900] =	vst.add.f32.msk $0xffff, v51  }
0x4ec: {  	[tilespmem:s7+$0x1E900] =	vst.add.f32.msk $0xffff, v51  }
0x4ed: {  	v5 =	vld.idx.msk [tilespmem:v52+s5+$0x0], $0xffff  }
0x4ee: {  	[tilespmem:s9+$0x1C900] =	vst.add.f32.msk $0xffff, v6  }
0x4ef: {  	v54 =	vadd.s32 $0xAA8B, v1;
	[tilespmem:s9+$0x1E900] =	vst.add.f32.msk $0xffff, v6  }
0x4f0: {  	v7 =	vld.idx.msk [tilespmem:v53+s5+$0x0], $0xffff  }
0x4f1: {  	[tilespmem:s6+$0x1EB00] =	vst.add.f32.msk $0xffff, v3  }
0x4f2: {  	v55 =	vadd.s32 $0xAA8B, v2;
	[tilespmem:s7+$0x1C980] =	vst.add.f32.msk $0xffff, v5  }
0x4f3: {  	[tilespmem:s7+$0x1E980] =	vst.add.f32.msk $0xffff, v5  }
0x4f4: {  	v5 =	vld.idx.msk [tilespmem:v54+s5+$0x0], $0xffff  }
0x4f5: {  	[tilespmem:s9+$0x1C980] =	vst.add.f32.msk $0xffff, v7  }
0x4f6: {  	v56 =	vadd.s32 $0xBA0C, v1;
	[tilespmem:s9+$0x1E980] =	vst.add.f32.msk $0xffff, v7  }
0x4f7: {  	v3 =	vld.idx.msk [tilespmem:v55+s5+$0x0], $0xffff  }
0x4f8: {  	v4 =	vld.idx.msk [tilespmem:v4+s5+$0x0], $0xffff  }
0x4f9: {  	v57 =	vadd.s32 $0xBA0C, v2;
	[tilespmem:s7+$0x1CA00] =	vst.add.f32.msk $0xffff, v5  }
0x4fa: {  	[tilespmem:s7+$0x1EA00] =	vst.add.f32.msk $0xffff, v5  }
0x4fb: {  	v5 =	vld.idx.msk [tilespmem:v56+s5+$0x0], $0xffff  }
0x4fc: {  	[tilespmem:s9+$0x1CA00] =	vst.add.f32.msk $0xffff, v3  }
0x4fd: {  	v58 =	vadd.s32 $0xC98D, v1;
	[tilespmem:s9+$0x1EA00] =	vst.add.f32.msk $0xffff, v3  }
0x4fe: {  	v3 =	vld.idx.msk [tilespmem:v57+s5+$0x0], $0xffff  }
0x4ff: {  	[tilespmem:s6+$0x1CB80] =	vst.add.f32.msk $0xffff, v4  }
0x500: {  	v59 =	vadd.s32 $0xC98D, v2;
	[tilespmem:s7+$0x1CA80] =	vst.add.f32.msk $0xffff, v5  }
0x501: {  	[tilespmem:s7+$0x1EA80] =	vst.add.f32.msk $0xffff, v5  }
0x502: {  	v5 =	vld.idx.msk [tilespmem:v58+s5+$0x0], $0xffff  }
0x503: {  	[tilespmem:s9+$0x1CA80] =	vst.add.f32.msk $0xffff, v3  }
0x504: {  	v60 =	vadd.s32 $0xD90E, v1;
	[tilespmem:s9+$0x1EA80] =	vst.add.f32.msk $0xffff, v3  }
0x505: {  	v3 =	vld.idx.msk [tilespmem:v59+s5+$0x0], $0xffff  }
0x506: {  	[tilespmem:s6+$0x1EB80] =	vst.add.f32.msk $0xffff, v4  }
0x507: {  	v61 =	vadd.s32 $0xD90E, v2;
	[tilespmem:s7+$0x1CB00] =	vst.add.f32.msk $0xffff, v5  }
0x508: {  	v0 =	vadd.s32 $0xE88F, v0;
	[tilespmem:s7+$0x1EB00] =	vst.add.f32.msk $0xffff, v5  }
0x509: {  	v5 =	vld.idx.msk [tilespmem:v60+s5+$0x0], $0xffff  }
0x50a: {  	[tilespmem:s9+$0x1CB00] =	vst.add.f32.msk $0xffff, v3  }
0x50b: {  	v62 =	vadd.s32 $0xE88F, v1;
	[tilespmem:s9+$0x1EB00] =	vst.add.f32.msk $0xffff, v3  }
0x50c: {  	v3 =	vld.idx.msk [tilespmem:v61+s5+$0x0], $0xffff  }
0x50d: {  	v0 =	vld.idx.msk [tilespmem:v0+s5+$0x0], $0xffff  }
0x50e: {  	v63 =	vadd.s32 $0xE88F, v2;
	[tilespmem:s7+$0x1CB80] =	vst.add.f32.msk $0xffff, v5  }
0x50f: {  	[tilespmem:s7+$0x1EB80] =	vst.add.f32.msk $0xffff, v5  }
0x510: {  	v1 =	vld.idx.msk [tilespmem:v62+s5+$0x0], $0xffff  }
0x511: {  	[tilespmem:s9+$0x1CB80] =	vst.add.f32.msk $0xffff, v3  }
0x512: {  	[tilespmem:s9+$0x1EB80] =	vst.add.f32.msk $0xffff, v3  }
0x513: {  	v2 =	vld.idx.msk [tilespmem:v63+s5+$0x0], $0xffff  }
0x514: {  	[tilespmem:s6+$0x1EC00] =	vst.add.f32.msk $0xffff, v0  }
0x515: {  	[tilespmem:s6+$0x1CC00] =	vst.add.f32.msk $0xffff, v0  }
0x516: {  	[tilespmem:s7+$0x1EC00] =	vst.add.f32.msk $0xffff, v1  }
0x517: {  	[tilespmem:s7+$0x1CC00] =	vst.add.f32.msk $0xffff, v1  }
0x518: {  	[tilespmem:s9+$0x1EC00] =	vst.add.f32.msk $0xffff, v2  }
0x519: {  	s3 =	sadd.s32 s4, s3;
	s11 =	simm.s32 $0x1B880;
	[tilespmem:s9+$0x1CC00] =	vst.add.f32.msk $0xffff, v2  }
0x51a: {  	[hbm4b:s3+s20] =	stream.strided.scatter [tilespmem:s11], [sflag:$0x8], $0x400, s21, s20, $0x38;
	[tilespmem:$0x1FC80] =	vst v63  }
0x51b: {  	s13 =	simm.s32 $0x1BC80;
	s12 =	sadd.s32 $0x80, s3  }
0x51c: {  	[hbm4b:s12+s20] =	stream.strided.scatter [tilespmem:s13], [sflag:$0x8], $0x400, s21, s20, $0x38;
	[tilespmem:$0x1FC80] =	vst v63  }
0x51d: {  	s15 =	simm.s32 $0x1C080;
	s14 =	sadd.s32 $0x100, s3  }
0x51e: {  	[hbm4b:s14+s20] =	stream.strided.scatter [tilespmem:s15], [sflag:$0x8], $0x400, s21, s20, $0x38;
	[tilespmem:$0x1FC80] =	vst v63  }
0x51f: {  	s16 =	sadd.s32 $0x180, s3;
	s17 =	simm.s32 $0x1C480  }
0x520: {  	[hbm4b:s16+s20] =	stream.strided.scatter [tilespmem:s17], [sflag:$0x8], $0x400, s21, s20, $0x38;
	[tilespmem:$0x1FC80] =	vst v63  }
0x521: {  	s31 =	sadd.s32 $0x100000, s3;
	s8 =	simm.s32 $0x1C880  }
0x522: {  	[hbm4b:s31+s20] =	stream.strided.scatter [tilespmem:s8], [sflag:$0x8], $0x400, s21, s20, $0x38;
	[tilespmem:$0x1FC80] =	vst v63  }
0x523: {  	s9 =	sadd.s32 $0x80, s31;
	s11 =	simm.s32 $0x1CC80  }
0x524: {  	[hbm4b:s9+s20] =	stream.strided.scatter [tilespmem:s11], [sflag:$0x8], $0x400, s21, s20, $0x38;
	[tilespmem:$0x1FC80] =	vst v63  }
0x525: {  	s12 =	sadd.s32 $0x100, s31;
	s13 =	simm.s32 $0x1D080  }
0x526: {  	[hbm4b:s12+s20] =	stream.strided.scatter [tilespmem:s13], [sflag:$0x8], $0x400, s21, s20, $0x38;
	[tilespmem:$0x1FC80] =	vst v63  }
0x527: {  	s6 =	sadd.s32 $0x180, s31;
	s14 =	simm.s32 $0x1D480  }
0x528: {  	[hbm4b:s6+s20] =	stream.strided.scatter [tilespmem:s14], [sflag:$0x8], $0x400, s21, s20, $0x38;
	[tilespmem:$0x1FC80] =	vst v63  }
0x529: {  	s15 =	sadd.s32 $0x200000, s3;
	s16 =	simm.s32 $0x1D880  }
0x52a: {  	[hbm4b:s15+s20] =	stream.strided.scatter [tilespmem:s16], [sflag:$0x8], $0x400, s21, s20, $0x38;
	[tilespmem:$0x1FC80] =	vst v63  }
0x52b: {  	s17 =	sadd.s32 $0x80, s15;
	s31 =	simm.s32 $0x1DC80  }
0x52c: {  	[hbm4b:s17+s20] =	stream.strided.scatter [tilespmem:s31], [sflag:$0x8], $0x400, s21, s20, $0x38;
	[tilespmem:$0x1FC80] =	vst v63  }
0x52d: {  	s9 =	sadd.s32 $0x100, s15;
	s11 =	simm.s32 $0x1E080  }
0x52e: {  	[hbm4b:s9+s20] =	stream.strided.scatter [tilespmem:s11], [sflag:$0x8], $0x400, s21, s20, $0x38;
	[tilespmem:$0x1FC80] =	vst v63  }
0x52f: {  	s12 =	simm.s32 $0x1E480;
	s6 =	sadd.s32 $0x180, s15  }
0x530: {  	[hbm4b:s6+s20] =	stream.strided.scatter [tilespmem:s12], [sflag:$0x8], $0x400, s21, s20, $0x38;
	[tilespmem:$0x1FC80] =	vst v63  }
0x531: {  	s30 =	sadd.s32 $0x1, s30;
	s3 =	sadd.s32 $0x300000, s3;
	s13 =	simm.s32 $0x1E880  }
0x532: {  	[hbm4b:s3+s20] =	stream.strided.scatter [tilespmem:s13], [sflag:$0x8], $0x400, s21, s20, $0x38;
	[tilespmem:$0x1FC80] =	vst v63  }
0x533: {  	p0 =	sne.s32 s30, $0x10;
	s14 =	sadd.s32 $0x80, s3;
	s15 =	simm.s32 $0x1EC80  }
0x534: {  	[hbm4b:s14+s20] =	stream.strided.scatter [tilespmem:s15], [sflag:$0x8], $0x400, s21, s20, $0x38;
	[tilespmem:$0x1FC80] =	vst v63  }
.Ltmp4:
0x535: {  	_ = 	snop;
	(pc) =	sbr.rel @p0 .LBB2_2-.Ltmp4, $4  }
0x536: {  	s16 =	sadd.s32 $0x100, s3;
	s17 =	simm.s32 $0x1F080  }
0x537: {  	[hbm4b:s16+s20] =	stream.strided.scatter [tilespmem:s17], [sflag:$0x8], $0x400, s21, s20, $0x38;
	[tilespmem:$0x1FC80] =	vst v63  }
0x538: {  	s31 =	simm.s32 $0x1F480;
	s3 =	sadd.s32 $0x180, s3  }
0x539: {  	[hbm4b:s3+s20] =	stream.strided.scatter [tilespmem:s31], [sflag:$0x8], $0x400, s21, s20, $0x38;
	[tilespmem:$0x1FC80] =	vst v63  }
0x53a: {  	s3 =	simm.s32 $0x7  }
0x53b: {  	_ =	swait.ge [sflag:s3], $0x4000  }
0x53c: {  	[sflag:s3] =	ssyncset.done $0x0  }
0x53d: {  	s6 =	simm.s32 $0x8;
	[sflag:s3] =	ssyncadd.s32 $0xFFFFC000  }
0x53e: {  	_ =	swait.ge [sflag:s6], $0x4000  }
0x53f: {  	s7 =	sld [smem:$0x7F3];
	_ =	sdelay $0x2  }
0x540: {  	s31 =	rddreg [dreg:$0xb];
	s7 =	sadd.s32 $0x1, s7  }
0x541: {  	p0 =	sne.s32 s7, s31  }
.Ltmp5:
0x542: {  	_ = 	snop;
	(pc) =	sbr.rel @p0 .LBB2_1-.Ltmp5, $3  }
0x543: {  	_ =	sdelay $0x1  }
0x544: {  	[sflag:s6] =	ssyncset.done $0x0  }
0x545: {  	[sflag:s6] =	ssyncadd.s32 $0xFFFFC000  }
0x546: {  	_ =	sfence.sel $0x180000  }
0x547: {  	[bflag:$0x0] =	sbarrier.arrive $0xFFFF  }
0x548: {  	_ =	strace $0x90000047  }
0x549: {  	s0 =	stileid.u32;
	[bflag:$0x2] =	sbarrier.arrive $0xFFFF  }
0x54a: {  	p0 =	sne.s32 s0, $0x0;
	s0 =	rddreg [dreg:$0x4]  }
0x54b: {  	s0 =	sadd.s32 @!p0 $0x100000, s0  }
0x54c: {  	[sflag:s0] =	ssyncadd.tile.s32 @!p0 $0x1;
	_ =	shalt  }
.Lfunc_end2:
_tile_overlayer_lowered:
.L_overlay_start_2:
0x54d: {  	(tag) =	ssettag $0x2  }
0x54e: {  	s0 =	rddreg [dreg:$0x0];
	s2 =	stileid.u32  }
0x54f: {  	s1 =	rddreg [dreg:$0x1];
	p0 =	sne.s32 s2, $0x0  }
0x550: {  	s3 =	rddreg [dreg:$0x2];
	[bflag:$0x3] =	sbarrier.arrive $0xFFFF;
	s2 =	simm.s32 @!p0 $0x1C0B  }
0x551: {  	[timem:s3], [sflag:s2] =	dma.local @!p0 [hbm:s0], s1  }
0x552: {  	s0 =	simm.s32 @!p0 $0xB  }
0x553: {  	_ =	swait.ge @!p0 [sflag:s0], s1  }
0x554: {  	s1 =	ssub.s32 @!p0 $0x0, s1;
	[sflag:s0] =	ssyncset.done @!p0 $0x0  }
0x555: {  	[sflag:s0] =	ssyncadd.s32 @!p0 s1  }
0x556: {  	[bflag:$0x3] =	sbarrier.arrive $0xFFFF  }
0x557: {  	_ =	shalt  }

</sc_bundles>
